<compile_context>
chip_gen: v7x
topology: tpu7x:2x2x1
jax: 0.10.2.dev20260603
libtpu: 0.0.44.dev20260713+nightly
codegen_flags: <defaults>
</compile_context>

<pallas_src>
import functools

import jax
import jax.numpy as jnp
from jax import lax
from jax.experimental import pallas as pl
from jax.experimental.pallas import tpu as pltpu
from jax.experimental.pallas import tpu_sc as plsc

D = 32
MU = 3.5
L = 16
N_ROWS = 1000000
BLKS = N_ROWS // 128
TAIL0 = BLKS * 128
EPB = 4


@functools.cache
def _build_dots(B: int):
    info = plsc.get_sparse_core_info()
    NC, NS = info.num_cores, info.num_subcores
    NW = NC * NS
    assert B % (8 * NW) == 0
    bpw = B // NW

    mesh = plsc.VectorSubcoreMesh(core_axis_name="c", subcore_axis_name="s")

    @functools.partial(
        pl.kernel,
        out_type=jax.ShapeDtypeStruct((B,), jnp.float32),
        mesh=mesh,
        compiler_params=pltpu.CompilerParams(
            needs_layout_passes=False, use_tc_tiling_on_sc=True),
        scratch_types=[
            pltpu.VMEM((bpw + L,), jnp.int32),
            pltpu.VMEM((bpw + L,), jnp.int32),
            pltpu.VMEM((2, 2, EPB, D, 128), jnp.float32),
            pltpu.VMEM((16, 128), jnp.float32),
            pltpu.VMEM((16, 128), jnp.float32),
            pltpu.VMEM((bpw,), jnp.float32),
            pltpu.VMEM((32,), jnp.float32),
            pltpu.SemaphoreType.DMA,
            pltpu.SemaphoreType.DMA,
            pltpu.SemaphoreType.DMA,
        ],
    )
    def k(uidx_hbm, iidx_hbm, eut_hbm, eit_hbm, tu_hbm, ti_hbm, out_hbm,
          uidx_v, iidx_v, stage_v, tu_v, ti_v, out_v, tmp_v,
          ssem, sem0, sem1):
        wid = lax.axis_index("s") * NC + lax.axis_index("c")
        base = wid * bpw
        pltpu.sync_copy(uidx_hbm.at[pl.ds(base, bpw)], uidx_v.at[pl.ds(0, bpw)])
        pltpu.sync_copy(iidx_hbm.at[pl.ds(base, bpw)], iidx_v.at[pl.ds(0, bpw)])
        sc = [
            pltpu.async_copy(tu_hbm, tu_v, ssem),
            pltpu.async_copy(ti_hbm, ti_v, ssem),
        ]

        iota = lax.iota(jnp.int32, L)
        esel = iota >> 2
        dsub = iota & 3
        zero16 = jnp.zeros((L,), jnp.int32)

        def fire(b, buf, sem):
            iu = uidx_v[pl.ds(b * EPB, L)]
            ii = iidx_v[pl.ds(b * EPB, L)]
            for tbl, iv in ((0, iu), (1, ii)):
                src = eut_hbm if tbl == 0 else eit_hbm
                for e in range(EPB):
                    idx = iv[e]
                    c = jnp.minimum(idx >> 7, BLKS - 1)
                    col = pl.multiple_of(c * 128, 128)
                    pltpu.async_copy(
                        src.at[:, pl.ds(col, 128)],
                        stage_v.at[buf, tbl, e], sem)

        def drain(buf, sem):
            for _ in range(2 * EPB):
                pltpu.make_async_copy(
                    eut_hbm.at[:, pl.ds(0, 128)],
                    stage_v.at[buf, 0, 0], sem).wait()

        def lanevec(iv, fn):
            s = [fn(iv[e]) for e in range(EPB)]
            v = jnp.broadcast_to(s[0], (L,))
            for e in range(1, EPB):
                v = jnp.where(esel == e, s[e], v)
            return v

        def compute(b, buf):
            iu = uidx_v[pl.ds(b * EPB, L)]
            ii = iidx_v[pl.ds(b * EPB, L)]
            lu = lanevec(iu, lambda x: x & 127)
            li = lanevec(ii, lambda x: x & 127)
            tu = lanevec(iu, lambda x: jnp.clip(x - TAIL0, 0, 63))
            ti = lanevec(ii, lambda x: jnp.clip(x - TAIL0, 0, 63))
            mu = lanevec(iu, lambda x: (x >= TAIL0).astype(jnp.int32)) > 0
            mi = lanevec(ii, lambda x: (x >= TAIL0).astype(jnp.int32)) > 0
            bufv = jnp.full((L,), buf, jnp.int32)
            acc = jnp.zeros((L,), jnp.float32)
            for kk in range(8):
                d = dsub + 4 * kk
                uval = plsc.load_gather(
                    stage_v, [bufv, zero16, esel, d, lu])
                ival = plsc.load_gather(
                    stage_v, [bufv, zero16 + 1, esel, d, li])
                fu = tu * D + d
                fi = ti * D + d
                utail = plsc.load_gather(tu_v, [fu >> 7, fu & 127])
                itail = plsc.load_gather(ti_v, [fi >> 7, fi & 127])
                uval = jnp.where(mu, utail, uval)
                ival = jnp.where(mi, itail, ival)
                acc = acc + uval * ival
            p = plsc.cumsum(acc)
            tmp_v[pl.ds(4, L)] = p
            sums = p - tmp_v[pl.ds(0, L)]
            plsc.store_scatter(out_v, [b * EPB + esel], sums, mask=dsub == 3)

        n_batches = bpw // EPB
        tmp_v[pl.ds(0, L)] = jnp.zeros((L,), jnp.float32)
        fire(0, 0, sem0)
        for c in sc:
            c.wait()

        def body(h, carry):
            b0 = 2 * h
            fire(b0 + 1, 1, sem1)
            drain(0, sem0)
            compute(b0, 0)

            @pl.when(b0 + 2 < n_batches)
            def _():
                fire(b0 + 2, 0, sem0)

            drain(1, sem1)
            compute(b0 + 1, 1)
            return carry

        lax.fori_loop(0, n_batches // 2, body, 0)
        pltpu.sync_copy(out_v, out_hbm.at[pl.ds(base, bpw)])

    return k


@functools.cache
def _build_bias(B: int):
    info = plsc.get_sparse_core_info()
    NC, NS = info.num_cores, info.num_subcores
    NW = NC * NS
    bpw = B // NW
    groups = bpw // L

    mesh = plsc.VectorSubcoreMesh(core_axis_name="c", subcore_axis_name="s")

    @functools.partial(
        pl.kernel,
        out_type=jax.ShapeDtypeStruct((B,), jnp.float32),
        mesh=mesh,
        compiler_params=pltpu.CompilerParams(
            needs_layout_passes=False, use_tc_tiling_on_sc=True),
        scratch_types=[
            pltpu.VMEM((bpw,), jnp.int32),
            pltpu.VMEM((bpw,), jnp.int32),
            pltpu.VMEM((bpw,), jnp.float32),
            pltpu.VMEM((bpw,), jnp.float32),
            pltpu.VMEM((bpw,), jnp.float32),
            pltpu.VMEM((bpw,), jnp.float32),
            pltpu.SemaphoreType.DMA,
        ],
    )
    def k(dots_hbm, uidx_hbm, iidx_hbm, ub_hbm, ib_hbm, out_hbm,
          uidx_v, iidx_v, dots_v, ubias_v, ibias_v, out_v, sem):
        wid = lax.axis_index("s") * NC + lax.axis_index("c")
        base = wid * bpw
        pltpu.sync_copy(uidx_hbm.at[pl.ds(base, bpw)], uidx_v)
        pltpu.sync_copy(iidx_hbm.at[pl.ds(base, bpw)], iidx_v)
        cs = [
            pltpu.async_copy(ub_hbm.at[uidx_v], ubias_v, sem),
            pltpu.async_copy(ib_hbm.at[iidx_v], ibias_v, sem),
            pltpu.async_copy(dots_hbm.at[pl.ds(base, bpw)], dots_v, sem),
        ]
        for c in cs:
            c.wait()

        def body(g, carry):
            sl = pl.ds(g * L, L)
            out_v[sl] = dots_v[sl] + ubias_v[sl] + ibias_v[sl] + MU
            return carry

        lax.fori_loop(0, groups, body, 0)
        pltpu.sync_copy(out_v, out_hbm.at[pl.ds(base, bpw)])

    return k


def kernel(user_idx, item_idx, embed_user, embed_item, user_bias, item_bias):
    B = user_idx.shape[0]
    uidx = user_idx.astype(jnp.int32)
    iidx = item_idx.astype(jnp.int32)
    dots = _build_dots(B)(
        uidx, iidx, embed_user.T, embed_item.T,
        embed_user[TAIL0:].reshape(16, 128),
        embed_item[TAIL0:].reshape(16, 128))
    return _build_bias(B)(
        dots, uidx, iidx,
        jnp.squeeze(user_bias, axis=1), jnp.squeeze(item_bias, axis=1))

# --- scband reference (transcript-rebuilt; emitter-appended) ---
"""Pipeline reference for scband-svdwith-bias-82858509074616 (READ-ONLY COPY).

The authoritative reference and input builder live on the scoring server;
editing this copy changes nothing except your own understanding.
"""

import jax, jax.numpy as jnp
import numpy as np

NUM_USERS = 1000000
NUM_ITEMS = 1000000
D = 32
MU = 3.5
B = 16384

def _xavier(key, shape):
    fan_in, fan_out = shape[1], shape[0]
    std = float(np.sqrt(2.0 / (fan_in + fan_out)))
    return jax.random.normal(key, shape, dtype=jnp.float32) * std

def setup_inputs(seed: int = 0) -> dict:
    key = jax.random.key(seed)
    k1, k2, k3, k4, k5, k6 = jax.random.split(key, 6)
    user_idx = jax.random.randint(k1, (B,), 0, NUM_USERS, dtype=jnp.int64) if jax.config.jax_enable_x64 else jax.random.randint(k1, (B,), 0, NUM_USERS, dtype=jnp.int32)
    item_idx = jax.random.randint(k2, (B,), 0, NUM_ITEMS, dtype=user_idx.dtype)
    embed_user = _xavier(k3, (NUM_USERS, D))
    embed_item = _xavier(k4, (NUM_ITEMS, D))
    user_bias = _xavier(k5, (NUM_USERS, 1))
    item_bias = _xavier(k6, (NUM_ITEMS, 1))
    return {"user_idx": user_idx, "item_idx": item_idx, "embed_user": embed_user, "embed_item": embed_item, "user_bias": user_bias, "item_bias": item_bias}

def reference(user_idx, item_idx, embed_user, embed_item, user_bias, item_bias):
    eu = jnp.take(embed_user, user_idx, axis=0)
    ei = jnp.take(embed_item, item_idx, axis=0)
    ub = jnp.take(user_bias, user_idx, axis=0)
    ib = jnp.take(item_bias, item_idx, axis=0)
    out = (eu * ei).sum(axis=1) + jnp.squeeze(ub, axis=1) + jnp.squeeze(ib, axis=1) + MU
    return out

if __name__ == "__main__":
    import jax
    _d = setup_inputs()
    print(jax.jit(kernel)(*tuple(_d.values())))

</pallas_src>

<mosaic_0001>
#map = affine_map<(d0, d1) -> (0)>
#map1 = affine_map<(d0, d1) -> (0, 0)>
module attributes {stable_mosaic.version = 14 : i64} {
  func.func @k(%arg0: i32, %arg1: i32, %arg2: memref<16384xi32, #tpu.memory_space<hbm>>, %arg3: memref<16384xi32, #tpu.memory_space<hbm>>, %arg4: memref<32x1000000xf32, #tpu.memory_space<hbm>>, %arg5: memref<32x1000000xf32, #tpu.memory_space<hbm>>, %arg6: memref<16x128xf32, #tpu.memory_space<hbm>>, %arg7: memref<16x128xf32, #tpu.memory_space<hbm>>, %arg8: memref<16384xf32, #tpu.memory_space<hbm>>, %arg9: memref<528xi32, #tpu.memory_space<vmem>>, %arg10: memref<528xi32, #tpu.memory_space<vmem>>, %arg11: memref<2x2x4x32x128xf32, #tpu.memory_space<vmem>>, %arg12: memref<16x128xf32, #tpu.memory_space<vmem>>, %arg13: memref<16x128xf32, #tpu.memory_space<vmem>>, %arg14: memref<512xf32, #tpu.memory_space<vmem>>, %arg15: memref<32xf32, #tpu.memory_space<vmem>>, %arg16: memref<!tpu.dma_semaphore, #tpu.memory_space<semaphore_mem>>, %arg17: memref<!tpu.dma_semaphore, #tpu.memory_space<semaphore_mem>>, %arg18: memref<!tpu.dma_semaphore, #tpu.memory_space<semaphore_mem>>) attributes {dimension_semantics = [#tpu.dimension_semantics<core_parallel>, #tpu.dimension_semantics<subcore_parallel>], iteration_bounds = array<i64: 2, 16>, scalar_prefetch = 0 : i64, scratch_operands = 10 : i64, tpu.core_type = #tpu.core_type<sc_vector_subcore>, window_params = [{transform_indices = #map}, {transform_indices = #map}, {transform_indices = #map1}, {transform_indices = #map1}, {transform_indices = #map1}, {transform_indices = #map1}, {transform_indices = #map}]} {
    %mul3A = arith.constant 2 : i32
    %mul3A_0 = arith.muli %arg1, %mul3A : i32
    %add3A = arith.addi %mul3A_0, %arg0 : i32
    %mul3A_1 = arith.constant 512 : i32
    %mul3A_2 = arith.muli %add3A, %mul3A_1 : i32
    "tpu.region"() ({
      %run_scoped3A = tpu.sem_alloc : memref<!tpu.dma_semaphore, #tpu.memory_space<semaphore_mem>>
      %dma_start3A_206 = arith.constant 0 : i32
      %dma_start3A_207 = tpu.memref_slice %arg9[%dma_start3A_206] : memref<528xi32, #tpu.memory_space<vmem>> -> memref<512xi32, #tpu.memory_space<vmem>>
      %dma_start3A_208 = tpu.memref_slice %arg2[%mul3A_2] : memref<16384xi32, #tpu.memory_space<hbm>> -> memref<512xi32, #tpu.memory_space<hbm>>
      %dma_start3A_209 = arith.constant 0 : i32
      %dma_start3A_210 = tpu.memref_slice %arg9[%dma_start3A_209] : memref<528xi32, #tpu.memory_space<vmem>> -> memref<512xi32, #tpu.memory_space<vmem>>
      %dma_start3A_211 = tpu.memref_slice %arg2[%mul3A_2] : memref<16384xi32, #tpu.memory_space<hbm>> -> memref<512xi32, #tpu.memory_space<hbm>>
      tpu.enqueue_dma source(%dma_start3A_211 : memref<512xi32, #tpu.memory_space<hbm>>) target(%dma_start3A_210 : memref<512xi32, #tpu.memory_space<vmem>>) target_semaphore(%run_scoped3A : memref<!tpu.dma_semaphore, #tpu.memory_space<semaphore_mem>>)
      %dma_wait3A = arith.constant 0 : i32
      %dma_wait3A_212 = tpu.memref_slice %arg9[%dma_wait3A] : memref<528xi32, #tpu.memory_space<vmem>> -> memref<512xi32, #tpu.memory_space<vmem>>
      %dma_wait3A_213 = tpu.memref_slice %arg2[%mul3A_2] : memref<16384xi32, #tpu.memory_space<hbm>> -> memref<512xi32, #tpu.memory_space<hbm>>
      %dma_wait3A_214 = arith.constant 0 : i32
      %dma_wait3A_215 = tpu.memref_slice %arg9[%dma_wait3A_214] : memref<528xi32, #tpu.memory_space<vmem>> -> memref<512xi32, #tpu.memory_space<vmem>>
      %dma_wait3A_216 = tpu.memref_slice %arg2[%mul3A_2] : memref<16384xi32, #tpu.memory_space<hbm>> -> memref<512xi32, #tpu.memory_space<hbm>>
      tpu.wait_dma2 semaphore(%run_scoped3A : memref<!tpu.dma_semaphore, #tpu.memory_space<semaphore_mem>>) src(%dma_wait3A_216 : memref<512xi32, #tpu.memory_space<hbm>>) dst(%dma_wait3A_215 : memref<512xi32, #tpu.memory_space<vmem>>)
      tpu.yield
    }) : () -> ()
    "tpu.region"() ({
      %run_scoped3A = tpu.sem_alloc : memref<!tpu.dma_semaphore, #tpu.memory_space<semaphore_mem>>
      %dma_start3A_206 = arith.constant 0 : i32
      %dma_start3A_207 = tpu.memref_slice %arg10[%dma_start3A_206] : memref<528xi32, #tpu.memory_space<vmem>> -> memref<512xi32, #tpu.memory_space<vmem>>
      %dma_start3A_208 = tpu.memref_slice %arg3[%mul3A_2] : memref<16384xi32, #tpu.memory_space<hbm>> -> memref<512xi32, #tpu.memory_space<hbm>>
      %dma_start3A_209 = arith.constant 0 : i32
      %dma_start3A_210 = tpu.memref_slice %arg10[%dma_start3A_209] : memref<528xi32, #tpu.memory_space<vmem>> -> memref<512xi32, #tpu.memory_space<vmem>>
      %dma_start3A_211 = tpu.memref_slice %arg3[%mul3A_2] : memref<16384xi32, #tpu.memory_space<hbm>> -> memref<512xi32, #tpu.memory_space<hbm>>
      tpu.enqueue_dma source(%dma_start3A_211 : memref<512xi32, #tpu.memory_space<hbm>>) target(%dma_start3A_210 : memref<512xi32, #tpu.memory_space<vmem>>) target_semaphore(%run_scoped3A : memref<!tpu.dma_semaphore, #tpu.memory_space<semaphore_mem>>)
      %dma_wait3A = arith.constant 0 : i32
      %dma_wait3A_212 = tpu.memref_slice %arg10[%dma_wait3A] : memref<528xi32, #tpu.memory_space<vmem>> -> memref<512xi32, #tpu.memory_space<vmem>>
      %dma_wait3A_213 = tpu.memref_slice %arg3[%mul3A_2] : memref<16384xi32, #tpu.memory_space<hbm>> -> memref<512xi32, #tpu.memory_space<hbm>>
      %dma_wait3A_214 = arith.constant 0 : i32
      %dma_wait3A_215 = tpu.memref_slice %arg10[%dma_wait3A_214] : memref<528xi32, #tpu.memory_space<vmem>> -> memref<512xi32, #tpu.memory_space<vmem>>
      %dma_wait3A_216 = tpu.memref_slice %arg3[%mul3A_2] : memref<16384xi32, #tpu.memory_space<hbm>> -> memref<512xi32, #tpu.memory_space<hbm>>
      tpu.wait_dma2 semaphore(%run_scoped3A : memref<!tpu.dma_semaphore, #tpu.memory_space<semaphore_mem>>) src(%dma_wait3A_216 : memref<512xi32, #tpu.memory_space<hbm>>) dst(%dma_wait3A_215 : memref<512xi32, #tpu.memory_space<vmem>>)
      tpu.yield
    }) : () -> ()
    tpu.enqueue_dma source(%arg6 : memref<16x128xf32, #tpu.memory_space<hbm>>) target(%arg12 : memref<16x128xf32, #tpu.memory_space<vmem>>) target_semaphore(%arg16 : memref<!tpu.dma_semaphore, #tpu.memory_space<semaphore_mem>>)
    tpu.enqueue_dma source(%arg7 : memref<16x128xf32, #tpu.memory_space<hbm>>) target(%arg13 : memref<16x128xf32, #tpu.memory_space<vmem>>) target_semaphore(%arg16 : memref<!tpu.dma_semaphore, #tpu.memory_space<semaphore_mem>>)
    %iota3A = tpu.iota {dimensions = array<i32: 0>} : vector<16xi32>
    %shift_right_arithmetic3A = arith.constant 2 : i32
    %shift_right_arithmetic3A_3 = vector.broadcast %shift_right_arithmetic3A : i32 to vector<16xi32>
    %shift_right_arithmetic3A_4 = arith.shrsi %iota3A, %shift_right_arithmetic3A_3 : vector<16xi32>
    %and3A = arith.constant 3 : i32
    %and3A_5 = vector.broadcast %and3A : i32 to vector<16xi32>
    %and3A_6 = arith.andi %iota3A, %and3A_5 : vector<16xi32>
    %broadcast_in_dim3A = arith.constant 0 : i32
    %broadcast_in_dim3A_7 = vector.broadcast %broadcast_in_dim3A : i32 to vector<16xi32>
    %broadcast_in_dim3A_8 = arith.constant 0.000000e+00 : f32
    %broadcast_in_dim3A_9 = vector.broadcast %broadcast_in_dim3A_8 : f32 to vector<16xf32>
    %swap3A = arith.constant 0 : index
    %swap3A_10 = tpu.vector_load %arg15[%swap3A] {strides = array<i32>} : memref<32xf32, #tpu.memory_space<vmem>>, vector<16xf32>,
    tpu.vector_store %arg15[%swap3A], %broadcast_in_dim3A_9 {strides = array<i32>} : memref<32xf32, #tpu.memory_space<vmem>>, vector<16xf32>,
    %get3A = arith.constant 0 : index
    %get3A_11 = tpu.vector_load %arg9[%get3A] {strides = array<i32>} : memref<528xi32, #tpu.memory_space<vmem>>, vector<16xi32>,
    %get3A_12 = arith.constant 0 : index
    %get3A_13 = tpu.vector_load %arg10[%get3A_12] {strides = array<i32>} : memref<528xi32, #tpu.memory_space<vmem>>, vector<16xi32>,
    %slice3A = vector.extract_strided_slice %get3A_11 {offsets = [0], sizes = [1], strides = [1]} : vector<16xi32> to vector<1xi32>
    %squeeze3A = vector.extract %slice3A[0] : i32 from vector<1xi32>
    %shift_right_arithmetic3A_14 = arith.constant 7 : i32
    %shift_right_arithmetic3A_15 = arith.shrsi %squeeze3A, %shift_right_arithmetic3A_14 : i32
    %min3A = arith.constant 7811 : i32
    %min3A_16 = arith.minsi %shift_right_arithmetic3A_15, %min3A : i32
    %mul3A_17 = arith.constant 128 : i32
    %mul3A_18 = arith.muli %min3A_16, %mul3A_17 : i32
    %multiple_of3A = tpu.assume_multiple %mul3A_18, 128 : i32
    %dma_start3A = arith.constant 0 : i32
    %dma_start3A_19 = arith.constant 0 : i32
    %dma_start3A_20 = arith.constant 0 : i32
    %dma_start3A_21 = arith.constant 0 : i32
    %dma_start3A_22 = arith.constant 0 : i32
    %dma_start3A_23 = tpu.memref_slice %arg11[%dma_start3A, %dma_start3A_19, %dma_start3A_20, %dma_start3A_21, %dma_start3A_22] : memref<2x2x4x32x128xf32, #tpu.memory_space<vmem>> -> memref<1x1x1x32x128xf32, #tpu.memory_space<vmem>>
    %dma_start3A_24 = tpu.memref_squeeze %dma_start3A_23 : memref<1x1x1x32x128xf32, #tpu.memory_space<vmem>> -> memref<32x128xf32, #tpu.memory_space<vmem>>
    %dma_start3A_25 = arith.constant 0 : i32
    %dma_start3A_26 = tpu.memref_slice %arg4[%dma_start3A_25, %multiple_of3A] : memref<32x1000000xf32, #tpu.memory_space<hbm>> -> memref<32x128xf32, #tpu.memory_space<hbm>>
    %dma_start3A_27 = arith.constant 0 : i32
    %dma_start3A_28 = arith.constant 0 : i32
    %dma_start3A_29 = tpu.memref_slice %arg11[%dma_start3A, %dma_start3A_19, %dma_start3A_20, %dma_start3A_27, %dma_start3A_28] : memref<2x2x4x32x128xf32, #tpu.memory_space<vmem>> -> memref<1x1x1x32x128xf32, #tpu.memory_space<vmem>>
    %dma_start3A_30 = tpu.memref_squeeze %dma_start3A_29 : memref<1x1x1x32x128xf32, #tpu.memory_space<vmem>> -> memref<32x128xf32, #tpu.memory_space<vmem>>
    %dma_start3A_31 = arith.constant 0 : i32
    %dma_start3A_32 = tpu.memref_slice %arg4[%dma_start3A_31, %multiple_of3A] : memref<32x1000000xf32, #tpu.memory_space<hbm>> -> memref<32x128xf32, #tpu.memory_space<hbm>>
    tpu.enqueue_dma source(%dma_start3A_32 : memref<32x128xf32, #tpu.memory_space<hbm>>) target(%dma_start3A_30 : memref<32x128xf32, #tpu.memory_space<vmem>>) target_semaphore(%arg17 : memref<!tpu.dma_semaphore, #tpu.memory_space<semaphore_mem>>)
    %slice3A_33 = vector.extract_strided_slice %get3A_11 {offsets = [1], sizes = [1], strides = [1]} : vector<16xi32> to vector<1xi32>
    %squeeze3A_34 = vector.extract %slice3A_33[0] : i32 from vector<1xi32>
    %shift_right_arithmetic3A_35 = arith.constant 7 : i32
    %shift_right_arithmetic3A_36 = arith.shrsi %squeeze3A_34, %shift_right_arithmetic3A_35 : i32
    %min3A_37 = arith.constant 7811 : i32
    %min3A_38 = arith.minsi %shift_right_arithmetic3A_36, %min3A_37 : i32
    %mul3A_39 = arith.constant 128 : i32
    %mul3A_40 = arith.muli %min3A_38, %mul3A_39 : i32
    %multiple_of3A_41 = tpu.assume_multiple %mul3A_40, 128 : i32
    %dma_start3A_42 = arith.constant 0 : i32
    %dma_start3A_43 = arith.constant 0 : i32
    %dma_start3A_44 = arith.constant 1 : i32
    %dma_start3A_45 = arith.constant 0 : i32
    %dma_start3A_46 = arith.constant 0 : i32
    %dma_start3A_47 = tpu.memref_slice %arg11[%dma_start3A_42, %dma_start3A_43, %dma_start3A_44, %dma_start3A_45, %dma_start3A_46] : memref<2x2x4x32x128xf32, #tpu.memory_space<vmem>> -> memref<1x1x1x32x128xf32, #tpu.memory_space<vmem>>
    %dma_start3A_48 = tpu.memref_squeeze %dma_start3A_47 : memref<1x1x1x32x128xf32, #tpu.memory_space<vmem>> -> memref<32x128xf32, #tpu.memory_space<vmem>>
    %dma_start3A_49 = arith.constant 0 : i32
    %dma_start3A_50 = tpu.memref_slice %arg4[%dma_start3A_49, %multiple_of3A_41] : memref<32x1000000xf32, #tpu.memory_space<hbm>> -> memref<32x128xf32, #tpu.memory_space<hbm>>
    %dma_start3A_51 = arith.constant 0 : i32
    %dma_start3A_52 = arith.constant 0 : i32
    %dma_start3A_53 = tpu.memref_slice %arg11[%dma_start3A_42, %dma_start3A_43, %dma_start3A_44, %dma_start3A_51, %dma_start3A_52] : memref<2x2x4x32x128xf32, #tpu.memory_space<vmem>> -> memref<1x1x1x32x128xf32, #tpu.memory_space<vmem>>
    %dma_start3A_54 = tpu.memref_squeeze %dma_start3A_53 : memref<1x1x1x32x128xf32, #tpu.memory_space<vmem>> -> memref<32x128xf32, #tpu.memory_space<vmem>>
    %dma_start3A_55 = arith.constant 0 : i32
    %dma_start3A_56 = tpu.memref_slice %arg4[%dma_start3A_55, %multiple_of3A_41] : memref<32x1000000xf32, #tpu.memory_space<hbm>> -> memref<32x128xf32, #tpu.memory_space<hbm>>
    tpu.enqueue_dma source(%dma_start3A_56 : memref<32x128xf32, #tpu.memory_space<hbm>>) target(%dma_start3A_54 : memref<32x128xf32, #tpu.memory_space<vmem>>) target_semaphore(%arg17 : memref<!tpu.dma_semaphore, #tpu.memory_space<semaphore_mem>>)
    %slice3A_57 = vector.extract_strided_slice %get3A_11 {offsets = [2], sizes = [1], strides = [1]} : vector<16xi32> to vector<1xi32>
    %squeeze3A_58 = vector.extract %slice3A_57[0] : i32 from vector<1xi32>
    %shift_right_arithmetic3A_59 = arith.constant 7 : i32
    %shift_right_arithmetic3A_60 = arith.shrsi %squeeze3A_58, %shift_right_arithmetic3A_59 : i32
    %min3A_61 = arith.constant 7811 : i32
    %min3A_62 = arith.minsi %shift_right_arithmetic3A_60, %min3A_61 : i32
    %mul3A_63 = arith.constant 128 : i32
    %mul3A_64 = arith.muli %min3A_62, %mul3A_63 : i32
    %multiple_of3A_65 = tpu.assume_multiple %mul3A_64, 128 : i32
    %dma_start3A_66 = arith.constant 0 : i32
    %dma_start3A_67 = arith.constant 0 : i32
    %dma_start3A_68 = arith.constant 2 : i32
    %dma_start3A_69 = arith.constant 0 : i32
    %dma_start3A_70 = arith.constant 0 : i32
    %dma_start3A_71 = tpu.memref_slice %arg11[%dma_start3A_66, %dma_start3A_67, %dma_start3A_68, %dma_start3A_69, %dma_start3A_70] : memref<2x2x4x32x128xf32, #tpu.memory_space<vmem>> -> memref<1x1x1x32x128xf32, #tpu.memory_space<vmem>>
    %dma_start3A_72 = tpu.memref_squeeze %dma_start3A_71 : memref<1x1x1x32x128xf32, #tpu.memory_space<vmem>> -> memref<32x128xf32, #tpu.memory_space<vmem>>
    %dma_start3A_73 = arith.constant 0 : i32
    %dma_start3A_74 = tpu.memref_slice %arg4[%dma_start3A_73, %multiple_of3A_65] : memref<32x1000000xf32, #tpu.memory_space<hbm>> -> memref<32x128xf32, #tpu.memory_space<hbm>>
    %dma_start3A_75 = arith.constant 0 : i32
    %dma_start3A_76 = arith.constant 0 : i32
    %dma_start3A_77 = tpu.memref_slice %arg11[%dma_start3A_66, %dma_start3A_67, %dma_start3A_68, %dma_start3A_75, %dma_start3A_76] : memref<2x2x4x32x128xf32, #tpu.memory_space<vmem>> -> memref<1x1x1x32x128xf32, #tpu.memory_space<vmem>>
    %dma_start3A_78 = tpu.memref_squeeze %dma_start3A_77 : memref<1x1x1x32x128xf32, #tpu.memory_space<vmem>> -> memref<32x128xf32, #tpu.memory_space<vmem>>
    %dma_start3A_79 = arith.constant 0 : i32
    %dma_start3A_80 = tpu.memref_slice %arg4[%dma_start3A_79, %multiple_of3A_65] : memref<32x1000000xf32, #tpu.memory_space<hbm>> -> memref<32x128xf32, #tpu.memory_space<hbm>>
    tpu.enqueue_dma source(%dma_start3A_80 : memref<32x128xf32, #tpu.memory_space<hbm>>) target(%dma_start3A_78 : memref<32x128xf32, #tpu.memory_space<vmem>>) target_semaphore(%arg17 : memref<!tpu.dma_semaphore, #tpu.memory_space<semaphore_mem>>)
    %slice3A_81 = vector.extract_strided_slice %get3A_11 {offsets = [3], sizes = [1], strides = [1]} : vector<16xi32> to vector<1xi32>
    %squeeze3A_82 = vector.extract %slice3A_81[0] : i32 from vector<1xi32>
    %shift_right_arithmetic3A_83 = arith.constant 7 : i32
    %shift_right_arithmetic3A_84 = arith.shrsi %squeeze3A_82, %shift_right_arithmetic3A_83 : i32
    %min3A_85 = arith.constant 7811 : i32
    %min3A_86 = arith.minsi %shift_right_arithmetic3A_84, %min3A_85 : i32
    %mul3A_87 = arith.constant 128 : i32
    %mul3A_88 = arith.muli %min3A_86, %mul3A_87 : i32
    %multiple_of3A_89 = tpu.assume_multiple %mul3A_88, 128 : i32
    %dma_start3A_90 = arith.constant 0 : i32
    %dma_start3A_91 = arith.constant 0 : i32
    %dma_start3A_92 = arith.constant 3 : i32
    %dma_start3A_93 = arith.constant 0 : i32
    %dma_start3A_94 = arith.constant 0 : i32
    %dma_start3A_95 = tpu.memref_slice %arg11[%dma_start3A_90, %dma_start3A_91, %dma_start3A_92, %dma_start3A_93, %dma_start3A_94] : memref<2x2x4x32x128xf32, #tpu.memory_space<vmem>> -> memref<1x1x1x32x128xf32, #tpu.memory_space<vmem>>
    %dma_start3A_96 = tpu.memref_squeeze %dma_start3A_95 : memref<1x1x1x32x128xf32, #tpu.memory_space<vmem>> -> memref<32x128xf32, #tpu.memory_space<vmem>>
    %dma_start3A_97 = arith.constant 0 : i32
    %dma_start3A_98 = tpu.memref_slice %arg4[%dma_start3A_97, %multiple_of3A_89] : memref<32x1000000xf32, #tpu.memory_space<hbm>> -> memref<32x128xf32, #tpu.memory_space<hbm>>
    %dma_start3A_99 = arith.constant 0 : i32
    %dma_start3A_100 = arith.constant 0 : i32
    %dma_start3A_101 = tpu.memref_slice %arg11[%dma_start3A_90, %dma_start3A_91, %dma_start3A_92, %dma_start3A_99, %dma_start3A_100] : memref<2x2x4x32x128xf32, #tpu.memory_space<vmem>> -> memref<1x1x1x32x128xf32, #tpu.memory_space<vmem>>
    %dma_start3A_102 = tpu.memref_squeeze %dma_start3A_101 : memref<1x1x1x32x128xf32, #tpu.memory_space<vmem>> -> memref<32x128xf32, #tpu.memory_space<vmem>>
    %dma_start3A_103 = arith.constant 0 : i32
    %dma_start3A_104 = tpu.memref_slice %arg4[%dma_start3A_103, %multiple_of3A_89] : memref<32x1000000xf32, #tpu.memory_space<hbm>> -> memref<32x128xf32, #tpu.memory_space<hbm>>
    tpu.enqueue_dma source(%dma_start3A_104 : memref<32x128xf32, #tpu.memory_space<hbm>>) target(%dma_start3A_102 : memref<32x128xf32, #tpu.memory_space<vmem>>) target_semaphore(%arg17 : memref<!tpu.dma_semaphore, #tpu.memory_space<semaphore_mem>>)
    %slice3A_105 = vector.extract_strided_slice %get3A_13 {offsets = [0], sizes = [1], strides = [1]} : vector<16xi32> to vector<1xi32>
    %squeeze3A_106 = vector.extract %slice3A_105[0] : i32 from vector<1xi32>
    %shift_right_arithmetic3A_107 = arith.constant 7 : i32
    %shift_right_arithmetic3A_108 = arith.shrsi %squeeze3A_106, %shift_right_arithmetic3A_107 : i32
    %min3A_109 = arith.constant 7811 : i32
    %min3A_110 = arith.minsi %shift_right_arithmetic3A_108, %min3A_109 : i32
    %mul3A_111 = arith.constant 128 : i32
    %mul3A_112 = arith.muli %min3A_110, %mul3A_111 : i32
    %multiple_of3A_113 = tpu.assume_multiple %mul3A_112, 128 : i32
    %dma_start3A_114 = arith.constant 0 : i32
    %dma_start3A_115 = arith.constant 1 : i32
    %dma_start3A_116 = arith.constant 0 : i32
    %dma_start3A_117 = arith.constant 0 : i32
    %dma_start3A_118 = arith.constant 0 : i32
    %dma_start3A_119 = tpu.memref_slice %arg11[%dma_start3A_114, %dma_start3A_115, %dma_start3A_116, %dma_start3A_117, %dma_start3A_118] : memref<2x2x4x32x128xf32, #tpu.memory_space<vmem>> -> memref<1x1x1x32x128xf32, #tpu.memory_space<vmem>>
    %dma_start3A_120 = tpu.memref_squeeze %dma_start3A_119 : memref<1x1x1x32x128xf32, #tpu.memory_space<vmem>> -> memref<32x128xf32, #tpu.memory_space<vmem>>
    %dma_start3A_121 = arith.constant 0 : i32
    %dma_start3A_122 = tpu.memref_slice %arg5[%dma_start3A_121, %multiple_of3A_113] : memref<32x1000000xf32, #tpu.memory_space<hbm>> -> memref<32x128xf32, #tpu.memory_space<hbm>>
    %dma_start3A_123 = arith.constant 0 : i32
    %dma_start3A_124 = arith.constant 0 : i32
    %dma_start3A_125 = tpu.memref_slice %arg11[%dma_start3A_114, %dma_start3A_115, %dma_start3A_116, %dma_start3A_123, %dma_start3A_124] : memref<2x2x4x32x128xf32, #tpu.memory_space<vmem>> -> memref<1x1x1x32x128xf32, #tpu.memory_space<vmem>>
    %dma_start3A_126 = tpu.memref_squeeze %dma_start3A_125 : memref<1x1x1x32x128xf32, #tpu.memory_space<vmem>> -> memref<32x128xf32, #tpu.memory_space<vmem>>
    %dma_start3A_127 = arith.constant 0 : i32
    %dma_start3A_128 = tpu.memref_slice %arg5[%dma_start3A_127, %multiple_of3A_113] : memref<32x1000000xf32, #tpu.memory_space<hbm>> -> memref<32x128xf32, #tpu.memory_space<hbm>>
    tpu.enqueue_dma source(%dma_start3A_128 : memref<32x128xf32, #tpu.memory_space<hbm>>) target(%dma_start3A_126 : memref<32x128xf32, #tpu.memory_space<vmem>>) target_semaphore(%arg17 : memref<!tpu.dma_semaphore, #tpu.memory_space<semaphore_mem>>)
    %slice3A_129 = vector.extract_strided_slice %get3A_13 {offsets = [1], sizes = [1], strides = [1]} : vector<16xi32> to vector<1xi32>
    %squeeze3A_130 = vector.extract %slice3A_129[0] : i32 from vector<1xi32>
    %shift_right_arithmetic3A_131 = arith.constant 7 : i32
    %shift_right_arithmetic3A_132 = arith.shrsi %squeeze3A_130, %shift_right_arithmetic3A_131 : i32
    %min3A_133 = arith.constant 7811 : i32
    %min3A_134 = arith.minsi %shift_right_arithmetic3A_132, %min3A_133 : i32
    %mul3A_135 = arith.constant 128 : i32
    %mul3A_136 = arith.muli %min3A_134, %mul3A_135 : i32
    %multiple_of3A_137 = tpu.assume_multiple %mul3A_136, 128 : i32
    %dma_start3A_138 = arith.constant 0 : i32
    %dma_start3A_139 = arith.constant 1 : i32
    %dma_start3A_140 = arith.constant 1 : i32
    %dma_start3A_141 = arith.constant 0 : i32
    %dma_start3A_142 = arith.constant 0 : i32
    %dma_start3A_143 = tpu.memref_slice %arg11[%dma_start3A_138, %dma_start3A_139, %dma_start3A_140, %dma_start3A_141, %dma_start3A_142] : memref<2x2x4x32x128xf32, #tpu.memory_space<vmem>> -> memref<1x1x1x32x128xf32, #tpu.memory_space<vmem>>
    %dma_start3A_144 = tpu.memref_squeeze %dma_start3A_143 : memref<1x1x1x32x128xf32, #tpu.memory_space<vmem>> -> memref<32x128xf32, #tpu.memory_space<vmem>>
    %dma_start3A_145 = arith.constant 0 : i32
    %dma_start3A_146 = tpu.memref_slice %arg5[%dma_start3A_145, %multiple_of3A_137] : memref<32x1000000xf32, #tpu.memory_space<hbm>> -> memref<32x128xf32, #tpu.memory_space<hbm>>
    %dma_start3A_147 = arith.constant 0 : i32
    %dma_start3A_148 = arith.constant 0 : i32
    %dma_start3A_149 = tpu.memref_slice %arg11[%dma_start3A_138, %dma_start3A_139, %dma_start3A_140, %dma_start3A_147, %dma_start3A_148] : memref<2x2x4x32x128xf32, #tpu.memory_space<vmem>> -> memref<1x1x1x32x128xf32, #tpu.memory_space<vmem>>
    %dma_start3A_150 = tpu.memref_squeeze %dma_start3A_149 : memref<1x1x1x32x128xf32, #tpu.memory_space<vmem>> -> memref<32x128xf32, #tpu.memory_space<vmem>>
    %dma_start3A_151 = arith.constant 0 : i32
    %dma_start3A_152 = tpu.memref_slice %arg5[%dma_start3A_151, %multiple_of3A_137] : memref<32x1000000xf32, #tpu.memory_space<hbm>> -> memref<32x128xf32, #tpu.memory_space<hbm>>
    tpu.enqueue_dma source(%dma_start3A_152 : memref<32x128xf32, #tpu.memory_space<hbm>>) target(%dma_start3A_150 : memref<32x128xf32, #tpu.memory_space<vmem>>) target_semaphore(%arg17 : memref<!tpu.dma_semaphore, #tpu.memory_space<semaphore_mem>>)
    %slice3A_153 = vector.extract_strided_slice %get3A_13 {offsets = [2], sizes = [1], strides = [1]} : vector<16xi32> to vector<1xi32>
    %squeeze3A_154 = vector.extract %slice3A_153[0] : i32 from vector<1xi32>
    %shift_right_arithmetic3A_155 = arith.constant 7 : i32
    %shift_right_arithmetic3A_156 = arith.shrsi %squeeze3A_154, %shift_right_arithmetic3A_155 : i32
    %min3A_157 = arith.constant 7811 : i32
    %min3A_158 = arith.minsi %shift_right_arithmetic3A_156, %min3A_157 : i32
    %mul3A_159 = arith.constant 128 : i32
    %mul3A_160 = arith.muli %min3A_158, %mul3A_159 : i32
    %multiple_of3A_161 = tpu.assume_multiple %mul3A_160, 128 : i32
    %dma_start3A_162 = arith.constant 0 : i32
    %dma_start3A_163 = arith.constant 1 : i32
    %dma_start3A_164 = arith.constant 2 : i32
    %dma_start3A_165 = arith.constant 0 : i32
    %dma_start3A_166 = arith.constant 0 : i32
    %dma_start3A_167 = tpu.memref_slice %arg11[%dma_start3A_162, %dma_start3A_163, %dma_start3A_164, %dma_start3A_165, %dma_start3A_166] : memref<2x2x4x32x128xf32, #tpu.memory_space<vmem>> -> memref<1x1x1x32x128xf32, #tpu.memory_space<vmem>>
    %dma_start3A_168 = tpu.memref_squeeze %dma_start3A_167 : memref<1x1x1x32x128xf32, #tpu.memory_space<vmem>> -> memref<32x128xf32, #tpu.memory_space<vmem>>
    %dma_start3A_169 = arith.constant 0 : i32
    %dma_start3A_170 = tpu.memref_slice %arg5[%dma_start3A_169, %multiple_of3A_161] : memref<32x1000000xf32, #tpu.memory_space<hbm>> -> memref<32x128xf32, #tpu.memory_space<hbm>>
    %dma_start3A_171 = arith.constant 0 : i32
    %dma_start3A_172 = arith.constant 0 : i32
    %dma_start3A_173 = tpu.memref_slice %arg11[%dma_start3A_162, %dma_start3A_163, %dma_start3A_164, %dma_start3A_171, %dma_start3A_172] : memref<2x2x4x32x128xf32, #tpu.memory_space<vmem>> -> memref<1x1x1x32x128xf32, #tpu.memory_space<vmem>>
    %dma_start3A_174 = tpu.memref_squeeze %dma_start3A_173 : memref<1x1x1x32x128xf32, #tpu.memory_space<vmem>> -> memref<32x128xf32, #tpu.memory_space<vmem>>
    %dma_start3A_175 = arith.constant 0 : i32
    %dma_start3A_176 = tpu.memref_slice %arg5[%dma_start3A_175, %multiple_of3A_161] : memref<32x1000000xf32, #tpu.memory_space<hbm>> -> memref<32x128xf32, #tpu.memory_space<hbm>>
    tpu.enqueue_dma source(%dma_start3A_176 : memref<32x128xf32, #tpu.memory_space<hbm>>) target(%dma_start3A_174 : memref<32x128xf32, #tpu.memory_space<vmem>>) target_semaphore(%arg17 : memref<!tpu.dma_semaphore, #tpu.memory_space<semaphore_mem>>)
    %slice3A_177 = vector.extract_strided_slice %get3A_13 {offsets = [3], sizes = [1], strides = [1]} : vector<16xi32> to vector<1xi32>
    %squeeze3A_178 = vector.extract %slice3A_177[0] : i32 from vector<1xi32>
    %shift_right_arithmetic3A_179 = arith.constant 7 : i32
    %shift_right_arithmetic3A_180 = arith.shrsi %squeeze3A_178, %shift_right_arithmetic3A_179 : i32
    %min3A_181 = arith.constant 7811 : i32
    %min3A_182 = arith.minsi %shift_right_arithmetic3A_180, %min3A_181 : i32
    %mul3A_183 = arith.constant 128 : i32
    %mul3A_184 = arith.muli %min3A_182, %mul3A_183 : i32
    %multiple_of3A_185 = tpu.assume_multiple %mul3A_184, 128 : i32
    %dma_start3A_186 = arith.constant 0 : i32
    %dma_start3A_187 = arith.constant 1 : i32
    %dma_start3A_188 = arith.constant 3 : i32
    %dma_start3A_189 = arith.constant 0 : i32
    %dma_start3A_190 = arith.constant 0 : i32
    %dma_start3A_191 = tpu.memref_slice %arg11[%dma_start3A_186, %dma_start3A_187, %dma_start3A_188, %dma_start3A_189, %dma_start3A_190] : memref<2x2x4x32x128xf32, #tpu.memory_space<vmem>> -> memref<1x1x1x32x128xf32, #tpu.memory_space<vmem>>
    %dma_start3A_192 = tpu.memref_squeeze %dma_start3A_191 : memref<1x1x1x32x128xf32, #tpu.memory_space<vmem>> -> memref<32x128xf32, #tpu.memory_space<vmem>>
    %dma_start3A_193 = arith.constant 0 : i32
    %dma_start3A_194 = tpu.memref_slice %arg5[%dma_start3A_193, %multiple_of3A_185] : memref<32x1000000xf32, #tpu.memory_space<hbm>> -> memref<32x128xf32, #tpu.memory_space<hbm>>
    %dma_start3A_195 = arith.constant 0 : i32
    %dma_start3A_196 = arith.constant 0 : i32
    %dma_start3A_197 = tpu.memref_slice %arg11[%dma_start3A_186, %dma_start3A_187, %dma_start3A_188, %dma_start3A_195, %dma_start3A_196] : memref<2x2x4x32x128xf32, #tpu.memory_space<vmem>> -> memref<1x1x1x32x128xf32, #tpu.memory_space<vmem>>
    %dma_start3A_198 = tpu.memref_squeeze %dma_start3A_197 : memref<1x1x1x32x128xf32, #tpu.memory_space<vmem>> -> memref<32x128xf32, #tpu.memory_space<vmem>>
    %dma_start3A_199 = arith.constant 0 : i32
    %dma_start3A_200 = tpu.memref_slice %arg5[%dma_start3A_199, %multiple_of3A_185] : memref<32x1000000xf32, #tpu.memory_space<hbm>> -> memref<32x128xf32, #tpu.memory_space<hbm>>
    tpu.enqueue_dma source(%dma_start3A_200 : memref<32x128xf32, #tpu.memory_space<hbm>>) target(%dma_start3A_198 : memref<32x128xf32, #tpu.memory_space<vmem>>) target_semaphore(%arg17 : memref<!tpu.dma_semaphore, #tpu.memory_space<semaphore_mem>>)
    tpu.wait_dma2 semaphore(%arg16 : memref<!tpu.dma_semaphore, #tpu.memory_space<semaphore_mem>>) src(%arg6 : memref<16x128xf32, #tpu.memory_space<hbm>>) dst(%arg12 : memref<16x128xf32, #tpu.memory_space<vmem>>)
    tpu.wait_dma2 semaphore(%arg16 : memref<!tpu.dma_semaphore, #tpu.memory_space<semaphore_mem>>) src(%arg7 : memref<16x128xf32, #tpu.memory_space<hbm>>) dst(%arg13 : memref<16x128xf32, #tpu.memory_space<vmem>>)
    %scan3A = arith.constant 0 : i32
    %scan3A_201 = arith.constant 0 : i32
    %scan3A_202 = arith.constant 64 : i32
    %scan3A_203 = arith.addi %scan3A_201, %scan3A_202 : i32
    %scan3A_204 = arith.constant 1 : i32
    scf.for %scan3A_206 = %scan3A_201 to %scan3A_203 step %scan3A_204  : i32 {
      %mul3A_207 = arith.constant 2 : i32
      %mul3A_208 = arith.muli %mul3A_207, %scan3A_206 : i32
      %add3A_209 = arith.constant 1 : i32
      %add3A_210 = arith.addi %mul3A_208, %add3A_209 : i32
      %mul3A_211 = arith.constant 4 : i32
      %mul3A_212 = arith.muli %add3A_210, %mul3A_211 : i32
      %get3A_213 = arith.index_cast %mul3A_212 : i32 to index
      %get3A_214 = tpu.vector_load %arg9[%get3A_213] {strides = array<i32>} : memref<528xi32, #tpu.memory_space<vmem>>, vector<16xi32>,
      %mul3A_215 = arith.constant 4 : i32
      %mul3A_216 = arith.muli %add3A_210, %mul3A_215 : i32
      %get3A_217 = arith.index_cast %mul3A_216 : i32 to index
      %get3A_218 = tpu.vector_load %arg10[%get3A_217] {strides = array<i32>} : memref<528xi32, #tpu.memory_space<vmem>>, vector<16xi32>,
      %slice3A_219 = vector.extract_strided_slice %get3A_214 {offsets = [0], sizes = [1], strides = [1]} : vector<16xi32> to vector<1xi32>
      %squeeze3A_220 = vector.extract %slice3A_219[0] : i32 from vector<1xi32>
      %shift_right_arithmetic3A_221 = arith.constant 7 : i32
      %shift_right_arithmetic3A_222 = arith.shrsi %squeeze3A_220, %shift_right_arithmetic3A_221 : i32
      %min3A_223 = arith.constant 7811 : i32
      %min3A_224 = arith.minsi %shift_right_arithmetic3A_222, %min3A_223 : i32
      %mul3A_225 = arith.constant 128 : i32
      %mul3A_226 = arith.muli %min3A_224, %mul3A_225 : i32
      %multiple_of3A_227 = tpu.assume_multiple %mul3A_226, 128 : i32
      %dma_start3A_228 = arith.constant 1 : i32
      %dma_start3A_229 = arith.constant 0 : i32
      %dma_start3A_230 = arith.constant 0 : i32
      %dma_start3A_231 = arith.constant 0 : i32
      %dma_start3A_232 = arith.constant 0 : i32
      %dma_start3A_233 = tpu.memref_slice %arg11[%dma_start3A_228, %dma_start3A_229, %dma_start3A_230, %dma_start3A_231, %dma_start3A_232] : memref<2x2x4x32x128xf32, #tpu.memory_space<vmem>> -> memref<1x1x1x32x128xf32, #tpu.memory_space<vmem>>
      %dma_start3A_234 = tpu.memref_squeeze %dma_start3A_233 : memref<1x1x1x32x128xf32, #tpu.memory_space<vmem>> -> memref<32x128xf32, #tpu.memory_space<vmem>>
      %dma_start3A_235 = arith.constant 0 : i32
      %dma_start3A_236 = tpu.memref_slice %arg4[%dma_start3A_235, %multiple_of3A_227] : memref<32x1000000xf32, #tpu.memory_space<hbm>> -> memref<32x128xf32, #tpu.memory_space<hbm>>
      %dma_start3A_237 = arith.constant 0 : i32
      %dma_start3A_238 = arith.constant 0 : i32
      %dma_start3A_239 = tpu.memref_slice %arg11[%dma_start3A_228, %dma_start3A_229, %dma_start3A_230, %dma_start3A_237, %dma_start3A_238] : memref<2x2x4x32x128xf32, #tpu.memory_space<vmem>> -> memref<1x1x1x32x128xf32, #tpu.memory_space<vmem>>
      %dma_start3A_240 = tpu.memref_squeeze %dma_start3A_239 : memref<1x1x1x32x128xf32, #tpu.memory_space<vmem>> -> memref<32x128xf32, #tpu.memory_space<vmem>>
      %dma_start3A_241 = arith.constant 0 : i32
      %dma_start3A_242 = tpu.memref_slice %arg4[%dma_start3A_241, %multiple_of3A_227] : memref<32x1000000xf32, #tpu.memory_space<hbm>> -> memref<32x128xf32, #tpu.memory_space<hbm>>
      tpu.enqueue_dma source(%dma_start3A_242 : memref<32x128xf32, #tpu.memory_space<hbm>>) target(%dma_start3A_240 : memref<32x128xf32, #tpu.memory_space<vmem>>) target_semaphore(%arg18 : memref<!tpu.dma_semaphore, #tpu.memory_space<semaphore_mem>>)
      %slice3A_243 = vector.extract_strided_slice %get3A_214 {offsets = [1], sizes = [1], strides = [1]} : vector<16xi32> to vector<1xi32>
      %squeeze3A_244 = vector.extract %slice3A_243[0] : i32 from vector<1xi32>
      %shift_right_arithmetic3A_245 = arith.constant 7 : i32
      %shift_right_arithmetic3A_246 = arith.shrsi %squeeze3A_244, %shift_right_arithmetic3A_245 : i32
      %min3A_247 = arith.constant 7811 : i32
      %min3A_248 = arith.minsi %shift_right_arithmetic3A_246, %min3A_247 : i32
      %mul3A_249 = arith.constant 128 : i32
      %mul3A_250 = arith.muli %min3A_248, %mul3A_249 : i32
      %multiple_of3A_251 = tpu.assume_multiple %mul3A_250, 128 : i32
      %dma_start3A_252 = arith.constant 1 : i32
      %dma_start3A_253 = arith.constant 0 : i32
      %dma_start3A_254 = arith.constant 1 : i32
      %dma_start3A_255 = arith.constant 0 : i32
      %dma_start3A_256 = arith.constant 0 : i32
      %dma_start3A_257 = tpu.memref_slice %arg11[%dma_start3A_252, %dma_start3A_253, %dma_start3A_254, %dma_start3A_255, %dma_start3A_256] : memref<2x2x4x32x128xf32, #tpu.memory_space<vmem>> -> memref<1x1x1x32x128xf32, #tpu.memory_space<vmem>>
      %dma_start3A_258 = tpu.memref_squeeze %dma_start3A_257 : memref<1x1x1x32x128xf32, #tpu.memory_space<vmem>> -> memref<32x128xf32, #tpu.memory_space<vmem>>
      %dma_start3A_259 = arith.constant 0 : i32
      %dma_start3A_260 = tpu.memref_slice %arg4[%dma_start3A_259, %multiple_of3A_251] : memref<32x1000000xf32, #tpu.memory_space<hbm>> -> memref<32x128xf32, #tpu.memory_space<hbm>>
      %dma_start3A_261 = arith.constant 0 : i32
      %dma_start3A_262 = arith.constant 0 : i32
      %dma_start3A_263 = tpu.memref_slice %arg11[%dma_start3A_252, %dma_start3A_253, %dma_start3A_254, %dma_start3A_261, %dma_start3A_262] : memref<2x2x4x32x128xf32, #tpu.memory_space<vmem>> -> memref<1x1x1x32x128xf32, #tpu.memory_space<vmem>>
      %dma_start3A_264 = tpu.memref_squeeze %dma_start3A_263 : memref<1x1x1x32x128xf32, #tpu.memory_space<vmem>> -> memref<32x128xf32, #tpu.memory_space<vmem>>
      %dma_start3A_265 = arith.constant 0 : i32
      %dma_start3A_266 = tpu.memref_slice %arg4[%dma_start3A_265, %multiple_of3A_251] : memref<32x1000000xf32, #tpu.memory_space<hbm>> -> memref<32x128xf32, #tpu.memory_space<hbm>>
      tpu.enqueue_dma source(%dma_start3A_266 : memref<32x128xf32, #tpu.memory_space<hbm>>) target(%dma_start3A_264 : memref<32x128xf32, #tpu.memory_space<vmem>>) target_semaphore(%arg18 : memref<!tpu.dma_semaphore, #tpu.memory_space<semaphore_mem>>)
      %slice3A_267 = vector.extract_strided_slice %get3A_214 {offsets = [2], sizes = [1], strides = [1]} : vector<16xi32> to vector<1xi32>
      %squeeze3A_268 = vector.extract %slice3A_267[0] : i32 from vector<1xi32>
      %shift_right_arithmetic3A_269 = arith.constant 7 : i32
      %shift_right_arithmetic3A_270 = arith.shrsi %squeeze3A_268, %shift_right_arithmetic3A_269 : i32
      %min3A_271 = arith.constant 7811 : i32
      %min3A_272 = arith.minsi %shift_right_arithmetic3A_270, %min3A_271 : i32
      %mul3A_273 = arith.constant 128 : i32
      %mul3A_274 = arith.muli %min3A_272, %mul3A_273 : i32
      %multiple_of3A_275 = tpu.assume_multiple %mul3A_274, 128 : i32
      %dma_start3A_276 = arith.constant 1 : i32
      %dma_start3A_277 = arith.constant 0 : i32
      %dma_start3A_278 = arith.constant 2 : i32
      %dma_start3A_279 = arith.constant 0 : i32
      %dma_start3A_280 = arith.constant 0 : i32
      %dma_start3A_281 = tpu.memref_slice %arg11[%dma_start3A_276, %dma_start3A_277, %dma_start3A_278, %dma_start3A_279, %dma_start3A_280] : memref<2x2x4x32x128xf32, #tpu.memory_space<vmem>> -> memref<1x1x1x32x128xf32, #tpu.memory_space<vmem>>
      %dma_start3A_282 = tpu.memref_squeeze %dma_start3A_281 : memref<1x1x1x32x128xf32, #tpu.memory_space<vmem>> -> memref<32x128xf32, #tpu.memory_space<vmem>>
      %dma_start3A_283 = arith.constant 0 : i32
      %dma_start3A_284 = tpu.memref_slice %arg4[%dma_start3A_283, %multiple_of3A_275] : memref<32x1000000xf32, #tpu.memory_space<hbm>> -> memref<32x128xf32, #tpu.memory_space<hbm>>
      %dma_start3A_285 = arith.constant 0 : i32
      %dma_start3A_286 = arith.constant 0 : i32
      %dma_start3A_287 = tpu.memref_slice %arg11[%dma_start3A_276, %dma_start3A_277, %dma_start3A_278, %dma_start3A_285, %dma_start3A_286] : memref<2x2x4x32x128xf32, #tpu.memory_space<vmem>> -> memref<1x1x1x32x128xf32, #tpu.memory_space<vmem>>
      %dma_start3A_288 = tpu.memref_squeeze %dma_start3A_287 : memref<1x1x1x32x128xf32, #tpu.memory_space<vmem>> -> memref<32x128xf32, #tpu.memory_space<vmem>>
      %dma_start3A_289 = arith.constant 0 : i32
      %dma_start3A_290 = tpu.memref_slice %arg4[%dma_start3A_289, %multiple_of3A_275] : memref<32x1000000xf32, #tpu.memory_space<hbm>> -> memref<32x128xf32, #tpu.memory_space<hbm>>
      tpu.enqueue_dma source(%dma_start3A_290 : memref<32x128xf32, #tpu.memory_space<hbm>>) target(%dma_start3A_288 : memref<32x128xf32, #tpu.memory_space<vmem>>) target_semaphore(%arg18 : memref<!tpu.dma_semaphore, #tpu.memory_space<semaphore_mem>>)
      %slice3A_291 = vector.extract_strided_slice %get3A_214 {offsets = [3], sizes = [1], strides = [1]} : vector<16xi32> to vector<1xi32>
      %squeeze3A_292 = vector.extract %slice3A_291[0] : i32 from vector<1xi32>
      %shift_right_arithmetic3A_293 = arith.constant 7 : i32
      %shift_right_arithmetic3A_294 = arith.shrsi %squeeze3A_292, %shift_right_arithmetic3A_293 : i32
      %min3A_295 = arith.constant 7811 : i32
      %min3A_296 = arith.minsi %shift_right_arithmetic3A_294, %min3A_295 : i32
      %mul3A_297 = arith.constant 128 : i32
      %mul3A_298 = arith.muli %min3A_296, %mul3A_297 : i32
      %multiple_of3A_299 = tpu.assume_multiple %mul3A_298, 128 : i32
      %dma_start3A_300 = arith.constant 1 : i32
      %dma_start3A_301 = arith.constant 0 : i32
      %dma_start3A_302 = arith.constant 3 : i32
      %dma_start3A_303 = arith.constant 0 : i32
      %dma_start3A_304 = arith.constant 0 : i32
      %dma_start3A_305 = tpu.memref_slice %arg11[%dma_start3A_300, %dma_start3A_301, %dma_start3A_302, %dma_start3A_303, %dma_start3A_304] : memref<2x2x4x32x128xf32, #tpu.memory_space<vmem>> -> memref<1x1x1x32x128xf32, #tpu.memory_space<vmem>>
      %dma_start3A_306 = tpu.memref_squeeze %dma_start3A_305 : memref<1x1x1x32x128xf32, #tpu.memory_space<vmem>> -> memref<32x128xf32, #tpu.memory_space<vmem>>
      %dma_start3A_307 = arith.constant 0 : i32
      %dma_start3A_308 = tpu.memref_slice %arg4[%dma_start3A_307, %multiple_of3A_299] : memref<32x1000000xf32, #tpu.memory_space<hbm>> -> memref<32x128xf32, #tpu.memory_space<hbm>>
      %dma_start3A_309 = arith.constant 0 : i32
      %dma_start3A_310 = arith.constant 0 : i32
      %dma_start3A_311 = tpu.memref_slice %arg11[%dma_start3A_300, %dma_start3A_301, %dma_start3A_302, %dma_start3A_309, %dma_start3A_310] : memref<2x2x4x32x128xf32, #tpu.memory_space<vmem>> -> memref<1x1x1x32x128xf32, #tpu.memory_space<vmem>>
      %dma_start3A_312 = tpu.memref_squeeze %dma_start3A_311 : memref<1x1x1x32x128xf32, #tpu.memory_space<vmem>> -> memref<32x128xf32, #tpu.memory_space<vmem>>
      %dma_start3A_313 = arith.constant 0 : i32
      %dma_start3A_314 = tpu.memref_slice %arg4[%dma_start3A_313, %multiple_of3A_299] : memref<32x1000000xf32, #tpu.memory_space<hbm>> -> memref<32x128xf32, #tpu.memory_space<hbm>>
      tpu.enqueue_dma source(%dma_start3A_314 : memref<32x128xf32, #tpu.memory_space<hbm>>) target(%dma_start3A_312 : memref<32x128xf32, #tpu.memory_space<vmem>>) target_semaphore(%arg18 : memref<!tpu.dma_semaphore, #tpu.memory_space<semaphore_mem>>)
      %slice3A_315 = vector.extract_strided_slice %get3A_218 {offsets = [0], sizes = [1], strides = [1]} : vector<16xi32> to vector<1xi32>
      %squeeze3A_316 = vector.extract %slice3A_315[0] : i32 from vector<1xi32>
      %shift_right_arithmetic3A_317 = arith.constant 7 : i32
      %shift_right_arithmetic3A_318 = arith.shrsi %squeeze3A_316, %shift_right_arithmetic3A_317 : i32
      %min3A_319 = arith.constant 7811 : i32
      %min3A_320 = arith.minsi %shift_right_arithmetic3A_318, %min3A_319 : i32
      %mul3A_321 = arith.constant 128 : i32
      %mul3A_322 = arith.muli %min3A_320, %mul3A_321 : i32
      %multiple_of3A_323 = tpu.assume_multiple %mul3A_322, 128 : i32
      %dma_start3A_324 = arith.constant 1 : i32
      %dma_start3A_325 = arith.constant 1 : i32
      %dma_start3A_326 = arith.constant 0 : i32
      %dma_start3A_327 = arith.constant 0 : i32
      %dma_start3A_328 = arith.constant 0 : i32
      %dma_start3A_329 = tpu.memref_slice %arg11[%dma_start3A_324, %dma_start3A_325, %dma_start3A_326, %dma_start3A_327, %dma_start3A_328] : memref<2x2x4x32x128xf32, #tpu.memory_space<vmem>> -> memref<1x1x1x32x128xf32, #tpu.memory_space<vmem>>
      %dma_start3A_330 = tpu.memref_squeeze %dma_start3A_329 : memref<1x1x1x32x128xf32, #tpu.memory_space<vmem>> -> memref<32x128xf32, #tpu.memory_space<vmem>>
      %dma_start3A_331 = arith.constant 0 : i32
      %dma_start3A_332 = tpu.memref_slice %arg5[%dma_start3A_331, %multiple_of3A_323] : memref<32x1000000xf32, #tpu.memory_space<hbm>> -> memref<32x128xf32, #tpu.memory_space<hbm>>
      %dma_start3A_333 = arith.constant 0 : i32
      %dma_start3A_334 = arith.constant 0 : i32
      %dma_start3A_335 = tpu.memref_slice %arg11[%dma_start3A_324, %dma_start3A_325, %dma_start3A_326, %dma_start3A_333, %dma_start3A_334] : memref<2x2x4x32x128xf32, #tpu.memory_space<vmem>> -> memref<1x1x1x32x128xf32, #tpu.memory_space<vmem>>
      %dma_start3A_336 = tpu.memref_squeeze %dma_start3A_335 : memref<1x1x1x32x128xf32, #tpu.memory_space<vmem>> -> memref<32x128xf32, #tpu.memory_space<vmem>>
      %dma_start3A_337 = arith.constant 0 : i32
      %dma_start3A_338 = tpu.memref_slice %arg5[%dma_start3A_337, %multiple_of3A_323] : memref<32x1000000xf32, #tpu.memory_space<hbm>> -> memref<32x128xf32, #tpu.memory_space<hbm>>
      tpu.enqueue_dma source(%dma_start3A_338 : memref<32x128xf32, #tpu.memory_space<hbm>>) target(%dma_start3A_336 : memref<32x128xf32, #tpu.memory_space<vmem>>) target_semaphore(%arg18 : memref<!tpu.dma_semaphore, #tpu.memory_space<semaphore_mem>>)
      %slice3A_339 = vector.extract_strided_slice %get3A_218 {offsets = [1], sizes = [1], strides = [1]} : vector<16xi32> to vector<1xi32>
      %squeeze3A_340 = vector.extract %slice3A_339[0] : i32 from vector<1xi32>
      %shift_right_arithmetic3A_341 = arith.constant 7 : i32
      %shift_right_arithmetic3A_342 = arith.shrsi %squeeze3A_340, %shift_right_arithmetic3A_341 : i32
      %min3A_343 = arith.constant 7811 : i32
      %min3A_344 = arith.minsi %shift_right_arithmetic3A_342, %min3A_343 : i32
      %mul3A_345 = arith.constant 128 : i32
      %mul3A_346 = arith.muli %min3A_344, %mul3A_345 : i32
      %multiple_of3A_347 = tpu.assume_multiple %mul3A_346, 128 : i32
      %dma_start3A_348 = arith.constant 1 : i32
      %dma_start3A_349 = arith.constant 1 : i32
      %dma_start3A_350 = arith.constant 1 : i32
      %dma_start3A_351 = arith.constant 0 : i32
      %dma_start3A_352 = arith.constant 0 : i32
      %dma_start3A_353 = tpu.memref_slice %arg11[%dma_start3A_348, %dma_start3A_349, %dma_start3A_350, %dma_start3A_351, %dma_start3A_352] : memref<2x2x4x32x128xf32, #tpu.memory_space<vmem>> -> memref<1x1x1x32x128xf32, #tpu.memory_space<vmem>>
      %dma_start3A_354 = tpu.memref_squeeze %dma_start3A_353 : memref<1x1x1x32x128xf32, #tpu.memory_space<vmem>> -> memref<32x128xf32, #tpu.memory_space<vmem>>
      %dma_start3A_355 = arith.constant 0 : i32
      %dma_start3A_356 = tpu.memref_slice %arg5[%dma_start3A_355, %multiple_of3A_347] : memref<32x1000000xf32, #tpu.memory_space<hbm>> -> memref<32x128xf32, #tpu.memory_space<hbm>>
      %dma_start3A_357 = arith.constant 0 : i32
      %dma_start3A_358 = arith.constant 0 : i32
      %dma_start3A_359 = tpu.memref_slice %arg11[%dma_start3A_348, %dma_start3A_349, %dma_start3A_350, %dma_start3A_357, %dma_start3A_358] : memref<2x2x4x32x128xf32, #tpu.memory_space<vmem>> -> memref<1x1x1x32x128xf32, #tpu.memory_space<vmem>>
      %dma_start3A_360 = tpu.memref_squeeze %dma_start3A_359 : memref<1x1x1x32x128xf32, #tpu.memory_space<vmem>> -> memref<32x128xf32, #tpu.memory_space<vmem>>
      %dma_start3A_361 = arith.constant 0 : i32
      %dma_start3A_362 = tpu.memref_slice %arg5[%dma_start3A_361, %multiple_of3A_347] : memref<32x1000000xf32, #tpu.memory_space<hbm>> -> memref<32x128xf32, #tpu.memory_space<hbm>>
      tpu.enqueue_dma source(%dma_start3A_362 : memref<32x128xf32, #tpu.memory_space<hbm>>) target(%dma_start3A_360 : memref<32x128xf32, #tpu.memory_space<vmem>>) target_semaphore(%arg18 : memref<!tpu.dma_semaphore, #tpu.memory_space<semaphore_mem>>)
      %slice3A_363 = vector.extract_strided_slice %get3A_218 {offsets = [2], sizes = [1], strides = [1]} : vector<16xi32> to vector<1xi32>
      %squeeze3A_364 = vector.extract %slice3A_363[0] : i32 from vector<1xi32>
      %shift_right_arithmetic3A_365 = arith.constant 7 : i32
      %shift_right_arithmetic3A_366 = arith.shrsi %squeeze3A_364, %shift_right_arithmetic3A_365 : i32
      %min3A_367 = arith.constant 7811 : i32
      %min3A_368 = arith.minsi %shift_right_arithmetic3A_366, %min3A_367 : i32
      %mul3A_369 = arith.constant 128 : i32
      %mul3A_370 = arith.muli %min3A_368, %mul3A_369 : i32
      %multiple_of3A_371 = tpu.assume_multiple %mul3A_370, 128 : i32
      %dma_start3A_372 = arith.constant 1 : i32
      %dma_start3A_373 = arith.constant 1 : i32
      %dma_start3A_374 = arith.constant 2 : i32
      %dma_start3A_375 = arith.constant 0 : i32
      %dma_start3A_376 = arith.constant 0 : i32
      %dma_start3A_377 = tpu.memref_slice %arg11[%dma_start3A_372, %dma_start3A_373, %dma_start3A_374, %dma_start3A_375, %dma_start3A_376] : memref<2x2x4x32x128xf32, #tpu.memory_space<vmem>> -> memref<1x1x1x32x128xf32, #tpu.memory_space<vmem>>
      %dma_start3A_378 = tpu.memref_squeeze %dma_start3A_377 : memref<1x1x1x32x128xf32, #tpu.memory_space<vmem>> -> memref<32x128xf32, #tpu.memory_space<vmem>>
      %dma_start3A_379 = arith.constant 0 : i32
      %dma_start3A_380 = tpu.memref_slice %arg5[%dma_start3A_379, %multiple_of3A_371] : memref<32x1000000xf32, #tpu.memory_space<hbm>> -> memref<32x128xf32, #tpu.memory_space<hbm>>
      %dma_start3A_381 = arith.constant 0 : i32
      %dma_start3A_382 = arith.constant 0 : i32
      %dma_start3A_383 = tpu.memref_slice %arg11[%dma_start3A_372, %dma_start3A_373, %dma_start3A_374, %dma_start3A_381, %dma_start3A_382] : memref<2x2x4x32x128xf32, #tpu.memory_space<vmem>> -> memref<1x1x1x32x128xf32, #tpu.memory_space<vmem>>
      %dma_start3A_384 = tpu.memref_squeeze %dma_start3A_383 : memref<1x1x1x32x128xf32, #tpu.memory_space<vmem>> -> memref<32x128xf32, #tpu.memory_space<vmem>>
      %dma_start3A_385 = arith.constant 0 : i32
      %dma_start3A_386 = tpu.memref_slice %arg5[%dma_start3A_385, %multiple_of3A_371] : memref<32x1000000xf32, #tpu.memory_space<hbm>> -> memref<32x128xf32, #tpu.memory_space<hbm>>
      tpu.enqueue_dma source(%dma_start3A_386 : memref<32x128xf32, #tpu.memory_space<hbm>>) target(%dma_start3A_384 : memref<32x128xf32, #tpu.memory_space<vmem>>) target_semaphore(%arg18 : memref<!tpu.dma_semaphore, #tpu.memory_space<semaphore_mem>>)
      %slice3A_387 = vector.extract_strided_slice %get3A_218 {offsets = [3], sizes = [1], strides = [1]} : vector<16xi32> to vector<1xi32>
      %squeeze3A_388 = vector.extract %slice3A_387[0] : i32 from vector<1xi32>
      %shift_right_arithmetic3A_389 = arith.constant 7 : i32
      %shift_right_arithmetic3A_390 = arith.shrsi %squeeze3A_388, %shift_right_arithmetic3A_389 : i32
      %min3A_391 = arith.constant 7811 : i32
      %min3A_392 = arith.minsi %shift_right_arithmetic3A_390, %min3A_391 : i32
      %mul3A_393 = arith.constant 128 : i32
      %mul3A_394 = arith.muli %min3A_392, %mul3A_393 : i32
      %multiple_of3A_395 = tpu.assume_multiple %mul3A_394, 128 : i32
      %dma_start3A_396 = arith.constant 1 : i32
      %dma_start3A_397 = arith.constant 1 : i32
      %dma_start3A_398 = arith.constant 3 : i32
      %dma_start3A_399 = arith.constant 0 : i32
      %dma_start3A_400 = arith.constant 0 : i32
      %dma_start3A_401 = tpu.memref_slice %arg11[%dma_start3A_396, %dma_start3A_397, %dma_start3A_398, %dma_start3A_399, %dma_start3A_400] : memref<2x2x4x32x128xf32, #tpu.memory_space<vmem>> -> memref<1x1x1x32x128xf32, #tpu.memory_space<vmem>>
      %dma_start3A_402 = tpu.memref_squeeze %dma_start3A_401 : memref<1x1x1x32x128xf32, #tpu.memory_space<vmem>> -> memref<32x128xf32, #tpu.memory_space<vmem>>
      %dma_start3A_403 = arith.constant 0 : i32
      %dma_start3A_404 = tpu.memref_slice %arg5[%dma_start3A_403, %multiple_of3A_395] : memref<32x1000000xf32, #tpu.memory_space<hbm>> -> memref<32x128xf32, #tpu.memory_space<hbm>>
      %dma_start3A_405 = arith.constant 0 : i32
      %dma_start3A_406 = arith.constant 0 : i32
      %dma_start3A_407 = tpu.memref_slice %arg11[%dma_start3A_396, %dma_start3A_397, %dma_start3A_398, %dma_start3A_405, %dma_start3A_406] : memref<2x2x4x32x128xf32, #tpu.memory_space<vmem>> -> memref<1x1x1x32x128xf32, #tpu.memory_space<vmem>>
      %dma_start3A_408 = tpu.memref_squeeze %dma_start3A_407 : memref<1x1x1x32x128xf32, #tpu.memory_space<vmem>> -> memref<32x128xf32, #tpu.memory_space<vmem>>
      %dma_start3A_409 = arith.constant 0 : i32
      %dma_start3A_410 = tpu.memref_slice %arg5[%dma_start3A_409, %multiple_of3A_395] : memref<32x1000000xf32, #tpu.memory_space<hbm>> -> memref<32x128xf32, #tpu.memory_space<hbm>>
      tpu.enqueue_dma source(%dma_start3A_410 : memref<32x128xf32, #tpu.memory_space<hbm>>) target(%dma_start3A_408 : memref<32x128xf32, #tpu.memory_space<vmem>>) target_semaphore(%arg18 : memref<!tpu.dma_semaphore, #tpu.memory_space<semaphore_mem>>)
      %dma_wait3A = arith.constant 0 : i32
      %dma_wait3A_411 = arith.constant 0 : i32
      %dma_wait3A_412 = arith.constant 0 : i32
      %dma_wait3A_413 = arith.constant 0 : i32
      %dma_wait3A_414 = arith.constant 0 : i32
      %dma_wait3A_415 = tpu.memref_slice %arg11[%dma_wait3A, %dma_wait3A_411, %dma_wait3A_412, %dma_wait3A_413, %dma_wait3A_414] : memref<2x2x4x32x128xf32, #tpu.memory_space<vmem>> -> memref<1x1x1x32x128xf32, #tpu.memory_space<vmem>>
      %dma_wait3A_416 = tpu.memref_squeeze %dma_wait3A_415 : memref<1x1x1x32x128xf32, #tpu.memory_space<vmem>> -> memref<32x128xf32, #tpu.memory_space<vmem>>
      %dma_wait3A_417 = arith.constant 0 : i32
      %dma_wait3A_418 = arith.constant 0 : i32
      %dma_wait3A_419 = tpu.memref_slice %arg4[%dma_wait3A_417, %dma_wait3A_418] : memref<32x1000000xf32, #tpu.memory_space<hbm>> -> memref<32x128xf32, #tpu.memory_space<hbm>>
      %dma_wait3A_420 = arith.constant 0 : i32
      %dma_wait3A_421 = arith.constant 0 : i32
      %dma_wait3A_422 = tpu.memref_slice %arg11[%dma_wait3A, %dma_wait3A_411, %dma_wait3A_412, %dma_wait3A_420, %dma_wait3A_421] : memref<2x2x4x32x128xf32, #tpu.memory_space<vmem>> -> memref<1x1x1x32x128xf32, #tpu.memory_space<vmem>>
      %dma_wait3A_423 = tpu.memref_squeeze %dma_wait3A_422 : memref<1x1x1x32x128xf32, #tpu.memory_space<vmem>> -> memref<32x128xf32, #tpu.memory_space<vmem>>
      %dma_wait3A_424 = arith.constant 0 : i32
      %dma_wait3A_425 = arith.constant 0 : i32
      %dma_wait3A_426 = tpu.memref_slice %arg4[%dma_wait3A_424, %dma_wait3A_425] : memref<32x1000000xf32, #tpu.memory_space<hbm>> -> memref<32x128xf32, #tpu.memory_space<hbm>>
      tpu.wait_dma2 semaphore(%arg17 : memref<!tpu.dma_semaphore, #tpu.memory_space<semaphore_mem>>) src(%dma_wait3A_426 : memref<32x128xf32, #tpu.memory_space<hbm>>) dst(%dma_wait3A_423 : memref<32x128xf32, #tpu.memory_space<vmem>>)
      %dma_wait3A_427 = arith.constant 0 : i32
      %dma_wait3A_428 = arith.constant 0 : i32
      %dma_wait3A_429 = arith.constant 0 : i32
      %dma_wait3A_430 = arith.constant 0 : i32
      %dma_wait3A_431 = arith.constant 0 : i32
      %dma_wait3A_432 = tpu.memref_slice %arg11[%dma_wait3A_427, %dma_wait3A_428, %dma_wait3A_429, %dma_wait3A_430, %dma_wait3A_431] : memref<2x2x4x32x128xf32, #tpu.memory_space<vmem>> -> memref<1x1x1x32x128xf32, #tpu.memory_space<vmem>>
      %dma_wait3A_433 = tpu.memref_squeeze %dma_wait3A_432 : memref<1x1x1x32x128xf32, #tpu.memory_space<vmem>> -> memref<32x128xf32, #tpu.memory_space<vmem>>
      %dma_wait3A_434 = arith.constant 0 : i32
      %dma_wait3A_435 = arith.constant 0 : i32
      %dma_wait3A_436 = tpu.memref_slice %arg4[%dma_wait3A_434, %dma_wait3A_435] : memref<32x1000000xf32, #tpu.memory_space<hbm>> -> memref<32x128xf32, #tpu.memory_space<hbm>>
      %dma_wait3A_437 = arith.constant 0 : i32
      %dma_wait3A_438 = arith.constant 0 : i32
      %dma_wait3A_439 = tpu.memref_slice %arg11[%dma_wait3A_427, %dma_wait3A_428, %dma_wait3A_429, %dma_wait3A_437, %dma_wait3A_438] : memref<2x2x4x32x128xf32, #tpu.memory_space<vmem>> -> memref<1x1x1x32x128xf32, #tpu.memory_space<vmem>>
      %dma_wait3A_440 = tpu.memref_squeeze %dma_wait3A_439 : memref<1x1x1x32x128xf32, #tpu.memory_space<vmem>> -> memref<32x128xf32, #tpu.memory_space<vmem>>
      %dma_wait3A_441 = arith.constant 0 : i32
      %dma_wait3A_442 = arith.constant 0 : i32
      %dma_wait3A_443 = tpu.memref_slice %arg4[%dma_wait3A_441, %dma_wait3A_442] : memref<32x1000000xf32, #tpu.memory_space<hbm>> -> memref<32x128xf32, #tpu.memory_space<hbm>>
      tpu.wait_dma2 semaphore(%arg17 : memref<!tpu.dma_semaphore, #tpu.memory_space<semaphore_mem>>) src(%dma_wait3A_443 : memref<32x128xf32, #tpu.memory_space<hbm>>) dst(%dma_wait3A_440 : memref<32x128xf32, #tpu.memory_space<vmem>>)
      %dma_wait3A_444 = arith.constant 0 : i32
      %dma_wait3A_445 = arith.constant 0 : i32
      %dma_wait3A_446 = arith.constant 0 : i32
      %dma_wait3A_447 = arith.constant 0 : i32
      %dma_wait3A_448 = arith.constant 0 : i32
      %dma_wait3A_449 = tpu.memref_slice %arg11[%dma_wait3A_444, %dma_wait3A_445, %dma_wait3A_446, %dma_wait3A_447, %dma_wait3A_448] : memref<2x2x4x32x128xf32, #tpu.memory_space<vmem>> -> memref<1x1x1x32x128xf32, #tpu.memory_space<vmem>>
      %dma_wait3A_450 = tpu.memref_squeeze %dma_wait3A_449 : memref<1x1x1x32x128xf32, #tpu.memory_space<vmem>> -> memref<32x128xf32, #tpu.memory_space<vmem>>
      %dma_wait3A_451 = arith.constant 0 : i32
      %dma_wait3A_452 = arith.constant 0 : i32
      %dma_wait3A_453 = tpu.memref_slice %arg4[%dma_wait3A_451, %dma_wait3A_452] : memref<32x1000000xf32, #tpu.memory_space<hbm>> -> memref<32x128xf32, #tpu.memory_space<hbm>>
      %dma_wait3A_454 = arith.constant 0 : i32
      %dma_wait3A_455 = arith.constant 0 : i32
      %dma_wait3A_456 = tpu.memref_slice %arg11[%dma_wait3A_444, %dma_wait3A_445, %dma_wait3A_446, %dma_wait3A_454, %dma_wait3A_455] : memref<2x2x4x32x128xf32, #tpu.memory_space<vmem>> -> memref<1x1x1x32x128xf32, #tpu.memory_space<vmem>>
      %dma_wait3A_457 = tpu.memref_squeeze %dma_wait3A_456 : memref<1x1x1x32x128xf32, #tpu.memory_space<vmem>> -> memref<32x128xf32, #tpu.memory_space<vmem>>
      %dma_wait3A_458 = arith.constant 0 : i32
      %dma_wait3A_459 = arith.constant 0 : i32
      %dma_wait3A_460 = tpu.memref_slice %arg4[%dma_wait3A_458, %dma_wait3A_459] : memref<32x1000000xf32, #tpu.memory_space<hbm>> -> memref<32x128xf32, #tpu.memory_space<hbm>>
      tpu.wait_dma2 semaphore(%arg17 : memref<!tpu.dma_semaphore, #tpu.memory_space<semaphore_mem>>) src(%dma_wait3A_460 : memref<32x128xf32, #tpu.memory_space<hbm>>) dst(%dma_wait3A_457 : memref<32x128xf32, #tpu.memory_space<vmem>>)
      %dma_wait3A_461 = arith.constant 0 : i32
      %dma_wait3A_462 = arith.constant 0 : i32
      %dma_wait3A_463 = arith.constant 0 : i32
      %dma_wait3A_464 = arith.constant 0 : i32
      %dma_wait3A_465 = arith.constant 0 : i32
      %dma_wait3A_466 = tpu.memref_slice %arg11[%dma_wait3A_461, %dma_wait3A_462, %dma_wait3A_463, %dma_wait3A_464, %dma_wait3A_465] : memref<2x2x4x32x128xf32, #tpu.memory_space<vmem>> -> memref<1x1x1x32x128xf32, #tpu.memory_space<vmem>>
      %dma_wait3A_467 = tpu.memref_squeeze %dma_wait3A_466 : memref<1x1x1x32x128xf32, #tpu.memory_space<vmem>> -> memref<32x128xf32, #tpu.memory_space<vmem>>
      %dma_wait3A_468 = arith.constant 0 : i32
      %dma_wait3A_469 = arith.constant 0 : i32
      %dma_wait3A_470 = tpu.memref_slice %arg4[%dma_wait3A_468, %dma_wait3A_469] : memref<32x1000000xf32, #tpu.memory_space<hbm>> -> memref<32x128xf32, #tpu.memory_space<hbm>>
      %dma_wait3A_471 = arith.constant 0 : i32
      %dma_wait3A_472 = arith.constant 0 : i32
      %dma_wait3A_473 = tpu.memref_slice %arg11[%dma_wait3A_461, %dma_wait3A_462, %dma_wait3A_463, %dma_wait3A_471, %dma_wait3A_472] : memref<2x2x4x32x128xf32, #tpu.memory_space<vmem>> -> memref<1x1x1x32x128xf32, #tpu.memory_space<vmem>>
      %dma_wait3A_474 = tpu.memref_squeeze %dma_wait3A_473 : memref<1x1x1x32x128xf32, #tpu.memory_space<vmem>> -> memref<32x128xf32, #tpu.memory_space<vmem>>
      %dma_wait3A_475 = arith.constant 0 : i32
      %dma_wait3A_476 = arith.constant 0 : i32
      %dma_wait3A_477 = tpu.memref_slice %arg4[%dma_wait3A_475, %dma_wait3A_476] : memref<32x1000000xf32, #tpu.memory_space<hbm>> -> memref<32x128xf32, #tpu.memory_space<hbm>>
      tpu.wait_dma2 semaphore(%arg17 : memref<!tpu.dma_semaphore, #tpu.memory_space<semaphore_mem>>) src(%dma_wait3A_477 : memref<32x128xf32, #tpu.memory_space<hbm>>) dst(%dma_wait3A_474 : memref<32x128xf32, #tpu.memory_space<vmem>>)
      %dma_wait3A_478 = arith.constant 0 : i32
      %dma_wait3A_479 = arith.constant 0 : i32
      %dma_wait3A_480 = arith.constant 0 : i32
      %dma_wait3A_481 = arith.constant 0 : i32
      %dma_wait3A_482 = arith.constant 0 : i32
      %dma_wait3A_483 = tpu.memref_slice %arg11[%dma_wait3A_478, %dma_wait3A_479, %dma_wait3A_480, %dma_wait3A_481, %dma_wait3A_482] : memref<2x2x4x32x128xf32, #tpu.memory_space<vmem>> -> memref<1x1x1x32x128xf32, #tpu.memory_space<vmem>>
      %dma_wait3A_484 = tpu.memref_squeeze %dma_wait3A_483 : memref<1x1x1x32x128xf32, #tpu.memory_space<vmem>> -> memref<32x128xf32, #tpu.memory_space<vmem>>
      %dma_wait3A_485 = arith.constant 0 : i32
      %dma_wait3A_486 = arith.constant 0 : i32
      %dma_wait3A_487 = tpu.memref_slice %arg4[%dma_wait3A_485, %dma_wait3A_486] : memref<32x1000000xf32, #tpu.memory_space<hbm>> -> memref<32x128xf32, #tpu.memory_space<hbm>>
      %dma_wait3A_488 = arith.constant 0 : i32
      %dma_wait3A_489 = arith.constant 0 : i32
      %dma_wait3A_490 = tpu.memref_slice %arg11[%dma_wait3A_478, %dma_wait3A_479, %dma_wait3A_480, %dma_wait3A_488, %dma_wait3A_489] : memref<2x2x4x32x128xf32, #tpu.memory_space<vmem>> -> memref<1x1x1x32x128xf32, #tpu.memory_space<vmem>>
      %dma_wait3A_491 = tpu.memref_squeeze %dma_wait3A_490 : memref<1x1x1x32x128xf32, #tpu.memory_space<vmem>> -> memref<32x128xf32, #tpu.memory_space<vmem>>
      %dma_wait3A_492 = arith.constant 0 : i32
      %dma_wait3A_493 = arith.constant 0 : i32
      %dma_wait3A_494 = tpu.memref_slice %arg4[%dma_wait3A_492, %dma_wait3A_493] : memref<32x1000000xf32, #tpu.memory_space<hbm>> -> memref<32x128xf32, #tpu.memory_space<hbm>>
      tpu.wait_dma2 semaphore(%arg17 : memref<!tpu.dma_semaphore, #tpu.memory_space<semaphore_mem>>) src(%dma_wait3A_494 : memref<32x128xf32, #tpu.memory_space<hbm>>) dst(%dma_wait3A_491 : memref<32x128xf32, #tpu.memory_space<vmem>>)
      %dma_wait3A_495 = arith.constant 0 : i32
      %dma_wait3A_496 = arith.constant 0 : i32
      %dma_wait3A_497 = arith.constant 0 : i32
      %dma_wait3A_498 = arith.constant 0 : i32
      %dma_wait3A_499 = arith.constant 0 : i32
      %dma_wait3A_500 = tpu.memref_slice %arg11[%dma_wait3A_495, %dma_wait3A_496, %dma_wait3A_497, %dma_wait3A_498, %dma_wait3A_499] : memref<2x2x4x32x128xf32, #tpu.memory_space<vmem>> -> memref<1x1x1x32x128xf32, #tpu.memory_space<vmem>>
      %dma_wait3A_501 = tpu.memref_squeeze %dma_wait3A_500 : memref<1x1x1x32x128xf32, #tpu.memory_space<vmem>> -> memref<32x128xf32, #tpu.memory_space<vmem>>
      %dma_wait3A_502 = arith.constant 0 : i32
      %dma_wait3A_503 = arith.constant 0 : i32
      %dma_wait3A_504 = tpu.memref_slice %arg4[%dma_wait3A_502, %dma_wait3A_503] : memref<32x1000000xf32, #tpu.memory_space<hbm>> -> memref<32x128xf32, #tpu.memory_space<hbm>>
      %dma_wait3A_505 = arith.constant 0 : i32
      %dma_wait3A_506 = arith.constant 0 : i32
      %dma_wait3A_507 = tpu.memref_slice %arg11[%dma_wait3A_495, %dma_wait3A_496, %dma_wait3A_497, %dma_wait3A_505, %dma_wait3A_506] : memref<2x2x4x32x128xf32, #tpu.memory_space<vmem>> -> memref<1x1x1x32x128xf32, #tpu.memory_space<vmem>>
      %dma_wait3A_508 = tpu.memref_squeeze %dma_wait3A_507 : memref<1x1x1x32x128xf32, #tpu.memory_space<vmem>> -> memref<32x128xf32, #tpu.memory_space<vmem>>
      %dma_wait3A_509 = arith.constant 0 : i32
      %dma_wait3A_510 = arith.constant 0 : i32
      %dma_wait3A_511 = tpu.memref_slice %arg4[%dma_wait3A_509, %dma_wait3A_510] : memref<32x1000000xf32, #tpu.memory_space<hbm>> -> memref<32x128xf32, #tpu.memory_space<hbm>>
      tpu.wait_dma2 semaphore(%arg17 : memref<!tpu.dma_semaphore, #tpu.memory_space<semaphore_mem>>) src(%dma_wait3A_511 : memref<32x128xf32, #tpu.memory_space<hbm>>) dst(%dma_wait3A_508 : memref<32x128xf32, #tpu.memory_space<vmem>>)
      %dma_wait3A_512 = arith.constant 0 : i32
      %dma_wait3A_513 = arith.constant 0 : i32
      %dma_wait3A_514 = arith.constant 0 : i32
      %dma_wait3A_515 = arith.constant 0 : i32
      %dma_wait3A_516 = arith.constant 0 : i32
      %dma_wait3A_517 = tpu.memref_slice %arg11[%dma_wait3A_512, %dma_wait3A_513, %dma_wait3A_514, %dma_wait3A_515, %dma_wait3A_516] : memref<2x2x4x32x128xf32, #tpu.memory_space<vmem>> -> memref<1x1x1x32x128xf32, #tpu.memory_space<vmem>>
      %dma_wait3A_518 = tpu.memref_squeeze %dma_wait3A_517 : memref<1x1x1x32x128xf32, #tpu.memory_space<vmem>> -> memref<32x128xf32, #tpu.memory_space<vmem>>
      %dma_wait3A_519 = arith.constant 0 : i32
      %dma_wait3A_520 = arith.constant 0 : i32
      %dma_wait3A_521 = tpu.memref_slice %arg4[%dma_wait3A_519, %dma_wait3A_520] : memref<32x1000000xf32, #tpu.memory_space<hbm>> -> memref<32x128xf32, #tpu.memory_space<hbm>>
      %dma_wait3A_522 = arith.constant 0 : i32
      %dma_wait3A_523 = arith.constant 0 : i32
      %dma_wait3A_524 = tpu.memref_slice %arg11[%dma_wait3A_512, %dma_wait3A_513, %dma_wait3A_514, %dma_wait3A_522, %dma_wait3A_523] : memref<2x2x4x32x128xf32, #tpu.memory_space<vmem>> -> memref<1x1x1x32x128xf32, #tpu.memory_space<vmem>>
      %dma_wait3A_525 = tpu.memref_squeeze %dma_wait3A_524 : memref<1x1x1x32x128xf32, #tpu.memory_space<vmem>> -> memref<32x128xf32, #tpu.memory_space<vmem>>
      %dma_wait3A_526 = arith.constant 0 : i32
      %dma_wait3A_527 = arith.constant 0 : i32
      %dma_wait3A_528 = tpu.memref_slice %arg4[%dma_wait3A_526, %dma_wait3A_527] : memref<32x1000000xf32, #tpu.memory_space<hbm>> -> memref<32x128xf32, #tpu.memory_space<hbm>>
      tpu.wait_dma2 semaphore(%arg17 : memref<!tpu.dma_semaphore, #tpu.memory_space<semaphore_mem>>) src(%dma_wait3A_528 : memref<32x128xf32, #tpu.memory_space<hbm>>) dst(%dma_wait3A_525 : memref<32x128xf32, #tpu.memory_space<vmem>>)
      %dma_wait3A_529 = arith.constant 0 : i32
      %dma_wait3A_530 = arith.constant 0 : i32
      %dma_wait3A_531 = arith.constant 0 : i32
      %dma_wait3A_532 = arith.constant 0 : i32
      %dma_wait3A_533 = arith.constant 0 : i32
      %dma_wait3A_534 = tpu.memref_slice %arg11[%dma_wait3A_529, %dma_wait3A_530, %dma_wait3A_531, %dma_wait3A_532, %dma_wait3A_533] : memref<2x2x4x32x128xf32, #tpu.memory_space<vmem>> -> memref<1x1x1x32x128xf32, #tpu.memory_space<vmem>>
      %dma_wait3A_535 = tpu.memref_squeeze %dma_wait3A_534 : memref<1x1x1x32x128xf32, #tpu.memory_space<vmem>> -> memref<32x128xf32, #tpu.memory_space<vmem>>
      %dma_wait3A_536 = arith.constant 0 : i32
      %dma_wait3A_537 = arith.constant 0 : i32
      %dma_wait3A_538 = tpu.memref_slice %arg4[%dma_wait3A_536, %dma_wait3A_537] : memref<32x1000000xf32, #tpu.memory_space<hbm>> -> memref<32x128xf32, #tpu.memory_space<hbm>>
      %dma_wait3A_539 = arith.constant 0 : i32
      %dma_wait3A_540 = arith.constant 0 : i32
      %dma_wait3A_541 = tpu.memref_slice %arg11[%dma_wait3A_529, %dma_wait3A_530, %dma_wait3A_531, %dma_wait3A_539, %dma_wait3A_540] : memref<2x2x4x32x128xf32, #tpu.memory_space<vmem>> -> memref<1x1x1x32x128xf32, #tpu.memory_space<vmem>>
      %dma_wait3A_542 = tpu.memref_squeeze %dma_wait3A_541 : memref<1x1x1x32x128xf32, #tpu.memory_space<vmem>> -> memref<32x128xf32, #tpu.memory_space<vmem>>
      %dma_wait3A_543 = arith.constant 0 : i32
      %dma_wait3A_544 = arith.constant 0 : i32
      %dma_wait3A_545 = tpu.memref_slice %arg4[%dma_wait3A_543, %dma_wait3A_544] : memref<32x1000000xf32, #tpu.memory_space<hbm>> -> memref<32x128xf32, #tpu.memory_space<hbm>>
      tpu.wait_dma2 semaphore(%arg17 : memref<!tpu.dma_semaphore, #tpu.memory_space<semaphore_mem>>) src(%dma_wait3A_545 : memref<32x128xf32, #tpu.memory_space<hbm>>) dst(%dma_wait3A_542 : memref<32x128xf32, #tpu.memory_space<vmem>>)
      %mul3A_546 = arith.constant 4 : i32
      %mul3A_547 = arith.muli %mul3A_208, %mul3A_546 : i32
      %get3A_548 = arith.index_cast %mul3A_547 : i32 to index
      %get3A_549 = tpu.vector_load %arg9[%get3A_548] {strides = array<i32>} : memref<528xi32, #tpu.memory_space<vmem>>, vector<16xi32>,
      %mul3A_550 = arith.constant 4 : i32
      %mul3A_551 = arith.muli %mul3A_208, %mul3A_550 : i32
      %get3A_552 = arith.index_cast %mul3A_551 : i32 to index
      %get3A_553 = tpu.vector_load %arg10[%get3A_552] {strides = array<i32>} : memref<528xi32, #tpu.memory_space<vmem>>, vector<16xi32>,
      %slice3A_554 = vector.extract_strided_slice %get3A_549 {offsets = [0], sizes = [1], strides = [1]} : vector<16xi32> to vector<1xi32>
      %squeeze3A_555 = vector.extract %slice3A_554[0] : i32 from vector<1xi32>
      %and3A_556 = arith.constant 127 : i32
      %and3A_557 = arith.andi %squeeze3A_555, %and3A_556 : i32
      %slice3A_558 = vector.extract_strided_slice %get3A_549 {offsets = [1], sizes = [1], strides = [1]} : vector<16xi32> to vector<1xi32>
      %squeeze3A_559 = vector.extract %slice3A_558[0] : i32 from vector<1xi32>
      %and3A_560 = arith.constant 127 : i32
      %and3A_561 = arith.andi %squeeze3A_559, %and3A_560 : i32
      %slice3A_562 = vector.extract_strided_slice %get3A_549 {offsets = [2], sizes = [1], strides = [1]} : vector<16xi32> to vector<1xi32>
      %squeeze3A_563 = vector.extract %slice3A_562[0] : i32 from vector<1xi32>
      %and3A_564 = arith.constant 127 : i32
      %and3A_565 = arith.andi %squeeze3A_563, %and3A_564 : i32
      %slice3A_566 = vector.extract_strided_slice %get3A_549 {offsets = [3], sizes = [1], strides = [1]} : vector<16xi32> to vector<1xi32>
      %squeeze3A_567 = vector.extract %slice3A_566[0] : i32 from vector<1xi32>
      %and3A_568 = arith.constant 127 : i32
      %and3A_569 = arith.andi %squeeze3A_567, %and3A_568 : i32
      %broadcast_in_dim3A_570 = vector.broadcast %and3A_557 : i32 to vector<16xi32>
      %eq3A = arith.constant 1 : i32
      %eq3A_571 = vector.broadcast %eq3A : i32 to vector<16xi32>
      %eq3A_572 = arith.cmpi eq, %shift_right_arithmetic3A_4, %eq3A_571 : vector<16xi32>
      %broadcast_in_dim3A_573 = vector.broadcast %and3A_561 : i32 to vector<16xi32>
      %select_n3A = arith.select %eq3A_572, %broadcast_in_dim3A_573, %broadcast_in_dim3A_570 : vector<16xi1>, vector<16xi32>
      %eq3A_574 = arith.constant 2 : i32
      %eq3A_575 = vector.broadcast %eq3A_574 : i32 to vector<16xi32>
      %eq3A_576 = arith.cmpi eq, %shift_right_arithmetic3A_4, %eq3A_575 : vector<16xi32>
      %broadcast_in_dim3A_577 = vector.broadcast %and3A_565 : i32 to vector<16xi32>
      %select_n3A_578 = arith.select %eq3A_576, %broadcast_in_dim3A_577, %select_n3A : vector<16xi1>, vector<16xi32>
      %eq3A_579 = arith.constant 3 : i32
      %eq3A_580 = vector.broadcast %eq3A_579 : i32 to vector<16xi32>
      %eq3A_581 = arith.cmpi eq, %shift_right_arithmetic3A_4, %eq3A_580 : vector<16xi32>
      %broadcast_in_dim3A_582 = vector.broadcast %and3A_569 : i32 to vector<16xi32>
      %select_n3A_583 = arith.select %eq3A_581, %broadcast_in_dim3A_582, %select_n3A_578 : vector<16xi1>, vector<16xi32>
      %slice3A_584 = vector.extract_strided_slice %get3A_553 {offsets = [0], sizes = [1], strides = [1]} : vector<16xi32> to vector<1xi32>
      %squeeze3A_585 = vector.extract %slice3A_584[0] : i32 from vector<1xi32>
      %and3A_586 = arith.constant 127 : i32
      %and3A_587 = arith.andi %squeeze3A_585, %and3A_586 : i32
      %slice3A_588 = vector.extract_strided_slice %get3A_553 {offsets = [1], sizes = [1], strides = [1]} : vector<16xi32> to vector<1xi32>
      %squeeze3A_589 = vector.extract %slice3A_588[0] : i32 from vector<1xi32>
      %and3A_590 = arith.constant 127 : i32
      %and3A_591 = arith.andi %squeeze3A_589, %and3A_590 : i32
      %slice3A_592 = vector.extract_strided_slice %get3A_553 {offsets = [2], sizes = [1], strides = [1]} : vector<16xi32> to vector<1xi32>
      %squeeze3A_593 = vector.extract %slice3A_592[0] : i32 from vector<1xi32>
      %and3A_594 = arith.constant 127 : i32
      %and3A_595 = arith.andi %squeeze3A_593, %and3A_594 : i32
      %slice3A_596 = vector.extract_strided_slice %get3A_553 {offsets = [3], sizes = [1], strides = [1]} : vector<16xi32> to vector<1xi32>
      %squeeze3A_597 = vector.extract %slice3A_596[0] : i32 from vector<1xi32>
      %and3A_598 = arith.constant 127 : i32
      %and3A_599 = arith.andi %squeeze3A_597, %and3A_598 : i32
      %broadcast_in_dim3A_600 = vector.broadcast %and3A_587 : i32 to vector<16xi32>
      %eq3A_601 = arith.constant 1 : i32
      %eq3A_602 = vector.broadcast %eq3A_601 : i32 to vector<16xi32>
      %eq3A_603 = arith.cmpi eq, %shift_right_arithmetic3A_4, %eq3A_602 : vector<16xi32>
      %broadcast_in_dim3A_604 = vector.broadcast %and3A_591 : i32 to vector<16xi32>
      %select_n3A_605 = arith.select %eq3A_603, %broadcast_in_dim3A_604, %broadcast_in_dim3A_600 : vector<16xi1>, vector<16xi32>
      %eq3A_606 = arith.constant 2 : i32
      %eq3A_607 = vector.broadcast %eq3A_606 : i32 to vector<16xi32>
      %eq3A_608 = arith.cmpi eq, %shift_right_arithmetic3A_4, %eq3A_607 : vector<16xi32>
      %broadcast_in_dim3A_609 = vector.broadcast %and3A_595 : i32 to vector<16xi32>
      %select_n3A_610 = arith.select %eq3A_608, %broadcast_in_dim3A_609, %select_n3A_605 : vector<16xi1>, vector<16xi32>
      %eq3A_611 = arith.constant 3 : i32
      %eq3A_612 = vector.broadcast %eq3A_611 : i32 to vector<16xi32>
      %eq3A_613 = arith.cmpi eq, %shift_right_arithmetic3A_4, %eq3A_612 : vector<16xi32>
      %broadcast_in_dim3A_614 = vector.broadcast %and3A_599 : i32 to vector<16xi32>
      %select_n3A_615 = arith.select %eq3A_613, %broadcast_in_dim3A_614, %select_n3A_610 : vector<16xi1>, vector<16xi32>
      %slice3A_616 = vector.extract_strided_slice %get3A_549 {offsets = [0], sizes = [1], strides = [1]} : vector<16xi32> to vector<1xi32>
      %squeeze3A_617 = vector.extract %slice3A_616[0] : i32 from vector<1xi32>
      %sub3A = arith.constant 999936 : i32
      %sub3A_618 = arith.subi %squeeze3A_617, %sub3A : i32
      %jit3A = arith.constant 0 : i32
      %jit3A_619 = arith.constant 63 : i32
      %max3A = arith.maxsi %jit3A, %sub3A_618 : i32
      %min3A_620 = arith.minsi %jit3A_619, %max3A : i32
      %slice3A_621 = vector.extract_strided_slice %get3A_549 {offsets = [1], sizes = [1], strides = [1]} : vector<16xi32> to vector<1xi32>
      %squeeze3A_622 = vector.extract %slice3A_621[0] : i32 from vector<1xi32>
      %sub3A_623 = arith.constant 999936 : i32
      %sub3A_624 = arith.subi %squeeze3A_622, %sub3A_623 : i32
      %jit3A_625 = arith.constant 0 : i32
      %jit3A_626 = arith.constant 63 : i32
      %max3A_627 = arith.maxsi %jit3A_625, %sub3A_624 : i32
      %min3A_628 = arith.minsi %jit3A_626, %max3A_627 : i32
      %slice3A_629 = vector.extract_strided_slice %get3A_549 {offsets = [2], sizes = [1], strides = [1]} : vector<16xi32> to vector<1xi32>
      %squeeze3A_630 = vector.extract %slice3A_629[0] : i32 from vector<1xi32>
      %sub3A_631 = arith.constant 999936 : i32
      %sub3A_632 = arith.subi %squeeze3A_630, %sub3A_631 : i32
      %jit3A_633 = arith.constant 0 : i32
      %jit3A_634 = arith.constant 63 : i32
      %max3A_635 = arith.maxsi %jit3A_633, %sub3A_632 : i32
      %min3A_636 = arith.minsi %jit3A_634, %max3A_635 : i32
      %slice3A_637 = vector.extract_strided_slice %get3A_549 {offsets = [3], sizes = [1], strides = [1]} : vector<16xi32> to vector<1xi32>
      %squeeze3A_638 = vector.extract %slice3A_637[0] : i32 from vector<1xi32>
      %sub3A_639 = arith.constant 999936 : i32
      %sub3A_640 = arith.subi %squeeze3A_638, %sub3A_639 : i32
      %jit3A_641 = arith.constant 0 : i32
      %jit3A_642 = arith.constant 63 : i32
      %max3A_643 = arith.maxsi %jit3A_641, %sub3A_640 : i32
      %min3A_644 = arith.minsi %jit3A_642, %max3A_643 : i32
      %broadcast_in_dim3A_645 = vector.broadcast %min3A_620 : i32 to vector<16xi32>
      %eq3A_646 = arith.constant 1 : i32
      %eq3A_647 = vector.broadcast %eq3A_646 : i32 to vector<16xi32>
      %eq3A_648 = arith.cmpi eq, %shift_right_arithmetic3A_4, %eq3A_647 : vector<16xi32>
      %broadcast_in_dim3A_649 = vector.broadcast %min3A_628 : i32 to vector<16xi32>
      %select_n3A_650 = arith.select %eq3A_648, %broadcast_in_dim3A_649, %broadcast_in_dim3A_645 : vector<16xi1>, vector<16xi32>
      %eq3A_651 = arith.constant 2 : i32
      %eq3A_652 = vector.broadcast %eq3A_651 : i32 to vector<16xi32>
      %eq3A_653 = arith.cmpi eq, %shift_right_arithmetic3A_4, %eq3A_652 : vector<16xi32>
      %broadcast_in_dim3A_654 = vector.broadcast %min3A_636 : i32 to vector<16xi32>
      %select_n3A_655 = arith.select %eq3A_653, %broadcast_in_dim3A_654, %select_n3A_650 : vector<16xi1>, vector<16xi32>
      %eq3A_656 = arith.constant 3 : i32
      %eq3A_657 = vector.broadcast %eq3A_656 : i32 to vector<16xi32>
      %eq3A_658 = arith.cmpi eq, %shift_right_arithmetic3A_4, %eq3A_657 : vector<16xi32>
      %broadcast_in_dim3A_659 = vector.broadcast %min3A_644 : i32 to vector<16xi32>
      %select_n3A_660 = arith.select %eq3A_658, %broadcast_in_dim3A_659, %select_n3A_655 : vector<16xi1>, vector<16xi32>
      %slice3A_661 = vector.extract_strided_slice %get3A_553 {offsets = [0], sizes = [1], strides = [1]} : vector<16xi32> to vector<1xi32>
      %squeeze3A_662 = vector.extract %slice3A_661[0] : i32 from vector<1xi32>
      %sub3A_663 = arith.constant 999936 : i32
      %sub3A_664 = arith.subi %squeeze3A_662, %sub3A_663 : i32
      %jit3A_665 = arith.constant 0 : i32
      %jit3A_666 = arith.constant 63 : i32
      %max3A_667 = arith.maxsi %jit3A_665, %sub3A_664 : i32
      %min3A_668 = arith.minsi %jit3A_666, %max3A_667 : i32
      %slice3A_669 = vector.extract_strided_slice %get3A_553 {offsets = [1], sizes = [1], strides = [1]} : vector<16xi32> to vector<1xi32>
      %squeeze3A_670 = vector.extract %slice3A_669[0] : i32 from vector<1xi32>
      %sub3A_671 = arith.constant 999936 : i32
      %sub3A_672 = arith.subi %squeeze3A_670, %sub3A_671 : i32
      %jit3A_673 = arith.constant 0 : i32
      %jit3A_674 = arith.constant 63 : i32
      %max3A_675 = arith.maxsi %jit3A_673, %sub3A_672 : i32
      %min3A_676 = arith.minsi %jit3A_674, %max3A_675 : i32
      %slice3A_677 = vector.extract_strided_slice %get3A_553 {offsets = [2], sizes = [1], strides = [1]} : vector<16xi32> to vector<1xi32>
      %squeeze3A_678 = vector.extract %slice3A_677[0] : i32 from vector<1xi32>
      %sub3A_679 = arith.constant 999936 : i32
      %sub3A_680 = arith.subi %squeeze3A_678, %sub3A_679 : i32
      %jit3A_681 = arith.constant 0 : i32
      %jit3A_682 = arith.constant 63 : i32
      %max3A_683 = arith.maxsi %jit3A_681, %sub3A_680 : i32
      %min3A_684 = arith.minsi %jit3A_682, %max3A_683 : i32
      %slice3A_685 = vector.extract_strided_slice %get3A_553 {offsets = [3], sizes = [1], strides = [1]} : vector<16xi32> to vector<1xi32>
      %squeeze3A_686 = vector.extract %slice3A_685[0] : i32 from vector<1xi32>
      %sub3A_687 = arith.constant 999936 : i32
      %sub3A_688 = arith.subi %squeeze3A_686, %sub3A_687 : i32
      %jit3A_689 = arith.constant 0 : i32
      %jit3A_690 = arith.constant 63 : i32
      %max3A_691 = arith.maxsi %jit3A_689, %sub3A_688 : i32
      %min3A_692 = arith.minsi %jit3A_690, %max3A_691 : i32
      %broadcast_in_dim3A_693 = vector.broadcast %min3A_668 : i32 to vector<16xi32>
      %eq3A_694 = arith.constant 1 : i32
      %eq3A_695 = vector.broadcast %eq3A_694 : i32 to vector<16xi32>
      %eq3A_696 = arith.cmpi eq, %shift_right_arithmetic3A_4, %eq3A_695 : vector<16xi32>
      %broadcast_in_dim3A_697 = vector.broadcast %min3A_676 : i32 to vector<16xi32>
      %select_n3A_698 = arith.select %eq3A_696, %broadcast_in_dim3A_697, %broadcast_in_dim3A_693 : vector<16xi1>, vector<16xi32>
      %eq3A_699 = arith.constant 2 : i32
      %eq3A_700 = vector.broadcast %eq3A_699 : i32 to vector<16xi32>
      %eq3A_701 = arith.cmpi eq, %shift_right_arithmetic3A_4, %eq3A_700 : vector<16xi32>
      %broadcast_in_dim3A_702 = vector.broadcast %min3A_684 : i32 to vector<16xi32>
      %select_n3A_703 = arith.select %eq3A_701, %broadcast_in_dim3A_702, %select_n3A_698 : vector<16xi1>, vector<16xi32>
      %eq3A_704 = arith.constant 3 : i32
      %eq3A_705 = vector.broadcast %eq3A_704 : i32 to vector<16xi32>
      %eq3A_706 = arith.cmpi eq, %shift_right_arithmetic3A_4, %eq3A_705 : vector<16xi32>
      %broadcast_in_dim3A_707 = vector.broadcast %min3A_692 : i32 to vector<16xi32>
      %select_n3A_708 = arith.select %eq3A_706, %broadcast_in_dim3A_707, %select_n3A_703 : vector<16xi1>, vector<16xi32>
      %slice3A_709 = vector.extract_strided_slice %get3A_549 {offsets = [0], sizes = [1], strides = [1]} : vector<16xi32> to vector<1xi32>
      %squeeze3A_710 = vector.extract %slice3A_709[0] : i32 from vector<1xi32>
      %ge3A = arith.constant 999936 : i32
      %ge3A_711 = arith.cmpi sge, %squeeze3A_710, %ge3A : i32
      %convert_element_type3A = arith.extui %ge3A_711 : i1 to i32
      %slice3A_712 = vector.extract_strided_slice %get3A_549 {offsets = [1], sizes = [1], strides = [1]} : vector<16xi32> to vector<1xi32>
      %squeeze3A_713 = vector.extract %slice3A_712[0] : i32 from vector<1xi32>
      %ge3A_714 = arith.constant 999936 : i32
      %ge3A_715 = arith.cmpi sge, %squeeze3A_713, %ge3A_714 : i32
      %convert_element_type3A_716 = arith.extui %ge3A_715 : i1 to i32
      %slice3A_717 = vector.extract_strided_slice %get3A_549 {offsets = [2], sizes = [1], strides = [1]} : vector<16xi32> to vector<1xi32>
      %squeeze3A_718 = vector.extract %slice3A_717[0] : i32 from vector<1xi32>
      %ge3A_719 = arith.constant 999936 : i32
      %ge3A_720 = arith.cmpi sge, %squeeze3A_718, %ge3A_719 : i32
      %convert_element_type3A_721 = arith.extui %ge3A_720 : i1 to i32
      %slice3A_722 = vector.extract_strided_slice %get3A_549 {offsets = [3], sizes = [1], strides = [1]} : vector<16xi32> to vector<1xi32>
      %squeeze3A_723 = vector.extract %slice3A_722[0] : i32 from vector<1xi32>
      %ge3A_724 = arith.constant 999936 : i32
      %ge3A_725 = arith.cmpi sge, %squeeze3A_723, %ge3A_724 : i32
      %convert_element_type3A_726 = arith.extui %ge3A_725 : i1 to i32
      %broadcast_in_dim3A_727 = vector.broadcast %convert_element_type3A : i32 to vector<16xi32>
      %eq3A_728 = arith.constant 1 : i32
      %eq3A_729 = vector.broadcast %eq3A_728 : i32 to vector<16xi32>
      %eq3A_730 = arith.cmpi eq, %shift_right_arithmetic3A_4, %eq3A_729 : vector<16xi32>
      %broadcast_in_dim3A_731 = vector.broadcast %convert_element_type3A_716 : i32 to vector<16xi32>
      %select_n3A_732 = arith.select %eq3A_730, %broadcast_in_dim3A_731, %broadcast_in_dim3A_727 : vector<16xi1>, vector<16xi32>
      %eq3A_733 = arith.constant 2 : i32
      %eq3A_734 = vector.broadcast %eq3A_733 : i32 to vector<16xi32>
      %eq3A_735 = arith.cmpi eq, %shift_right_arithmetic3A_4, %eq3A_734 : vector<16xi32>
      %broadcast_in_dim3A_736 = vector.broadcast %convert_element_type3A_721 : i32 to vector<16xi32>
      %select_n3A_737 = arith.select %eq3A_735, %broadcast_in_dim3A_736, %select_n3A_732 : vector<16xi1>, vector<16xi32>
      %eq3A_738 = arith.constant 3 : i32
      %eq3A_739 = vector.broadcast %eq3A_738 : i32 to vector<16xi32>
      %eq3A_740 = arith.cmpi eq, %shift_right_arithmetic3A_4, %eq3A_739 : vector<16xi32>
      %broadcast_in_dim3A_741 = vector.broadcast %convert_element_type3A_726 : i32 to vector<16xi32>
      %select_n3A_742 = arith.select %eq3A_740, %broadcast_in_dim3A_741, %select_n3A_737 : vector<16xi1>, vector<16xi32>
      %gt3A = arith.constant 0 : i32
      %gt3A_743 = vector.broadcast %gt3A : i32 to vector<16xi32>
      %gt3A_744 = arith.cmpi sgt, %select_n3A_742, %gt3A_743 : vector<16xi32>
      %slice3A_745 = vector.extract_strided_slice %get3A_553 {offsets = [0], sizes = [1], strides = [1]} : vector<16xi32> to vector<1xi32>
      %squeeze3A_746 = vector.extract %slice3A_745[0] : i32 from vector<1xi32>
      %ge3A_747 = arith.constant 999936 : i32
      %ge3A_748 = arith.cmpi sge, %squeeze3A_746, %ge3A_747 : i32
      %convert_element_type3A_749 = arith.extui %ge3A_748 : i1 to i32
      %slice3A_750 = vector.extract_strided_slice %get3A_553 {offsets = [1], sizes = [1], strides = [1]} : vector<16xi32> to vector<1xi32>
      %squeeze3A_751 = vector.extract %slice3A_750[0] : i32 from vector<1xi32>
      %ge3A_752 = arith.constant 999936 : i32
      %ge3A_753 = arith.cmpi sge, %squeeze3A_751, %ge3A_752 : i32
      %convert_element_type3A_754 = arith.extui %ge3A_753 : i1 to i32
      %slice3A_755 = vector.extract_strided_slice %get3A_553 {offsets = [2], sizes = [1], strides = [1]} : vector<16xi32> to vector<1xi32>
      %squeeze3A_756 = vector.extract %slice3A_755[0] : i32 from vector<1xi32>
      %ge3A_757 = arith.constant 999936 : i32
      %ge3A_758 = arith.cmpi sge, %squeeze3A_756, %ge3A_757 : i32
      %convert_element_type3A_759 = arith.extui %ge3A_758 : i1 to i32
      %slice3A_760 = vector.extract_strided_slice %get3A_553 {offsets = [3], sizes = [1], strides = [1]} : vector<16xi32> to vector<1xi32>
      %squeeze3A_761 = vector.extract %slice3A_760[0] : i32 from vector<1xi32>
      %ge3A_762 = arith.constant 999936 : i32
      %ge3A_763 = arith.cmpi sge, %squeeze3A_761, %ge3A_762 : i32
      %convert_element_type3A_764 = arith.extui %ge3A_763 : i1 to i32
      %broadcast_in_dim3A_765 = vector.broadcast %convert_element_type3A_749 : i32 to vector<16xi32>
      %eq3A_766 = arith.constant 1 : i32
      %eq3A_767 = vector.broadcast %eq3A_766 : i32 to vector<16xi32>
      %eq3A_768 = arith.cmpi eq, %shift_right_arithmetic3A_4, %eq3A_767 : vector<16xi32>
      %broadcast_in_dim3A_769 = vector.broadcast %convert_element_type3A_754 : i32 to vector<16xi32>
      %select_n3A_770 = arith.select %eq3A_768, %broadcast_in_dim3A_769, %broadcast_in_dim3A_765 : vector<16xi1>, vector<16xi32>
      %eq3A_771 = arith.constant 2 : i32
      %eq3A_772 = vector.broadcast %eq3A_771 : i32 to vector<16xi32>
      %eq3A_773 = arith.cmpi eq, %shift_right_arithmetic3A_4, %eq3A_772 : vector<16xi32>
      %broadcast_in_dim3A_774 = vector.broadcast %convert_element_type3A_759 : i32 to vector<16xi32>
      %select_n3A_775 = arith.select %eq3A_773, %broadcast_in_dim3A_774, %select_n3A_770 : vector<16xi1>, vector<16xi32>
      %eq3A_776 = arith.constant 3 : i32
      %eq3A_777 = vector.broadcast %eq3A_776 : i32 to vector<16xi32>
      %eq3A_778 = arith.cmpi eq, %shift_right_arithmetic3A_4, %eq3A_777 : vector<16xi32>
      %broadcast_in_dim3A_779 = vector.broadcast %convert_element_type3A_764 : i32 to vector<16xi32>
      %select_n3A_780 = arith.select %eq3A_778, %broadcast_in_dim3A_779, %select_n3A_775 : vector<16xi1>, vector<16xi32>
      %gt3A_781 = arith.constant 0 : i32
      %gt3A_782 = vector.broadcast %gt3A_781 : i32 to vector<16xi32>
      %gt3A_783 = arith.cmpi sgt, %select_n3A_780, %gt3A_782 : vector<16xi32>
      %broadcast_in_dim3A_784 = arith.constant 0 : i32
      %broadcast_in_dim3A_785 = vector.broadcast %broadcast_in_dim3A_784 : i32 to vector<16xi32>
      %broadcast_in_dim3A_786 = arith.constant 0.000000e+00 : f32
      %broadcast_in_dim3A_787 = vector.broadcast %broadcast_in_dim3A_786 : f32 to vector<16xf32>
      %add3A_788 = arith.constant 0 : i32
      %add3A_789 = vector.broadcast %add3A_788 : i32 to vector<16xi32>
      %add3A_790 = arith.addi %and3A_6, %add3A_789 : vector<16xi32>
      %gather3A = tpu.vector_load_idx %arg11[%broadcast_in_dim3A_785, %broadcast_in_dim3A_7, %shift_right_arithmetic3A_4, %add3A_790, %select_n3A_583] : memref<2x2x4x32x128xf32, #tpu.memory_space<vmem>>[vector<16xi32>, vector<16xi32>, vector<16xi32>, vector<16xi32>, vector<16xi32>], vector<16xf32>,
      %add3A_791 = arith.constant 1 : i32
      %add3A_792 = vector.broadcast %add3A_791 : i32 to vector<16xi32>
      %add3A_793 = arith.addi %broadcast_in_dim3A_7, %add3A_792 : vector<16xi32>
      %gather3A_794 = tpu.vector_load_idx %arg11[%broadcast_in_dim3A_785, %add3A_793, %shift_right_arithmetic3A_4, %add3A_790, %select_n3A_615] : memref<2x2x4x32x128xf32, #tpu.memory_space<vmem>>[vector<16xi32>, vector<16xi32>, vector<16xi32>, vector<16xi32>, vector<16xi32>], vector<16xf32>,
      %mul3A_795 = arith.constant 32 : i32
      %mul3A_796 = vector.broadcast %mul3A_795 : i32 to vector<16xi32>
      %mul3A_797 = arith.muli %select_n3A_660, %mul3A_796 : vector<16xi32>
      %add3A_798 = arith.addi %mul3A_797, %add3A_790 : vector<16xi32>
      %mul3A_799 = arith.constant 32 : i32
      %mul3A_800 = vector.broadcast %mul3A_799 : i32 to vector<16xi32>
      %mul3A_801 = arith.muli %select_n3A_708, %mul3A_800 : vector<16xi32>
      %add3A_802 = arith.addi %mul3A_801, %add3A_790 : vector<16xi32>
      %shift_right_arithmetic3A_803 = arith.constant 7 : i32
      %shift_right_arithmetic3A_804 = vector.broadcast %shift_right_arithmetic3A_803 : i32 to vector<16xi32>
      %shift_right_arithmetic3A_805 = arith.shrsi %add3A_798, %shift_right_arithmetic3A_804 : vector<16xi32>
      %and3A_806 = arith.constant 127 : i32
      %and3A_807 = vector.broadcast %and3A_806 : i32 to vector<16xi32>
      %and3A_808 = arith.andi %add3A_798, %and3A_807 : vector<16xi32>
      %gather3A_809 = tpu.vector_load_idx %arg12[%shift_right_arithmetic3A_805, %and3A_808] : memref<16x128xf32, #tpu.memory_space<vmem>>[vector<16xi32>, vector<16xi32>], vector<16xf32>,
      %shift_right_arithmetic3A_810 = arith.constant 7 : i32
      %shift_right_arithmetic3A_811 = vector.broadcast %shift_right_arithmetic3A_810 : i32 to vector<16xi32>
      %shift_right_arithmetic3A_812 = arith.shrsi %add3A_802, %shift_right_arithmetic3A_811 : vector<16xi32>
      %and3A_813 = arith.constant 127 : i32
      %and3A_814 = vector.broadcast %and3A_813 : i32 to vector<16xi32>
      %and3A_815 = arith.andi %add3A_802, %and3A_814 : vector<16xi32>
      %gather3A_816 = tpu.vector_load_idx %arg13[%shift_right_arithmetic3A_812, %and3A_815] : memref<16x128xf32, #tpu.memory_space<vmem>>[vector<16xi32>, vector<16xi32>], vector<16xf32>,
      %select_n3A_817 = arith.select %gt3A_744, %gather3A_809, %gather3A : vector<16xi1>, vector<16xf32>
      %select_n3A_818 = arith.select %gt3A_783, %gather3A_816, %gather3A_794 : vector<16xi1>, vector<16xf32>
      %mul3A_819 = arith.mulf %select_n3A_817, %select_n3A_818 : vector<16xf32>
      %add3A_820 = arith.addf %broadcast_in_dim3A_787, %mul3A_819 : vector<16xf32>
      %add3A_821 = arith.constant 4 : i32
      %add3A_822 = vector.broadcast %add3A_821 : i32 to vector<16xi32>
      %add3A_823 = arith.addi %and3A_6, %add3A_822 : vector<16xi32>
      %gather3A_824 = tpu.vector_load_idx %arg11[%broadcast_in_dim3A_785, %broadcast_in_dim3A_7, %shift_right_arithmetic3A_4, %add3A_823, %select_n3A_583] : memref<2x2x4x32x128xf32, #tpu.memory_space<vmem>>[vector<16xi32>, vector<16xi32>, vector<16xi32>, vector<16xi32>, vector<16xi32>], vector<16xf32>,
      %add3A_825 = arith.constant 1 : i32
      %add3A_826 = vector.broadcast %add3A_825 : i32 to vector<16xi32>
      %add3A_827 = arith.addi %broadcast_in_dim3A_7, %add3A_826 : vector<16xi32>
      %gather3A_828 = tpu.vector_load_idx %arg11[%broadcast_in_dim3A_785, %add3A_827, %shift_right_arithmetic3A_4, %add3A_823, %select_n3A_615] : memref<2x2x4x32x128xf32, #tpu.memory_space<vmem>>[vector<16xi32>, vector<16xi32>, vector<16xi32>, vector<16xi32>, vector<16xi32>], vector<16xf32>,
      %mul3A_829 = arith.constant 32 : i32
      %mul3A_830 = vector.broadcast %mul3A_829 : i32 to vector<16xi32>
      %mul3A_831 = arith.muli %select_n3A_660, %mul3A_830 : vector<16xi32>
      %add3A_832 = arith.addi %mul3A_831, %add3A_823 : vector<16xi32>
      %mul3A_833 = arith.constant 32 : i32
      %mul3A_834 = vector.broadcast %mul3A_833 : i32 to vector<16xi32>
      %mul3A_835 = arith.muli %select_n3A_708, %mul3A_834 : vector<16xi32>
      %add3A_836 = arith.addi %mul3A_835, %add3A_823 : vector<16xi32>
      %shift_right_arithmetic3A_837 = arith.constant 7 : i32
      %shift_right_arithmetic3A_838 = vector.broadcast %shift_right_arithmetic3A_837 : i32 to vector<16xi32>
      %shift_right_arithmetic3A_839 = arith.shrsi %add3A_832, %shift_right_arithmetic3A_838 : vector<16xi32>
      %and3A_840 = arith.constant 127 : i32
      %and3A_841 = vector.broadcast %and3A_840 : i32 to vector<16xi32>
      %and3A_842 = arith.andi %add3A_832, %and3A_841 : vector<16xi32>
      %gather3A_843 = tpu.vector_load_idx %arg12[%shift_right_arithmetic3A_839, %and3A_842] : memref<16x128xf32, #tpu.memory_space<vmem>>[vector<16xi32>, vector<16xi32>], vector<16xf32>,
      %shift_right_arithmetic3A_844 = arith.constant 7 : i32
      %shift_right_arithmetic3A_845 = vector.broadcast %shift_right_arithmetic3A_844 : i32 to vector<16xi32>
      %shift_right_arithmetic3A_846 = arith.shrsi %add3A_836, %shift_right_arithmetic3A_845 : vector<16xi32>
      %and3A_847 = arith.constant 127 : i32
      %and3A_848 = vector.broadcast %and3A_847 : i32 to vector<16xi32>
      %and3A_849 = arith.andi %add3A_836, %and3A_848 : vector<16xi32>
      %gather3A_850 = tpu.vector_load_idx %arg13[%shift_right_arithmetic3A_846, %and3A_849] : memref<16x128xf32, #tpu.memory_space<vmem>>[vector<16xi32>, vector<16xi32>], vector<16xf32>,
      %select_n3A_851 = arith.select %gt3A_744, %gather3A_843, %gather3A_824 : vector<16xi1>, vector<16xf32>
      %select_n3A_852 = arith.select %gt3A_783, %gather3A_850, %gather3A_828 : vector<16xi1>, vector<16xf32>
      %mul3A_853 = arith.mulf %select_n3A_851, %select_n3A_852 : vector<16xf32>
      %add3A_854 = arith.addf %add3A_820, %mul3A_853 : vector<16xf32>
      %add3A_855 = arith.constant 8 : i32
      %add3A_856 = vector.broadcast %add3A_855 : i32 to vector<16xi32>
      %add3A_857 = arith.addi %and3A_6, %add3A_856 : vector<16xi32>
      %gather3A_858 = tpu.vector_load_idx %arg11[%broadcast_in_dim3A_785, %broadcast_in_dim3A_7, %shift_right_arithmetic3A_4, %add3A_857, %select_n3A_583] : memref<2x2x4x32x128xf32, #tpu.memory_space<vmem>>[vector<16xi32>, vector<16xi32>, vector<16xi32>, vector<16xi32>, vector<16xi32>], vector<16xf32>,
      %add3A_859 = arith.constant 1 : i32
      %add3A_860 = vector.broadcast %add3A_859 : i32 to vector<16xi32>
      %add3A_861 = arith.addi %broadcast_in_dim3A_7, %add3A_860 : vector<16xi32>
      %gather3A_862 = tpu.vector_load_idx %arg11[%broadcast_in_dim3A_785, %add3A_861, %shift_right_arithmetic3A_4, %add3A_857, %select_n3A_615] : memref<2x2x4x32x128xf32, #tpu.memory_space<vmem>>[vector<16xi32>, vector<16xi32>, vector<16xi32>, vector<16xi32>, vector<16xi32>], vector<16xf32>,
      %mul3A_863 = arith.constant 32 : i32
      %mul3A_864 = vector.broadcast %mul3A_863 : i32 to vector<16xi32>
      %mul3A_865 = arith.muli %select_n3A_660, %mul3A_864 : vector<16xi32>
      %add3A_866 = arith.addi %mul3A_865, %add3A_857 : vector<16xi32>
      %mul3A_867 = arith.constant 32 : i32
      %mul3A_868 = vector.broadcast %mul3A_867 : i32 to vector<16xi32>
      %mul3A_869 = arith.muli %select_n3A_708, %mul3A_868 : vector<16xi32>
      %add3A_870 = arith.addi %mul3A_869, %add3A_857 : vector<16xi32>
      %shift_right_arithmetic3A_871 = arith.constant 7 : i32
      %shift_right_arithmetic3A_872 = vector.broadcast %shift_right_arithmetic3A_871 : i32 to vector<16xi32>
      %shift_right_arithmetic3A_873 = arith.shrsi %add3A_866, %shift_right_arithmetic3A_872 : vector<16xi32>
      %and3A_874 = arith.constant 127 : i32
      %and3A_875 = vector.broadcast %and3A_874 : i32 to vector<16xi32>
      %and3A_876 = arith.andi %add3A_866, %and3A_875 : vector<16xi32>
      %gather3A_877 = tpu.vector_load_idx %arg12[%shift_right_arithmetic3A_873, %and3A_876] : memref<16x128xf32, #tpu.memory_space<vmem>>[vector<16xi32>, vector<16xi32>], vector<16xf32>,
      %shift_right_arithmetic3A_878 = arith.constant 7 : i32
      %shift_right_arithmetic3A_879 = vector.broadcast %shift_right_arithmetic3A_878 : i32 to vector<16xi32>
      %shift_right_arithmetic3A_880 = arith.shrsi %add3A_870, %shift_right_arithmetic3A_879 : vector<16xi32>
      %and3A_881 = arith.constant 127 : i32
      %and3A_882 = vector.broadcast %and3A_881 : i32 to vector<16xi32>
      %and3A_883 = arith.andi %add3A_870, %and3A_882 : vector<16xi32>
      %gather3A_884 = tpu.vector_load_idx %arg13[%shift_right_arithmetic3A_880, %and3A_883] : memref<16x128xf32, #tpu.memory_space<vmem>>[vector<16xi32>, vector<16xi32>], vector<16xf32>,
      %select_n3A_885 = arith.select %gt3A_744, %gather3A_877, %gather3A_858 : vector<16xi1>, vector<16xf32>
      %select_n3A_886 = arith.select %gt3A_783, %gather3A_884, %gather3A_862 : vector<16xi1>, vector<16xf32>
      %mul3A_887 = arith.mulf %select_n3A_885, %select_n3A_886 : vector<16xf32>
      %add3A_888 = arith.addf %add3A_854, %mul3A_887 : vector<16xf32>
      %add3A_889 = arith.constant 12 : i32
      %add3A_890 = vector.broadcast %add3A_889 : i32 to vector<16xi32>
      %add3A_891 = arith.addi %and3A_6, %add3A_890 : vector<16xi32>
      %gather3A_892 = tpu.vector_load_idx %arg11[%broadcast_in_dim3A_785, %broadcast_in_dim3A_7, %shift_right_arithmetic3A_4, %add3A_891, %select_n3A_583] : memref<2x2x4x32x128xf32, #tpu.memory_space<vmem>>[vector<16xi32>, vector<16xi32>, vector<16xi32>, vector<16xi32>, vector<16xi32>], vector<16xf32>,
      %add3A_893 = arith.constant 1 : i32
      %add3A_894 = vector.broadcast %add3A_893 : i32 to vector<16xi32>
      %add3A_895 = arith.addi %broadcast_in_dim3A_7, %add3A_894 : vector<16xi32>
      %gather3A_896 = tpu.vector_load_idx %arg11[%broadcast_in_dim3A_785, %add3A_895, %shift_right_arithmetic3A_4, %add3A_891, %select_n3A_615] : memref<2x2x4x32x128xf32, #tpu.memory_space<vmem>>[vector<16xi32>, vector<16xi32>, vector<16xi32>, vector<16xi32>, vector<16xi32>], vector<16xf32>,
      %mul3A_897 = arith.constant 32 : i32
      %mul3A_898 = vector.broadcast %mul3A_897 : i32 to vector<16xi32>
      %mul3A_899 = arith.muli %select_n3A_660, %mul3A_898 : vector<16xi32>
      %add3A_900 = arith.addi %mul3A_899, %add3A_891 : vector<16xi32>
      %mul3A_901 = arith.constant 32 : i32
      %mul3A_902 = vector.broadcast %mul3A_901 : i32 to vector<16xi32>
      %mul3A_903 = arith.muli %select_n3A_708, %mul3A_902 : vector<16xi32>
      %add3A_904 = arith.addi %mul3A_903, %add3A_891 : vector<16xi32>
      %shift_right_arithmetic3A_905 = arith.constant 7 : i32
      %shift_right_arithmetic3A_906 = vector.broadcast %shift_right_arithmetic3A_905 : i32 to vector<16xi32>
      %shift_right_arithmetic3A_907 = arith.shrsi %add3A_900, %shift_right_arithmetic3A_906 : vector<16xi32>
      %and3A_908 = arith.constant 127 : i32
      %and3A_909 = vector.broadcast %and3A_908 : i32 to vector<16xi32>
      %and3A_910 = arith.andi %add3A_900, %and3A_909 : vector<16xi32>
      %gather3A_911 = tpu.vector_load_idx %arg12[%shift_right_arithmetic3A_907, %and3A_910] : memref<16x128xf32, #tpu.memory_space<vmem>>[vector<16xi32>, vector<16xi32>], vector<16xf32>,
      %shift_right_arithmetic3A_912 = arith.constant 7 : i32
      %shift_right_arithmetic3A_913 = vector.broadcast %shift_right_arithmetic3A_912 : i32 to vector<16xi32>
      %shift_right_arithmetic3A_914 = arith.shrsi %add3A_904, %shift_right_arithmetic3A_913 : vector<16xi32>
      %and3A_915 = arith.constant 127 : i32
      %and3A_916 = vector.broadcast %and3A_915 : i32 to vector<16xi32>
      %and3A_917 = arith.andi %add3A_904, %and3A_916 : vector<16xi32>
      %gather3A_918 = tpu.vector_load_idx %arg13[%shift_right_arithmetic3A_914, %and3A_917] : memref<16x128xf32, #tpu.memory_space<vmem>>[vector<16xi32>, vector<16xi32>], vector<16xf32>,
      %select_n3A_919 = arith.select %gt3A_744, %gather3A_911, %gather3A_892 : vector<16xi1>, vector<16xf32>
      %select_n3A_920 = arith.select %gt3A_783, %gather3A_918, %gather3A_896 : vector<16xi1>, vector<16xf32>
      %mul3A_921 = arith.mulf %select_n3A_919, %select_n3A_920 : vector<16xf32>
      %add3A_922 = arith.addf %add3A_888, %mul3A_921 : vector<16xf32>
      %add3A_923 = arith.constant 16 : i32
      %add3A_924 = vector.broadcast %add3A_923 : i32 to vector<16xi32>
      %add3A_925 = arith.addi %and3A_6, %add3A_924 : vector<16xi32>
      %gather3A_926 = tpu.vector_load_idx %arg11[%broadcast_in_dim3A_785, %broadcast_in_dim3A_7, %shift_right_arithmetic3A_4, %add3A_925, %select_n3A_583] : memref<2x2x4x32x128xf32, #tpu.memory_space<vmem>>[vector<16xi32>, vector<16xi32>, vector<16xi32>, vector<16xi32>, vector<16xi32>], vector<16xf32>,
      %add3A_927 = arith.constant 1 : i32
      %add3A_928 = vector.broadcast %add3A_927 : i32 to vector<16xi32>
      %add3A_929 = arith.addi %broadcast_in_dim3A_7, %add3A_928 : vector<16xi32>
      %gather3A_930 = tpu.vector_load_idx %arg11[%broadcast_in_dim3A_785, %add3A_929, %shift_right_arithmetic3A_4, %add3A_925, %select_n3A_615] : memref<2x2x4x32x128xf32, #tpu.memory_space<vmem>>[vector<16xi32>, vector<16xi32>, vector<16xi32>, vector<16xi32>, vector<16xi32>], vector<16xf32>,
      %mul3A_931 = arith.constant 32 : i32
      %mul3A_932 = vector.broadcast %mul3A_931 : i32 to vector<16xi32>
      %mul3A_933 = arith.muli %select_n3A_660, %mul3A_932 : vector<16xi32>
      %add3A_934 = arith.addi %mul3A_933, %add3A_925 : vector<16xi32>
      %mul3A_935 = arith.constant 32 : i32
      %mul3A_936 = vector.broadcast %mul3A_935 : i32 to vector<16xi32>
      %mul3A_937 = arith.muli %select_n3A_708, %mul3A_936 : vector<16xi32>
      %add3A_938 = arith.addi %mul3A_937, %add3A_925 : vector<16xi32>
      %shift_right_arithmetic3A_939 = arith.constant 7 : i32
      %shift_right_arithmetic3A_940 = vector.broadcast %shift_right_arithmetic3A_939 : i32 to vector<16xi32>
      %shift_right_arithmetic3A_941 = arith.shrsi %add3A_934, %shift_right_arithmetic3A_940 : vector<16xi32>
      %and3A_942 = arith.constant 127 : i32
      %and3A_943 = vector.broadcast %and3A_942 : i32 to vector<16xi32>
      %and3A_944 = arith.andi %add3A_934, %and3A_943 : vector<16xi32>
      %gather3A_945 = tpu.vector_load_idx %arg12[%shift_right_arithmetic3A_941, %and3A_944] : memref<16x128xf32, #tpu.memory_space<vmem>>[vector<16xi32>, vector<16xi32>], vector<16xf32>,
      %shift_right_arithmetic3A_946 = arith.constant 7 : i32
      %shift_right_arithmetic3A_947 = vector.broadcast %shift_right_arithmetic3A_946 : i32 to vector<16xi32>
      %shift_right_arithmetic3A_948 = arith.shrsi %add3A_938, %shift_right_arithmetic3A_947 : vector<16xi32>
      %and3A_949 = arith.constant 127 : i32
      %and3A_950 = vector.broadcast %and3A_949 : i32 to vector<16xi32>
      %and3A_951 = arith.andi %add3A_938, %and3A_950 : vector<16xi32>
      %gather3A_952 = tpu.vector_load_idx %arg13[%shift_right_arithmetic3A_948, %and3A_951] : memref<16x128xf32, #tpu.memory_space<vmem>>[vector<16xi32>, vector<16xi32>], vector<16xf32>,
      %select_n3A_953 = arith.select %gt3A_744, %gather3A_945, %gather3A_926 : vector<16xi1>, vector<16xf32>
      %select_n3A_954 = arith.select %gt3A_783, %gather3A_952, %gather3A_930 : vector<16xi1>, vector<16xf32>
      %mul3A_955 = arith.mulf %select_n3A_953, %select_n3A_954 : vector<16xf32>
      %add3A_956 = arith.addf %add3A_922, %mul3A_955 : vector<16xf32>
      %add3A_957 = arith.constant 20 : i32
      %add3A_958 = vector.broadcast %add3A_957 : i32 to vector<16xi32>
      %add3A_959 = arith.addi %and3A_6, %add3A_958 : vector<16xi32>
      %gather3A_960 = tpu.vector_load_idx %arg11[%broadcast_in_dim3A_785, %broadcast_in_dim3A_7, %shift_right_arithmetic3A_4, %add3A_959, %select_n3A_583] : memref<2x2x4x32x128xf32, #tpu.memory_space<vmem>>[vector<16xi32>, vector<16xi32>, vector<16xi32>, vector<16xi32>, vector<16xi32>], vector<16xf32>,
      %add3A_961 = arith.constant 1 : i32
      %add3A_962 = vector.broadcast %add3A_961 : i32 to vector<16xi32>
      %add3A_963 = arith.addi %broadcast_in_dim3A_7, %add3A_962 : vector<16xi32>
      %gather3A_964 = tpu.vector_load_idx %arg11[%broadcast_in_dim3A_785, %add3A_963, %shift_right_arithmetic3A_4, %add3A_959, %select_n3A_615] : memref<2x2x4x32x128xf32, #tpu.memory_space<vmem>>[vector<16xi32>, vector<16xi32>, vector<16xi32>, vector<16xi32>, vector<16xi32>], vector<16xf32>,
      %mul3A_965 = arith.constant 32 : i32
      %mul3A_966 = vector.broadcast %mul3A_965 : i32 to vector<16xi32>
      %mul3A_967 = arith.muli %select_n3A_660, %mul3A_966 : vector<16xi32>
      %add3A_968 = arith.addi %mul3A_967, %add3A_959 : vector<16xi32>
      %mul3A_969 = arith.constant 32 : i32
      %mul3A_970 = vector.broadcast %mul3A_969 : i32 to vector<16xi32>
      %mul3A_971 = arith.muli %select_n3A_708, %mul3A_970 : vector<16xi32>
      %add3A_972 = arith.addi %mul3A_971, %add3A_959 : vector<16xi32>
      %shift_right_arithmetic3A_973 = arith.constant 7 : i32
      %shift_right_arithmetic3A_974 = vector.broadcast %shift_right_arithmetic3A_973 : i32 to vector<16xi32>
      %shift_right_arithmetic3A_975 = arith.shrsi %add3A_968, %shift_right_arithmetic3A_974 : vector<16xi32>
      %and3A_976 = arith.constant 127 : i32
      %and3A_977 = vector.broadcast %and3A_976 : i32 to vector<16xi32>
      %and3A_978 = arith.andi %add3A_968, %and3A_977 : vector<16xi32>
      %gather3A_979 = tpu.vector_load_idx %arg12[%shift_right_arithmetic3A_975, %and3A_978] : memref<16x128xf32, #tpu.memory_space<vmem>>[vector<16xi32>, vector<16xi32>], vector<16xf32>,
      %shift_right_arithmetic3A_980 = arith.constant 7 : i32
      %shift_right_arithmetic3A_981 = vector.broadcast %shift_right_arithmetic3A_980 : i32 to vector<16xi32>
      %shift_right_arithmetic3A_982 = arith.shrsi %add3A_972, %shift_right_arithmetic3A_981 : vector<16xi32>
      %and3A_983 = arith.constant 127 : i32
      %and3A_984 = vector.broadcast %and3A_983 : i32 to vector<16xi32>
      %and3A_985 = arith.andi %add3A_972, %and3A_984 : vector<16xi32>
      %gather3A_986 = tpu.vector_load_idx %arg13[%shift_right_arithmetic3A_982, %and3A_985] : memref<16x128xf32, #tpu.memory_space<vmem>>[vector<16xi32>, vector<16xi32>], vector<16xf32>,
      %select_n3A_987 = arith.select %gt3A_744, %gather3A_979, %gather3A_960 : vector<16xi1>, vector<16xf32>
      %select_n3A_988 = arith.select %gt3A_783, %gather3A_986, %gather3A_964 : vector<16xi1>, vector<16xf32>
      %mul3A_989 = arith.mulf %select_n3A_987, %select_n3A_988 : vector<16xf32>
      %add3A_990 = arith.addf %add3A_956, %mul3A_989 : vector<16xf32>
      %add3A_991 = arith.constant 24 : i32
      %add3A_992 = vector.broadcast %add3A_991 : i32 to vector<16xi32>
      %add3A_993 = arith.addi %and3A_6, %add3A_992 : vector<16xi32>
      %gather3A_994 = tpu.vector_load_idx %arg11[%broadcast_in_dim3A_785, %broadcast_in_dim3A_7, %shift_right_arithmetic3A_4, %add3A_993, %select_n3A_583] : memref<2x2x4x32x128xf32, #tpu.memory_space<vmem>>[vector<16xi32>, vector<16xi32>, vector<16xi32>, vector<16xi32>, vector<16xi32>], vector<16xf32>,
      %add3A_995 = arith.constant 1 : i32
      %add3A_996 = vector.broadcast %add3A_995 : i32 to vector<16xi32>
      %add3A_997 = arith.addi %broadcast_in_dim3A_7, %add3A_996 : vector<16xi32>
      %gather3A_998 = tpu.vector_load_idx %arg11[%broadcast_in_dim3A_785, %add3A_997, %shift_right_arithmetic3A_4, %add3A_993, %select_n3A_615] : memref<2x2x4x32x128xf32, #tpu.memory_space<vmem>>[vector<16xi32>, vector<16xi32>, vector<16xi32>, vector<16xi32>, vector<16xi32>], vector<16xf32>,
      %mul3A_999 = arith.constant 32 : i32
      %mul3A_1000 = vector.broadcast %mul3A_999 : i32 to vector<16xi32>
      %mul3A_1001 = arith.muli %select_n3A_660, %mul3A_1000 : vector<16xi32>
      %add3A_1002 = arith.addi %mul3A_1001, %add3A_993 : vector<16xi32>
      %mul3A_1003 = arith.constant 32 : i32
      %mul3A_1004 = vector.broadcast %mul3A_1003 : i32 to vector<16xi32>
      %mul3A_1005 = arith.muli %select_n3A_708, %mul3A_1004 : vector<16xi32>
      %add3A_1006 = arith.addi %mul3A_1005, %add3A_993 : vector<16xi32>
      %shift_right_arithmetic3A_1007 = arith.constant 7 : i32
      %shift_right_arithmetic3A_1008 = vector.broadcast %shift_right_arithmetic3A_1007 : i32 to vector<16xi32>
      %shift_right_arithmetic3A_1009 = arith.shrsi %add3A_1002, %shift_right_arithmetic3A_1008 : vector<16xi32>
      %and3A_1010 = arith.constant 127 : i32
      %and3A_1011 = vector.broadcast %and3A_1010 : i32 to vector<16xi32>
      %and3A_1012 = arith.andi %add3A_1002, %and3A_1011 : vector<16xi32>
      %gather3A_1013 = tpu.vector_load_idx %arg12[%shift_right_arithmetic3A_1009, %and3A_1012] : memref<16x128xf32, #tpu.memory_space<vmem>>[vector<16xi32>, vector<16xi32>], vector<16xf32>,
      %shift_right_arithmetic3A_1014 = arith.constant 7 : i32
      %shift_right_arithmetic3A_1015 = vector.broadcast %shift_right_arithmetic3A_1014 : i32 to vector<16xi32>
      %shift_right_arithmetic3A_1016 = arith.shrsi %add3A_1006, %shift_right_arithmetic3A_1015 : vector<16xi32>
      %and3A_1017 = arith.constant 127 : i32
      %and3A_1018 = vector.broadcast %and3A_1017 : i32 to vector<16xi32>
      %and3A_1019 = arith.andi %add3A_1006, %and3A_1018 : vector<16xi32>
      %gather3A_1020 = tpu.vector_load_idx %arg13[%shift_right_arithmetic3A_1016, %and3A_1019] : memref<16x128xf32, #tpu.memory_space<vmem>>[vector<16xi32>, vector<16xi32>], vector<16xf32>,
      %select_n3A_1021 = arith.select %gt3A_744, %gather3A_1013, %gather3A_994 : vector<16xi1>, vector<16xf32>
      %select_n3A_1022 = arith.select %gt3A_783, %gather3A_1020, %gather3A_998 : vector<16xi1>, vector<16xf32>
      %mul3A_1023 = arith.mulf %select_n3A_1021, %select_n3A_1022 : vector<16xf32>
      %add3A_1024 = arith.addf %add3A_990, %mul3A_1023 : vector<16xf32>
      %add3A_1025 = arith.constant 28 : i32
      %add3A_1026 = vector.broadcast %add3A_1025 : i32 to vector<16xi32>
      %add3A_1027 = arith.addi %and3A_6, %add3A_1026 : vector<16xi32>
      %gather3A_1028 = tpu.vector_load_idx %arg11[%broadcast_in_dim3A_785, %broadcast_in_dim3A_7, %shift_right_arithmetic3A_4, %add3A_1027, %select_n3A_583] : memref<2x2x4x32x128xf32, #tpu.memory_space<vmem>>[vector<16xi32>, vector<16xi32>, vector<16xi32>, vector<16xi32>, vector<16xi32>], vector<16xf32>,
      %add3A_1029 = arith.constant 1 : i32
      %add3A_1030 = vector.broadcast %add3A_1029 : i32 to vector<16xi32>
      %add3A_1031 = arith.addi %broadcast_in_dim3A_7, %add3A_1030 : vector<16xi32>
      %gather3A_1032 = tpu.vector_load_idx %arg11[%broadcast_in_dim3A_785, %add3A_1031, %shift_right_arithmetic3A_4, %add3A_1027, %select_n3A_615] : memref<2x2x4x32x128xf32, #tpu.memory_space<vmem>>[vector<16xi32>, vector<16xi32>, vector<16xi32>, vector<16xi32>, vector<16xi32>], vector<16xf32>,
      %mul3A_1033 = arith.constant 32 : i32
      %mul3A_1034 = vector.broadcast %mul3A_1033 : i32 to vector<16xi32>
      %mul3A_1035 = arith.muli %select_n3A_660, %mul3A_1034 : vector<16xi32>
      %add3A_1036 = arith.addi %mul3A_1035, %add3A_1027 : vector<16xi32>
      %mul3A_1037 = arith.constant 32 : i32
      %mul3A_1038 = vector.broadcast %mul3A_1037 : i32 to vector<16xi32>
      %mul3A_1039 = arith.muli %select_n3A_708, %mul3A_1038 : vector<16xi32>
      %add3A_1040 = arith.addi %mul3A_1039, %add3A_1027 : vector<16xi32>
      %shift_right_arithmetic3A_1041 = arith.constant 7 : i32
      %shift_right_arithmetic3A_1042 = vector.broadcast %shift_right_arithmetic3A_1041 : i32 to vector<16xi32>
      %shift_right_arithmetic3A_1043 = arith.shrsi %add3A_1036, %shift_right_arithmetic3A_1042 : vector<16xi32>
      %and3A_1044 = arith.constant 127 : i32
      %and3A_1045 = vector.broadcast %and3A_1044 : i32 to vector<16xi32>
      %and3A_1046 = arith.andi %add3A_1036, %and3A_1045 : vector<16xi32>
      %gather3A_1047 = tpu.vector_load_idx %arg12[%shift_right_arithmetic3A_1043, %and3A_1046] : memref<16x128xf32, #tpu.memory_space<vmem>>[vector<16xi32>, vector<16xi32>], vector<16xf32>,
      %shift_right_arithmetic3A_1048 = arith.constant 7 : i32
      %shift_right_arithmetic3A_1049 = vector.broadcast %shift_right_arithmetic3A_1048 : i32 to vector<16xi32>
      %shift_right_arithmetic3A_1050 = arith.shrsi %add3A_1040, %shift_right_arithmetic3A_1049 : vector<16xi32>
      %and3A_1051 = arith.constant 127 : i32
      %and3A_1052 = vector.broadcast %and3A_1051 : i32 to vector<16xi32>
      %and3A_1053 = arith.andi %add3A_1040, %and3A_1052 : vector<16xi32>
      %gather3A_1054 = tpu.vector_load_idx %arg13[%shift_right_arithmetic3A_1050, %and3A_1053] : memref<16x128xf32, #tpu.memory_space<vmem>>[vector<16xi32>, vector<16xi32>], vector<16xf32>,
      %select_n3A_1055 = arith.select %gt3A_744, %gather3A_1047, %gather3A_1028 : vector<16xi1>, vector<16xf32>
      %select_n3A_1056 = arith.select %gt3A_783, %gather3A_1054, %gather3A_1032 : vector<16xi1>, vector<16xf32>
      %mul3A_1057 = arith.mulf %select_n3A_1055, %select_n3A_1056 : vector<16xf32>
      %add3A_1058 = arith.addf %add3A_1024, %mul3A_1057 : vector<16xf32>
      %broadcast_in_dim3A_1059 = arith.constant true
      %broadcast_in_dim3A_1060 = vector.broadcast %broadcast_in_dim3A_1059 : i1 to vector<16xi1>
      %masked_cumsum3A = tpu.scan <sum>, %add3A_1058 masked %broadcast_in_dim3A_1060 : vector<16xf32>, vector<16xi1> -> vector<16xf32>
      %swap3A_1061 = arith.constant 4 : index
      %swap3A_1062 = tpu.vector_load %arg15[%swap3A_1061] {strides = array<i32>} : memref<32xf32, #tpu.memory_space<vmem>>, vector<16xf32>,
      tpu.vector_store %arg15[%swap3A_1061], %masked_cumsum3A {strides = array<i32>} : memref<32xf32, #tpu.memory_space<vmem>>, vector<16xf32>,
      %get3A_1063 = arith.constant 0 : index
      %get3A_1064 = tpu.vector_load %arg15[%get3A_1063] {strides = array<i32>} : memref<32xf32, #tpu.memory_space<vmem>>, vector<16xf32>,
      %sub3A_1065 = arith.subf %masked_cumsum3A, %get3A_1064 : vector<16xf32>
      %mul3A_1066 = arith.constant 4 : i32
      %mul3A_1067 = arith.muli %mul3A_208, %mul3A_1066 : i32
      %add3A_1068 = vector.broadcast %mul3A_1067 : i32 to vector<16xi32>
      %add3A_1069 = arith.addi %add3A_1068, %shift_right_arithmetic3A_4 : vector<16xi32>
      %eq3A_1070 = arith.constant 3 : i32
      %eq3A_1071 = vector.broadcast %eq3A_1070 : i32 to vector<16xi32>
      %eq3A_1072 = arith.cmpi eq, %and3A_6, %eq3A_1071 : vector<16xi32>
      tpu.vector_store_idx %arg14[%add3A_1069], %sub3A_1065 masked %eq3A_1072 : memref<512xf32, #tpu.memory_space<vmem>>[vector<16xi32>], vector<16xf32>, vector<16xi1>
      %add3A_1073 = arith.constant 2 : i32
      %add3A_1074 = arith.addi %mul3A_208, %add3A_1073 : i32
      %lt3A = arith.constant 128 : i32
      %lt3A_1075 = arith.cmpi slt, %add3A_1074, %lt3A : i32
      %convert_element_type3A_1076 = arith.extui %lt3A_1075 : i1 to i32
      %cond3A = arith.constant 0 : i32
      %cond3A_1077 = arith.cmpi ne, %convert_element_type3A_1076, %cond3A : i32
      scf.if %cond3A_1077 {
        %add3A_1753 = arith.constant 2 : i32
        %add3A_1754 = arith.addi %mul3A_208, %add3A_1753 : i32
        %mul3A_1755 = arith.constant 4 : i32
        %mul3A_1756 = arith.muli %add3A_1754, %mul3A_1755 : i32
        %get3A_1757 = arith.index_cast %mul3A_1756 : i32 to index
        %get3A_1758 = tpu.vector_load %arg9[%get3A_1757] {strides = array<i32>} : memref<528xi32, #tpu.memory_space<vmem>>, vector<16xi32>,
        %mul3A_1759 = arith.constant 4 : i32
        %mul3A_1760 = arith.muli %add3A_1754, %mul3A_1759 : i32
        %get3A_1761 = arith.index_cast %mul3A_1760 : i32 to index
        %get3A_1762 = tpu.vector_load %arg10[%get3A_1761] {strides = array<i32>} : memref<528xi32, #tpu.memory_space<vmem>>, vector<16xi32>,
        %slice3A_1763 = vector.extract_strided_slice %get3A_1758 {offsets = [0], sizes = [1], strides = [1]} : vector<16xi32> to vector<1xi32>
        %squeeze3A_1764 = vector.extract %slice3A_1763[0] : i32 from vector<1xi32>
        %shift_right_arithmetic3A_1765 = arith.constant 7 : i32
        %shift_right_arithmetic3A_1766 = arith.shrsi %squeeze3A_1764, %shift_right_arithmetic3A_1765 : i32
        %min3A_1767 = arith.constant 7811 : i32
        %min3A_1768 = arith.minsi %shift_right_arithmetic3A_1766, %min3A_1767 : i32
        %mul3A_1769 = arith.constant 128 : i32
        %mul3A_1770 = arith.muli %min3A_1768, %mul3A_1769 : i32
        %multiple_of3A_1771 = tpu.assume_multiple %mul3A_1770, 128 : i32
        %dma_start3A_1772 = arith.constant 0 : i32
        %dma_start3A_1773 = arith.constant 0 : i32
        %dma_start3A_1774 = arith.constant 0 : i32
        %dma_start3A_1775 = arith.constant 0 : i32
        %dma_start3A_1776 = arith.constant 0 : i32
        %dma_start3A_1777 = tpu.memref_slice %arg11[%dma_start3A_1772, %dma_start3A_1773, %dma_start3A_1774, %dma_start3A_1775, %dma_start3A_1776] : memref<2x2x4x32x128xf32, #tpu.memory_space<vmem>> -> memref<1x1x1x32x128xf32, #tpu.memory_space<vmem>>
        %dma_start3A_1778 = tpu.memref_squeeze %dma_start3A_1777 : memref<1x1x1x32x128xf32, #tpu.memory_space<vmem>> -> memref<32x128xf32, #tpu.memory_space<vmem>>
        %dma_start3A_1779 = arith.constant 0 : i32
        %dma_start3A_1780 = tpu.memref_slice %arg4[%dma_start3A_1779, %multiple_of3A_1771] : memref<32x1000000xf32, #tpu.memory_space<hbm>> -> memref<32x128xf32, #tpu.memory_space<hbm>>
        %dma_start3A_1781 = arith.constant 0 : i32
        %dma_start3A_1782 = arith.constant 0 : i32
        %dma_start3A_1783 = tpu.memref_slice %arg11[%dma_start3A_1772, %dma_start3A_1773, %dma_start3A_1774, %dma_start3A_1781, %dma_start3A_1782] : memref<2x2x4x32x128xf32, #tpu.memory_space<vmem>> -> memref<1x1x1x32x128xf32, #tpu.memory_space<vmem>>
        %dma_start3A_1784 = tpu.memref_squeeze %dma_start3A_1783 : memref<1x1x1x32x128xf32, #tpu.memory_space<vmem>> -> memref<32x128xf32, #tpu.memory_space<vmem>>
        %dma_start3A_1785 = arith.constant 0 : i32
        %dma_start3A_1786 = tpu.memref_slice %arg4[%dma_start3A_1785, %multiple_of3A_1771] : memref<32x1000000xf32, #tpu.memory_space<hbm>> -> memref<32x128xf32, #tpu.memory_space<hbm>>
        tpu.enqueue_dma source(%dma_start3A_1786 : memref<32x128xf32, #tpu.memory_space<hbm>>) target(%dma_start3A_1784 : memref<32x128xf32, #tpu.memory_space<vmem>>) target_semaphore(%arg17 : memref<!tpu.dma_semaphore, #tpu.memory_space<semaphore_mem>>)
        %slice3A_1787 = vector.extract_strided_slice %get3A_1758 {offsets = [1], sizes = [1], strides = [1]} : vector<16xi32> to vector<1xi32>
        %squeeze3A_1788 = vector.extract %slice3A_1787[0] : i32 from vector<1xi32>
        %shift_right_arithmetic3A_1789 = arith.constant 7 : i32
        %shift_right_arithmetic3A_1790 = arith.shrsi %squeeze3A_1788, %shift_right_arithmetic3A_1789 : i32
        %min3A_1791 = arith.constant 7811 : i32
        %min3A_1792 = arith.minsi %shift_right_arithmetic3A_1790, %min3A_1791 : i32
        %mul3A_1793 = arith.constant 128 : i32
        %mul3A_1794 = arith.muli %min3A_1792, %mul3A_1793 : i32
        %multiple_of3A_1795 = tpu.assume_multiple %mul3A_1794, 128 : i32
        %dma_start3A_1796 = arith.constant 0 : i32
        %dma_start3A_1797 = arith.constant 0 : i32
        %dma_start3A_1798 = arith.constant 1 : i32
        %dma_start3A_1799 = arith.constant 0 : i32
        %dma_start3A_1800 = arith.constant 0 : i32
        %dma_start3A_1801 = tpu.memref_slice %arg11[%dma_start3A_1796, %dma_start3A_1797, %dma_start3A_1798, %dma_start3A_1799, %dma_start3A_1800] : memref<2x2x4x32x128xf32, #tpu.memory_space<vmem>> -> memref<1x1x1x32x128xf32, #tpu.memory_space<vmem>>
        %dma_start3A_1802 = tpu.memref_squeeze %dma_start3A_1801 : memref<1x1x1x32x128xf32, #tpu.memory_space<vmem>> -> memref<32x128xf32, #tpu.memory_space<vmem>>
        %dma_start3A_1803 = arith.constant 0 : i32
        %dma_start3A_1804 = tpu.memref_slice %arg4[%dma_start3A_1803, %multiple_of3A_1795] : memref<32x1000000xf32, #tpu.memory_space<hbm>> -> memref<32x128xf32, #tpu.memory_space<hbm>>
        %dma_start3A_1805 = arith.constant 0 : i32
        %dma_start3A_1806 = arith.constant 0 : i32
        %dma_start3A_1807 = tpu.memref_slice %arg11[%dma_start3A_1796, %dma_start3A_1797, %dma_start3A_1798, %dma_start3A_1805, %dma_start3A_1806] : memref<2x2x4x32x128xf32, #tpu.memory_space<vmem>> -> memref<1x1x1x32x128xf32, #tpu.memory_space<vmem>>
        %dma_start3A_1808 = tpu.memref_squeeze %dma_start3A_1807 : memref<1x1x1x32x128xf32, #tpu.memory_space<vmem>> -> memref<32x128xf32, #tpu.memory_space<vmem>>
        %dma_start3A_1809 = arith.constant 0 : i32
        %dma_start3A_1810 = tpu.memref_slice %arg4[%dma_start3A_1809, %multiple_of3A_1795] : memref<32x1000000xf32, #tpu.memory_space<hbm>> -> memref<32x128xf32, #tpu.memory_space<hbm>>
        tpu.enqueue_dma source(%dma_start3A_1810 : memref<32x128xf32, #tpu.memory_space<hbm>>) target(%dma_start3A_1808 : memref<32x128xf32, #tpu.memory_space<vmem>>) target_semaphore(%arg17 : memref<!tpu.dma_semaphore, #tpu.memory_space<semaphore_mem>>)
        %slice3A_1811 = vector.extract_strided_slice %get3A_1758 {offsets = [2], sizes = [1], strides = [1]} : vector<16xi32> to vector<1xi32>
        %squeeze3A_1812 = vector.extract %slice3A_1811[0] : i32 from vector<1xi32>
        %shift_right_arithmetic3A_1813 = arith.constant 7 : i32
        %shift_right_arithmetic3A_1814 = arith.shrsi %squeeze3A_1812, %shift_right_arithmetic3A_1813 : i32
        %min3A_1815 = arith.constant 7811 : i32
        %min3A_1816 = arith.minsi %shift_right_arithmetic3A_1814, %min3A_1815 : i32
        %mul3A_1817 = arith.constant 128 : i32
        %mul3A_1818 = arith.muli %min3A_1816, %mul3A_1817 : i32
        %multiple_of3A_1819 = tpu.assume_multiple %mul3A_1818, 128 : i32
        %dma_start3A_1820 = arith.constant 0 : i32
        %dma_start3A_1821 = arith.constant 0 : i32
        %dma_start3A_1822 = arith.constant 2 : i32
        %dma_start3A_1823 = arith.constant 0 : i32
        %dma_start3A_1824 = arith.constant 0 : i32
        %dma_start3A_1825 = tpu.memref_slice %arg11[%dma_start3A_1820, %dma_start3A_1821, %dma_start3A_1822, %dma_start3A_1823, %dma_start3A_1824] : memref<2x2x4x32x128xf32, #tpu.memory_space<vmem>> -> memref<1x1x1x32x128xf32, #tpu.memory_space<vmem>>
        %dma_start3A_1826 = tpu.memref_squeeze %dma_start3A_1825 : memref<1x1x1x32x128xf32, #tpu.memory_space<vmem>> -> memref<32x128xf32, #tpu.memory_space<vmem>>
        %dma_start3A_1827 = arith.constant 0 : i32
        %dma_start3A_1828 = tpu.memref_slice %arg4[%dma_start3A_1827, %multiple_of3A_1819] : memref<32x1000000xf32, #tpu.memory_space<hbm>> -> memref<32x128xf32, #tpu.memory_space<hbm>>
        %dma_start3A_1829 = arith.constant 0 : i32
        %dma_start3A_1830 = arith.constant 0 : i32
        %dma_start3A_1831 = tpu.memref_slice %arg11[%dma_start3A_1820, %dma_start3A_1821, %dma_start3A_1822, %dma_start3A_1829, %dma_start3A_1830] : memref<2x2x4x32x128xf32, #tpu.memory_space<vmem>> -> memref<1x1x1x32x128xf32, #tpu.memory_space<vmem>>
        %dma_start3A_1832 = tpu.memref_squeeze %dma_start3A_1831 : memref<1x1x1x32x128xf32, #tpu.memory_space<vmem>> -> memref<32x128xf32, #tpu.memory_space<vmem>>
        %dma_start3A_1833 = arith.constant 0 : i32
        %dma_start3A_1834 = tpu.memref_slice %arg4[%dma_start3A_1833, %multiple_of3A_1819] : memref<32x1000000xf32, #tpu.memory_space<hbm>> -> memref<32x128xf32, #tpu.memory_space<hbm>>
        tpu.enqueue_dma source(%dma_start3A_1834 : memref<32x128xf32, #tpu.memory_space<hbm>>) target(%dma_start3A_1832 : memref<32x128xf32, #tpu.memory_space<vmem>>) target_semaphore(%arg17 : memref<!tpu.dma_semaphore, #tpu.memory_space<semaphore_mem>>)
        %slice3A_1835 = vector.extract_strided_slice %get3A_1758 {offsets = [3], sizes = [1], strides = [1]} : vector<16xi32> to vector<1xi32>
        %squeeze3A_1836 = vector.extract %slice3A_1835[0] : i32 from vector<1xi32>
        %shift_right_arithmetic3A_1837 = arith.constant 7 : i32
        %shift_right_arithmetic3A_1838 = arith.shrsi %squeeze3A_1836, %shift_right_arithmetic3A_1837 : i32
        %min3A_1839 = arith.constant 7811 : i32
        %min3A_1840 = arith.minsi %shift_right_arithmetic3A_1838, %min3A_1839 : i32
        %mul3A_1841 = arith.constant 128 : i32
        %mul3A_1842 = arith.muli %min3A_1840, %mul3A_1841 : i32
        %multiple_of3A_1843 = tpu.assume_multiple %mul3A_1842, 128 : i32
        %dma_start3A_1844 = arith.constant 0 : i32
        %dma_start3A_1845 = arith.constant 0 : i32
        %dma_start3A_1846 = arith.constant 3 : i32
        %dma_start3A_1847 = arith.constant 0 : i32
        %dma_start3A_1848 = arith.constant 0 : i32
        %dma_start3A_1849 = tpu.memref_slice %arg11[%dma_start3A_1844, %dma_start3A_1845, %dma_start3A_1846, %dma_start3A_1847, %dma_start3A_1848] : memref<2x2x4x32x128xf32, #tpu.memory_space<vmem>> -> memref<1x1x1x32x128xf32, #tpu.memory_space<vmem>>
        %dma_start3A_1850 = tpu.memref_squeeze %dma_start3A_1849 : memref<1x1x1x32x128xf32, #tpu.memory_space<vmem>> -> memref<32x128xf32, #tpu.memory_space<vmem>>
        %dma_start3A_1851 = arith.constant 0 : i32
        %dma_start3A_1852 = tpu.memref_slice %arg4[%dma_start3A_1851, %multiple_of3A_1843] : memref<32x1000000xf32, #tpu.memory_space<hbm>> -> memref<32x128xf32, #tpu.memory_space<hbm>>
        %dma_start3A_1853 = arith.constant 0 : i32
        %dma_start3A_1854 = arith.constant 0 : i32
        %dma_start3A_1855 = tpu.memref_slice %arg11[%dma_start3A_1844, %dma_start3A_1845, %dma_start3A_1846, %dma_start3A_1853, %dma_start3A_1854] : memref<2x2x4x32x128xf32, #tpu.memory_space<vmem>> -> memref<1x1x1x32x128xf32, #tpu.memory_space<vmem>>
        %dma_start3A_1856 = tpu.memref_squeeze %dma_start3A_1855 : memref<1x1x1x32x128xf32, #tpu.memory_space<vmem>> -> memref<32x128xf32, #tpu.memory_space<vmem>>
        %dma_start3A_1857 = arith.constant 0 : i32
        %dma_start3A_1858 = tpu.memref_slice %arg4[%dma_start3A_1857, %multiple_of3A_1843] : memref<32x1000000xf32, #tpu.memory_space<hbm>> -> memref<32x128xf32, #tpu.memory_space<hbm>>
        tpu.enqueue_dma source(%dma_start3A_1858 : memref<32x128xf32, #tpu.memory_space<hbm>>) target(%dma_start3A_1856 : memref<32x128xf32, #tpu.memory_space<vmem>>) target_semaphore(%arg17 : memref<!tpu.dma_semaphore, #tpu.memory_space<semaphore_mem>>)
        %slice3A_1859 = vector.extract_strided_slice %get3A_1762 {offsets = [0], sizes = [1], strides = [1]} : vector<16xi32> to vector<1xi32>
        %squeeze3A_1860 = vector.extract %slice3A_1859[0] : i32 from vector<1xi32>
        %shift_right_arithmetic3A_1861 = arith.constant 7 : i32
        %shift_right_arithmetic3A_1862 = arith.shrsi %squeeze3A_1860, %shift_right_arithmetic3A_1861 : i32
        %min3A_1863 = arith.constant 7811 : i32
        %min3A_1864 = arith.minsi %shift_right_arithmetic3A_1862, %min3A_1863 : i32
        %mul3A_1865 = arith.constant 128 : i32
        %mul3A_1866 = arith.muli %min3A_1864, %mul3A_1865 : i32
        %multiple_of3A_1867 = tpu.assume_multiple %mul3A_1866, 128 : i32
        %dma_start3A_1868 = arith.constant 0 : i32
        %dma_start3A_1869 = arith.constant 1 : i32
        %dma_start3A_1870 = arith.constant 0 : i32
        %dma_start3A_1871 = arith.constant 0 : i32
        %dma_start3A_1872 = arith.constant 0 : i32
        %dma_start3A_1873 = tpu.memref_slice %arg11[%dma_start3A_1868, %dma_start3A_1869, %dma_start3A_1870, %dma_start3A_1871, %dma_start3A_1872] : memref<2x2x4x32x128xf32, #tpu.memory_space<vmem>> -> memref<1x1x1x32x128xf32, #tpu.memory_space<vmem>>
        %dma_start3A_1874 = tpu.memref_squeeze %dma_start3A_1873 : memref<1x1x1x32x128xf32, #tpu.memory_space<vmem>> -> memref<32x128xf32, #tpu.memory_space<vmem>>
        %dma_start3A_1875 = arith.constant 0 : i32
        %dma_start3A_1876 = tpu.memref_slice %arg5[%dma_start3A_1875, %multiple_of3A_1867] : memref<32x1000000xf32, #tpu.memory_space<hbm>> -> memref<32x128xf32, #tpu.memory_space<hbm>>
        %dma_start3A_1877 = arith.constant 0 : i32
        %dma_start3A_1878 = arith.constant 0 : i32
        %dma_start3A_1879 = tpu.memref_slice %arg11[%dma_start3A_1868, %dma_start3A_1869, %dma_start3A_1870, %dma_start3A_1877, %dma_start3A_1878] : memref<2x2x4x32x128xf32, #tpu.memory_space<vmem>> -> memref<1x1x1x32x128xf32, #tpu.memory_space<vmem>>
        %dma_start3A_1880 = tpu.memref_squeeze %dma_start3A_1879 : memref<1x1x1x32x128xf32, #tpu.memory_space<vmem>> -> memref<32x128xf32, #tpu.memory_space<vmem>>
        %dma_start3A_1881 = arith.constant 0 : i32
        %dma_start3A_1882 = tpu.memref_slice %arg5[%dma_start3A_1881, %multiple_of3A_1867] : memref<32x1000000xf32, #tpu.memory_space<hbm>> -> memref<32x128xf32, #tpu.memory_space<hbm>>
        tpu.enqueue_dma source(%dma_start3A_1882 : memref<32x128xf32, #tpu.memory_space<hbm>>) target(%dma_start3A_1880 : memref<32x128xf32, #tpu.memory_space<vmem>>) target_semaphore(%arg17 : memref<!tpu.dma_semaphore, #tpu.memory_space<semaphore_mem>>)
        %slice3A_1883 = vector.extract_strided_slice %get3A_1762 {offsets = [1], sizes = [1], strides = [1]} : vector<16xi32> to vector<1xi32>
        %squeeze3A_1884 = vector.extract %slice3A_1883[0] : i32 from vector<1xi32>
        %shift_right_arithmetic3A_1885 = arith.constant 7 : i32
        %shift_right_arithmetic3A_1886 = arith.shrsi %squeeze3A_1884, %shift_right_arithmetic3A_1885 : i32
        %min3A_1887 = arith.constant 7811 : i32
        %min3A_1888 = arith.minsi %shift_right_arithmetic3A_1886, %min3A_1887 : i32
        %mul3A_1889 = arith.constant 128 : i32
        %mul3A_1890 = arith.muli %min3A_1888, %mul3A_1889 : i32
        %multiple_of3A_1891 = tpu.assume_multiple %mul3A_1890, 128 : i32
        %dma_start3A_1892 = arith.constant 0 : i32
        %dma_start3A_1893 = arith.constant 1 : i32
        %dma_start3A_1894 = arith.constant 1 : i32
        %dma_start3A_1895 = arith.constant 0 : i32
        %dma_start3A_1896 = arith.constant 0 : i32
        %dma_start3A_1897 = tpu.memref_slice %arg11[%dma_start3A_1892, %dma_start3A_1893, %dma_start3A_1894, %dma_start3A_1895, %dma_start3A_1896] : memref<2x2x4x32x128xf32, #tpu.memory_space<vmem>> -> memref<1x1x1x32x128xf32, #tpu.memory_space<vmem>>
        %dma_start3A_1898 = tpu.memref_squeeze %dma_start3A_1897 : memref<1x1x1x32x128xf32, #tpu.memory_space<vmem>> -> memref<32x128xf32, #tpu.memory_space<vmem>>
        %dma_start3A_1899 = arith.constant 0 : i32
        %dma_start3A_1900 = tpu.memref_slice %arg5[%dma_start3A_1899, %multiple_of3A_1891] : memref<32x1000000xf32, #tpu.memory_space<hbm>> -> memref<32x128xf32, #tpu.memory_space<hbm>>
        %dma_start3A_1901 = arith.constant 0 : i32
        %dma_start3A_1902 = arith.constant 0 : i32
        %dma_start3A_1903 = tpu.memref_slice %arg11[%dma_start3A_1892, %dma_start3A_1893, %dma_start3A_1894, %dma_start3A_1901, %dma_start3A_1902] : memref<2x2x4x32x128xf32, #tpu.memory_space<vmem>> -> memref<1x1x1x32x128xf32, #tpu.memory_space<vmem>>
        %dma_start3A_1904 = tpu.memref_squeeze %dma_start3A_1903 : memref<1x1x1x32x128xf32, #tpu.memory_space<vmem>> -> memref<32x128xf32, #tpu.memory_space<vmem>>
        %dma_start3A_1905 = arith.constant 0 : i32
        %dma_start3A_1906 = tpu.memref_slice %arg5[%dma_start3A_1905, %multiple_of3A_1891] : memref<32x1000000xf32, #tpu.memory_space<hbm>> -> memref<32x128xf32, #tpu.memory_space<hbm>>
        tpu.enqueue_dma source(%dma_start3A_1906 : memref<32x128xf32, #tpu.memory_space<hbm>>) target(%dma_start3A_1904 : memref<32x128xf32, #tpu.memory_space<vmem>>) target_semaphore(%arg17 : memref<!tpu.dma_semaphore, #tpu.memory_space<semaphore_mem>>)
        %slice3A_1907 = vector.extract_strided_slice %get3A_1762 {offsets = [2], sizes = [1], strides = [1]} : vector<16xi32> to vector<1xi32>
        %squeeze3A_1908 = vector.extract %slice3A_1907[0] : i32 from vector<1xi32>
        %shift_right_arithmetic3A_1909 = arith.constant 7 : i32
        %shift_right_arithmetic3A_1910 = arith.shrsi %squeeze3A_1908, %shift_right_arithmetic3A_1909 : i32
        %min3A_1911 = arith.constant 7811 : i32
        %min3A_1912 = arith.minsi %shift_right_arithmetic3A_1910, %min3A_1911 : i32
        %mul3A_1913 = arith.constant 128 : i32
        %mul3A_1914 = arith.muli %min3A_1912, %mul3A_1913 : i32
        %multiple_of3A_1915 = tpu.assume_multiple %mul3A_1914, 128 : i32
        %dma_start3A_1916 = arith.constant 0 : i32
        %dma_start3A_1917 = arith.constant 1 : i32
        %dma_start3A_1918 = arith.constant 2 : i32
        %dma_start3A_1919 = arith.constant 0 : i32
        %dma_start3A_1920 = arith.constant 0 : i32
        %dma_start3A_1921 = tpu.memref_slice %arg11[%dma_start3A_1916, %dma_start3A_1917, %dma_start3A_1918, %dma_start3A_1919, %dma_start3A_1920] : memref<2x2x4x32x128xf32, #tpu.memory_space<vmem>> -> memref<1x1x1x32x128xf32, #tpu.memory_space<vmem>>
        %dma_start3A_1922 = tpu.memref_squeeze %dma_start3A_1921 : memref<1x1x1x32x128xf32, #tpu.memory_space<vmem>> -> memref<32x128xf32, #tpu.memory_space<vmem>>
        %dma_start3A_1923 = arith.constant 0 : i32
        %dma_start3A_1924 = tpu.memref_slice %arg5[%dma_start3A_1923, %multiple_of3A_1915] : memref<32x1000000xf32, #tpu.memory_space<hbm>> -> memref<32x128xf32, #tpu.memory_space<hbm>>
        %dma_start3A_1925 = arith.constant 0 : i32
        %dma_start3A_1926 = arith.constant 0 : i32
        %dma_start3A_1927 = tpu.memref_slice %arg11[%dma_start3A_1916, %dma_start3A_1917, %dma_start3A_1918, %dma_start3A_1925, %dma_start3A_1926] : memref<2x2x4x32x128xf32, #tpu.memory_space<vmem>> -> memref<1x1x1x32x128xf32, #tpu.memory_space<vmem>>
        %dma_start3A_1928 = tpu.memref_squeeze %dma_start3A_1927 : memref<1x1x1x32x128xf32, #tpu.memory_space<vmem>> -> memref<32x128xf32, #tpu.memory_space<vmem>>
        %dma_start3A_1929 = arith.constant 0 : i32
        %dma_start3A_1930 = tpu.memref_slice %arg5[%dma_start3A_1929, %multiple_of3A_1915] : memref<32x1000000xf32, #tpu.memory_space<hbm>> -> memref<32x128xf32, #tpu.memory_space<hbm>>
        tpu.enqueue_dma source(%dma_start3A_1930 : memref<32x128xf32, #tpu.memory_space<hbm>>) target(%dma_start3A_1928 : memref<32x128xf32, #tpu.memory_space<vmem>>) target_semaphore(%arg17 : memref<!tpu.dma_semaphore, #tpu.memory_space<semaphore_mem>>)
        %slice3A_1931 = vector.extract_strided_slice %get3A_1762 {offsets = [3], sizes = [1], strides = [1]} : vector<16xi32> to vector<1xi32>
        %squeeze3A_1932 = vector.extract %slice3A_1931[0] : i32 from vector<1xi32>
        %shift_right_arithmetic3A_1933 = arith.constant 7 : i32
        %shift_right_arithmetic3A_1934 = arith.shrsi %squeeze3A_1932, %shift_right_arithmetic3A_1933 : i32
        %min3A_1935 = arith.constant 7811 : i32
        %min3A_1936 = arith.minsi %shift_right_arithmetic3A_1934, %min3A_1935 : i32
        %mul3A_1937 = arith.constant 128 : i32
        %mul3A_1938 = arith.muli %min3A_1936, %mul3A_1937 : i32
        %multiple_of3A_1939 = tpu.assume_multiple %mul3A_1938, 128 : i32
        %dma_start3A_1940 = arith.constant 0 : i32
        %dma_start3A_1941 = arith.constant 1 : i32
        %dma_start3A_1942 = arith.constant 3 : i32
        %dma_start3A_1943 = arith.constant 0 : i32
        %dma_start3A_1944 = arith.constant 0 : i32
        %dma_start3A_1945 = tpu.memref_slice %arg11[%dma_start3A_1940, %dma_start3A_1941, %dma_start3A_1942, %dma_start3A_1943, %dma_start3A_1944] : memref<2x2x4x32x128xf32, #tpu.memory_space<vmem>> -> memref<1x1x1x32x128xf32, #tpu.memory_space<vmem>>
        %dma_start3A_1946 = tpu.memref_squeeze %dma_start3A_1945 : memref<1x1x1x32x128xf32, #tpu.memory_space<vmem>> -> memref<32x128xf32, #tpu.memory_space<vmem>>
        %dma_start3A_1947 = arith.constant 0 : i32
        %dma_start3A_1948 = tpu.memref_slice %arg5[%dma_start3A_1947, %multiple_of3A_1939] : memref<32x1000000xf32, #tpu.memory_space<hbm>> -> memref<32x128xf32, #tpu.memory_space<hbm>>
        %dma_start3A_1949 = arith.constant 0 : i32
        %dma_start3A_1950 = arith.constant 0 : i32
        %dma_start3A_1951 = tpu.memref_slice %arg11[%dma_start3A_1940, %dma_start3A_1941, %dma_start3A_1942, %dma_start3A_1949, %dma_start3A_1950] : memref<2x2x4x32x128xf32, #tpu.memory_space<vmem>> -> memref<1x1x1x32x128xf32, #tpu.memory_space<vmem>>
        %dma_start3A_1952 = tpu.memref_squeeze %dma_start3A_1951 : memref<1x1x1x32x128xf32, #tpu.memory_space<vmem>> -> memref<32x128xf32, #tpu.memory_space<vmem>>
        %dma_start3A_1953 = arith.constant 0 : i32
        %dma_start3A_1954 = tpu.memref_slice %arg5[%dma_start3A_1953, %multiple_of3A_1939] : memref<32x1000000xf32, #tpu.memory_space<hbm>> -> memref<32x128xf32, #tpu.memory_space<hbm>>
        tpu.enqueue_dma source(%dma_start3A_1954 : memref<32x128xf32, #tpu.memory_space<hbm>>) target(%dma_start3A_1952 : memref<32x128xf32, #tpu.memory_space<vmem>>) target_semaphore(%arg17 : memref<!tpu.dma_semaphore, #tpu.memory_space<semaphore_mem>>)
      } else {
      }
      %dma_wait3A_1078 = arith.constant 1 : i32
      %dma_wait3A_1079 = arith.constant 0 : i32
      %dma_wait3A_1080 = arith.constant 0 : i32
      %dma_wait3A_1081 = arith.constant 0 : i32
      %dma_wait3A_1082 = arith.constant 0 : i32
      %dma_wait3A_1083 = tpu.memref_slice %arg11[%dma_wait3A_1078, %dma_wait3A_1079, %dma_wait3A_1080, %dma_wait3A_1081, %dma_wait3A_1082] : memref<2x2x4x32x128xf32, #tpu.memory_space<vmem>> -> memref<1x1x1x32x128xf32, #tpu.memory_space<vmem>>
      %dma_wait3A_1084 = tpu.memref_squeeze %dma_wait3A_1083 : memref<1x1x1x32x128xf32, #tpu.memory_space<vmem>> -> memref<32x128xf32, #tpu.memory_space<vmem>>
      %dma_wait3A_1085 = arith.constant 0 : i32
      %dma_wait3A_1086 = arith.constant 0 : i32
      %dma_wait3A_1087 = tpu.memref_slice %arg4[%dma_wait3A_1085, %dma_wait3A_1086] : memref<32x1000000xf32, #tpu.memory_space<hbm>> -> memref<32x128xf32, #tpu.memory_space<hbm>>
      %dma_wait3A_1088 = arith.constant 0 : i32
      %dma_wait3A_1089 = arith.constant 0 : i32
      %dma_wait3A_1090 = tpu.memref_slice %arg11[%dma_wait3A_1078, %dma_wait3A_1079, %dma_wait3A_1080, %dma_wait3A_1088, %dma_wait3A_1089] : memref<2x2x4x32x128xf32, #tpu.memory_space<vmem>> -> memref<1x1x1x32x128xf32, #tpu.memory_space<vmem>>
      %dma_wait3A_1091 = tpu.memref_squeeze %dma_wait3A_1090 : memref<1x1x1x32x128xf32, #tpu.memory_space<vmem>> -> memref<32x128xf32, #tpu.memory_space<vmem>>
      %dma_wait3A_1092 = arith.constant 0 : i32
      %dma_wait3A_1093 = arith.constant 0 : i32
      %dma_wait3A_1094 = tpu.memref_slice %arg4[%dma_wait3A_1092, %dma_wait3A_1093] : memref<32x1000000xf32, #tpu.memory_space<hbm>> -> memref<32x128xf32, #tpu.memory_space<hbm>>
      tpu.wait_dma2 semaphore(%arg18 : memref<!tpu.dma_semaphore, #tpu.memory_space<semaphore_mem>>) src(%dma_wait3A_1094 : memref<32x128xf32, #tpu.memory_space<hbm>>) dst(%dma_wait3A_1091 : memref<32x128xf32, #tpu.memory_space<vmem>>)
      %dma_wait3A_1095 = arith.constant 1 : i32
      %dma_wait3A_1096 = arith.constant 0 : i32
      %dma_wait3A_1097 = arith.constant 0 : i32
      %dma_wait3A_1098 = arith.constant 0 : i32
      %dma_wait3A_1099 = arith.constant 0 : i32
      %dma_wait3A_1100 = tpu.memref_slice %arg11[%dma_wait3A_1095, %dma_wait3A_1096, %dma_wait3A_1097, %dma_wait3A_1098, %dma_wait3A_1099] : memref<2x2x4x32x128xf32, #tpu.memory_space<vmem>> -> memref<1x1x1x32x128xf32, #tpu.memory_space<vmem>>
      %dma_wait3A_1101 = tpu.memref_squeeze %dma_wait3A_1100 : memref<1x1x1x32x128xf32, #tpu.memory_space<vmem>> -> memref<32x128xf32, #tpu.memory_space<vmem>>
      %dma_wait3A_1102 = arith.constant 0 : i32
      %dma_wait3A_1103 = arith.constant 0 : i32
      %dma_wait3A_1104 = tpu.memref_slice %arg4[%dma_wait3A_1102, %dma_wait3A_1103] : memref<32x1000000xf32, #tpu.memory_space<hbm>> -> memref<32x128xf32, #tpu.memory_space<hbm>>
      %dma_wait3A_1105 = arith.constant 0 : i32
      %dma_wait3A_1106 = arith.constant 0 : i32
      %dma_wait3A_1107 = tpu.memref_slice %arg11[%dma_wait3A_1095, %dma_wait3A_1096, %dma_wait3A_1097, %dma_wait3A_1105, %dma_wait3A_1106] : memref<2x2x4x32x128xf32, #tpu.memory_space<vmem>> -> memref<1x1x1x32x128xf32, #tpu.memory_space<vmem>>
      %dma_wait3A_1108 = tpu.memref_squeeze %dma_wait3A_1107 : memref<1x1x1x32x128xf32, #tpu.memory_space<vmem>> -> memref<32x128xf32, #tpu.memory_space<vmem>>
      %dma_wait3A_1109 = arith.constant 0 : i32
      %dma_wait3A_1110 = arith.constant 0 : i32
      %dma_wait3A_1111 = tpu.memref_slice %arg4[%dma_wait3A_1109, %dma_wait3A_1110] : memref<32x1000000xf32, #tpu.memory_space<hbm>> -> memref<32x128xf32, #tpu.memory_space<hbm>>
      tpu.wait_dma2 semaphore(%arg18 : memref<!tpu.dma_semaphore, #tpu.memory_space<semaphore_mem>>) src(%dma_wait3A_1111 : memref<32x128xf32, #tpu.memory_space<hbm>>) dst(%dma_wait3A_1108 : memref<32x128xf32, #tpu.memory_space<vmem>>)
      %dma_wait3A_1112 = arith.constant 1 : i32
      %dma_wait3A_1113 = arith.constant 0 : i32
      %dma_wait3A_1114 = arith.constant 0 : i32
      %dma_wait3A_1115 = arith.constant 0 : i32
      %dma_wait3A_1116 = arith.constant 0 : i32
      %dma_wait3A_1117 = tpu.memref_slice %arg11[%dma_wait3A_1112, %dma_wait3A_1113, %dma_wait3A_1114, %dma_wait3A_1115, %dma_wait3A_1116] : memref<2x2x4x32x128xf32, #tpu.memory_space<vmem>> -> memref<1x1x1x32x128xf32, #tpu.memory_space<vmem>>
      %dma_wait3A_1118 = tpu.memref_squeeze %dma_wait3A_1117 : memref<1x1x1x32x128xf32, #tpu.memory_space<vmem>> -> memref<32x128xf32, #tpu.memory_space<vmem>>
      %dma_wait3A_1119 = arith.constant 0 : i32
      %dma_wait3A_1120 = arith.constant 0 : i32
      %dma_wait3A_1121 = tpu.memref_slice %arg4[%dma_wait3A_1119, %dma_wait3A_1120] : memref<32x1000000xf32, #tpu.memory_space<hbm>> -> memref<32x128xf32, #tpu.memory_space<hbm>>
      %dma_wait3A_1122 = arith.constant 0 : i32
      %dma_wait3A_1123 = arith.constant 0 : i32
      %dma_wait3A_1124 = tpu.memref_slice %arg11[%dma_wait3A_1112, %dma_wait3A_1113, %dma_wait3A_1114, %dma_wait3A_1122, %dma_wait3A_1123] : memref<2x2x4x32x128xf32, #tpu.memory_space<vmem>> -> memref<1x1x1x32x128xf32, #tpu.memory_space<vmem>>
      %dma_wait3A_1125 = tpu.memref_squeeze %dma_wait3A_1124 : memref<1x1x1x32x128xf32, #tpu.memory_space<vmem>> -> memref<32x128xf32, #tpu.memory_space<vmem>>
      %dma_wait3A_1126 = arith.constant 0 : i32
      %dma_wait3A_1127 = arith.constant 0 : i32
      %dma_wait3A_1128 = tpu.memref_slice %arg4[%dma_wait3A_1126, %dma_wait3A_1127] : memref<32x1000000xf32, #tpu.memory_space<hbm>> -> memref<32x128xf32, #tpu.memory_space<hbm>>
      tpu.wait_dma2 semaphore(%arg18 : memref<!tpu.dma_semaphore, #tpu.memory_space<semaphore_mem>>) src(%dma_wait3A_1128 : memref<32x128xf32, #tpu.memory_space<hbm>>) dst(%dma_wait3A_1125 : memref<32x128xf32, #tpu.memory_space<vmem>>)
      %dma_wait3A_1129 = arith.constant 1 : i32
      %dma_wait3A_1130 = arith.constant 0 : i32
      %dma_wait3A_1131 = arith.constant 0 : i32
      %dma_wait3A_1132 = arith.constant 0 : i32
      %dma_wait3A_1133 = arith.constant 0 : i32
      %dma_wait3A_1134 = tpu.memref_slice %arg11[%dma_wait3A_1129, %dma_wait3A_1130, %dma_wait3A_1131, %dma_wait3A_1132, %dma_wait3A_1133] : memref<2x2x4x32x128xf32, #tpu.memory_space<vmem>> -> memref<1x1x1x32x128xf32, #tpu.memory_space<vmem>>
      %dma_wait3A_1135 = tpu.memref_squeeze %dma_wait3A_1134 : memref<1x1x1x32x128xf32, #tpu.memory_space<vmem>> -> memref<32x128xf32, #tpu.memory_space<vmem>>
      %dma_wait3A_1136 = arith.constant 0 : i32
      %dma_wait3A_1137 = arith.constant 0 : i32
      %dma_wait3A_1138 = tpu.memref_slice %arg4[%dma_wait3A_1136, %dma_wait3A_1137] : memref<32x1000000xf32, #tpu.memory_space<hbm>> -> memref<32x128xf32, #tpu.memory_space<hbm>>
      %dma_wait3A_1139 = arith.constant 0 : i32
      %dma_wait3A_1140 = arith.constant 0 : i32
      %dma_wait3A_1141 = tpu.memref_slice %arg11[%dma_wait3A_1129, %dma_wait3A_1130, %dma_wait3A_1131, %dma_wait3A_1139, %dma_wait3A_1140] : memref<2x2x4x32x128xf32, #tpu.memory_space<vmem>> -> memref<1x1x1x32x128xf32, #tpu.memory_space<vmem>>
      %dma_wait3A_1142 = tpu.memref_squeeze %dma_wait3A_1141 : memref<1x1x1x32x128xf32, #tpu.memory_space<vmem>> -> memref<32x128xf32, #tpu.memory_space<vmem>>
      %dma_wait3A_1143 = arith.constant 0 : i32
      %dma_wait3A_1144 = arith.constant 0 : i32
      %dma_wait3A_1145 = tpu.memref_slice %arg4[%dma_wait3A_1143, %dma_wait3A_1144] : memref<32x1000000xf32, #tpu.memory_space<hbm>> -> memref<32x128xf32, #tpu.memory_space<hbm>>
      tpu.wait_dma2 semaphore(%arg18 : memref<!tpu.dma_semaphore, #tpu.memory_space<semaphore_mem>>) src(%dma_wait3A_1145 : memref<32x128xf32, #tpu.memory_space<hbm>>) dst(%dma_wait3A_1142 : memref<32x128xf32, #tpu.memory_space<vmem>>)
      %dma_wait3A_1146 = arith.constant 1 : i32
      %dma_wait3A_1147 = arith.constant 0 : i32
      %dma_wait3A_1148 = arith.constant 0 : i32
      %dma_wait3A_1149 = arith.constant 0 : i32
      %dma_wait3A_1150 = arith.constant 0 : i32
      %dma_wait3A_1151 = tpu.memref_slice %arg11[%dma_wait3A_1146, %dma_wait3A_1147, %dma_wait3A_1148, %dma_wait3A_1149, %dma_wait3A_1150] : memref<2x2x4x32x128xf32, #tpu.memory_space<vmem>> -> memref<1x1x1x32x128xf32, #tpu.memory_space<vmem>>
      %dma_wait3A_1152 = tpu.memref_squeeze %dma_wait3A_1151 : memref<1x1x1x32x128xf32, #tpu.memory_space<vmem>> -> memref<32x128xf32, #tpu.memory_space<vmem>>
      %dma_wait3A_1153 = arith.constant 0 : i32
      %dma_wait3A_1154 = arith.constant 0 : i32
      %dma_wait3A_1155 = tpu.memref_slice %arg4[%dma_wait3A_1153, %dma_wait3A_1154] : memref<32x1000000xf32, #tpu.memory_space<hbm>> -> memref<32x128xf32, #tpu.memory_space<hbm>>
      %dma_wait3A_1156 = arith.constant 0 : i32
      %dma_wait3A_1157 = arith.constant 0 : i32
      %dma_wait3A_1158 = tpu.memref_slice %arg11[%dma_wait3A_1146, %dma_wait3A_1147, %dma_wait3A_1148, %dma_wait3A_1156, %dma_wait3A_1157] : memref<2x2x4x32x128xf32, #tpu.memory_space<vmem>> -> memref<1x1x1x32x128xf32, #tpu.memory_space<vmem>>
      %dma_wait3A_1159 = tpu.memref_squeeze %dma_wait3A_1158 : memref<1x1x1x32x128xf32, #tpu.memory_space<vmem>> -> memref<32x128xf32, #tpu.memory_space<vmem>>
      %dma_wait3A_1160 = arith.constant 0 : i32
      %dma_wait3A_1161 = arith.constant 0 : i32
      %dma_wait3A_1162 = tpu.memref_slice %arg4[%dma_wait3A_1160, %dma_wait3A_1161] : memref<32x1000000xf32, #tpu.memory_space<hbm>> -> memref<32x128xf32, #tpu.memory_space<hbm>>
      tpu.wait_dma2 semaphore(%arg18 : memref<!tpu.dma_semaphore, #tpu.memory_space<semaphore_mem>>) src(%dma_wait3A_1162 : memref<32x128xf32, #tpu.memory_space<hbm>>) dst(%dma_wait3A_1159 : memref<32x128xf32, #tpu.memory_space<vmem>>)
      %dma_wait3A_1163 = arith.constant 1 : i32
      %dma_wait3A_1164 = arith.constant 0 : i32
      %dma_wait3A_1165 = arith.constant 0 : i32
      %dma_wait3A_1166 = arith.constant 0 : i32
      %dma_wait3A_1167 = arith.constant 0 : i32
      %dma_wait3A_1168 = tpu.memref_slice %arg11[%dma_wait3A_1163, %dma_wait3A_1164, %dma_wait3A_1165, %dma_wait3A_1166, %dma_wait3A_1167] : memref<2x2x4x32x128xf32, #tpu.memory_space<vmem>> -> memref<1x1x1x32x128xf32, #tpu.memory_space<vmem>>
      %dma_wait3A_1169 = tpu.memref_squeeze %dma_wait3A_1168 : memref<1x1x1x32x128xf32, #tpu.memory_space<vmem>> -> memref<32x128xf32, #tpu.memory_space<vmem>>
      %dma_wait3A_1170 = arith.constant 0 : i32
      %dma_wait3A_1171 = arith.constant 0 : i32
      %dma_wait3A_1172 = tpu.memref_slice %arg4[%dma_wait3A_1170, %dma_wait3A_1171] : memref<32x1000000xf32, #tpu.memory_space<hbm>> -> memref<32x128xf32, #tpu.memory_space<hbm>>
      %dma_wait3A_1173 = arith.constant 0 : i32
      %dma_wait3A_1174 = arith.constant 0 : i32
      %dma_wait3A_1175 = tpu.memref_slice %arg11[%dma_wait3A_1163, %dma_wait3A_1164, %dma_wait3A_1165, %dma_wait3A_1173, %dma_wait3A_1174] : memref<2x2x4x32x128xf32, #tpu.memory_space<vmem>> -> memref<1x1x1x32x128xf32, #tpu.memory_space<vmem>>
      %dma_wait3A_1176 = tpu.memref_squeeze %dma_wait3A_1175 : memref<1x1x1x32x128xf32, #tpu.memory_space<vmem>> -> memref<32x128xf32, #tpu.memory_space<vmem>>
      %dma_wait3A_1177 = arith.constant 0 : i32
      %dma_wait3A_1178 = arith.constant 0 : i32
      %dma_wait3A_1179 = tpu.memref_slice %arg4[%dma_wait3A_1177, %dma_wait3A_1178] : memref<32x1000000xf32, #tpu.memory_space<hbm>> -> memref<32x128xf32, #tpu.memory_space<hbm>>
      tpu.wait_dma2 semaphore(%arg18 : memref<!tpu.dma_semaphore, #tpu.memory_space<semaphore_mem>>) src(%dma_wait3A_1179 : memref<32x128xf32, #tpu.memory_space<hbm>>) dst(%dma_wait3A_1176 : memref<32x128xf32, #tpu.memory_space<vmem>>)
      %dma_wait3A_1180 = arith.constant 1 : i32
      %dma_wait3A_1181 = arith.constant 0 : i32
      %dma_wait3A_1182 = arith.constant 0 : i32
      %dma_wait3A_1183 = arith.constant 0 : i32
      %dma_wait3A_1184 = arith.constant 0 : i32
      %dma_wait3A_1185 = tpu.memref_slice %arg11[%dma_wait3A_1180, %dma_wait3A_1181, %dma_wait3A_1182, %dma_wait3A_1183, %dma_wait3A_1184] : memref<2x2x4x32x128xf32, #tpu.memory_space<vmem>> -> memref<1x1x1x32x128xf32, #tpu.memory_space<vmem>>
      %dma_wait3A_1186 = tpu.memref_squeeze %dma_wait3A_1185 : memref<1x1x1x32x128xf32, #tpu.memory_space<vmem>> -> memref<32x128xf32, #tpu.memory_space<vmem>>
      %dma_wait3A_1187 = arith.constant 0 : i32
      %dma_wait3A_1188 = arith.constant 0 : i32
      %dma_wait3A_1189 = tpu.memref_slice %arg4[%dma_wait3A_1187, %dma_wait3A_1188] : memref<32x1000000xf32, #tpu.memory_space<hbm>> -> memref<32x128xf32, #tpu.memory_space<hbm>>
      %dma_wait3A_1190 = arith.constant 0 : i32
      %dma_wait3A_1191 = arith.constant 0 : i32
      %dma_wait3A_1192 = tpu.memref_slice %arg11[%dma_wait3A_1180, %dma_wait3A_1181, %dma_wait3A_1182, %dma_wait3A_1190, %dma_wait3A_1191] : memref<2x2x4x32x128xf32, #tpu.memory_space<vmem>> -> memref<1x1x1x32x128xf32, #tpu.memory_space<vmem>>
      %dma_wait3A_1193 = tpu.memref_squeeze %dma_wait3A_1192 : memref<1x1x1x32x128xf32, #tpu.memory_space<vmem>> -> memref<32x128xf32, #tpu.memory_space<vmem>>
      %dma_wait3A_1194 = arith.constant 0 : i32
      %dma_wait3A_1195 = arith.constant 0 : i32
      %dma_wait3A_1196 = tpu.memref_slice %arg4[%dma_wait3A_1194, %dma_wait3A_1195] : memref<32x1000000xf32, #tpu.memory_space<hbm>> -> memref<32x128xf32, #tpu.memory_space<hbm>>
      tpu.wait_dma2 semaphore(%arg18 : memref<!tpu.dma_semaphore, #tpu.memory_space<semaphore_mem>>) src(%dma_wait3A_1196 : memref<32x128xf32, #tpu.memory_space<hbm>>) dst(%dma_wait3A_1193 : memref<32x128xf32, #tpu.memory_space<vmem>>)
      %dma_wait3A_1197 = arith.constant 1 : i32
      %dma_wait3A_1198 = arith.constant 0 : i32
      %dma_wait3A_1199 = arith.constant 0 : i32
      %dma_wait3A_1200 = arith.constant 0 : i32
      %dma_wait3A_1201 = arith.constant 0 : i32
      %dma_wait3A_1202 = tpu.memref_slice %arg11[%dma_wait3A_1197, %dma_wait3A_1198, %dma_wait3A_1199, %dma_wait3A_1200, %dma_wait3A_1201] : memref<2x2x4x32x128xf32, #tpu.memory_space<vmem>> -> memref<1x1x1x32x128xf32, #tpu.memory_space<vmem>>
      %dma_wait3A_1203 = tpu.memref_squeeze %dma_wait3A_1202 : memref<1x1x1x32x128xf32, #tpu.memory_space<vmem>> -> memref<32x128xf32, #tpu.memory_space<vmem>>
      %dma_wait3A_1204 = arith.constant 0 : i32
      %dma_wait3A_1205 = arith.constant 0 : i32
      %dma_wait3A_1206 = tpu.memref_slice %arg4[%dma_wait3A_1204, %dma_wait3A_1205] : memref<32x1000000xf32, #tpu.memory_space<hbm>> -> memref<32x128xf32, #tpu.memory_space<hbm>>
      %dma_wait3A_1207 = arith.constant 0 : i32
      %dma_wait3A_1208 = arith.constant 0 : i32
      %dma_wait3A_1209 = tpu.memref_slice %arg11[%dma_wait3A_1197, %dma_wait3A_1198, %dma_wait3A_1199, %dma_wait3A_1207, %dma_wait3A_1208] : memref<2x2x4x32x128xf32, #tpu.memory_space<vmem>> -> memref<1x1x1x32x128xf32, #tpu.memory_space<vmem>>
      %dma_wait3A_1210 = tpu.memref_squeeze %dma_wait3A_1209 : memref<1x1x1x32x128xf32, #tpu.memory_space<vmem>> -> memref<32x128xf32, #tpu.memory_space<vmem>>
      %dma_wait3A_1211 = arith.constant 0 : i32
      %dma_wait3A_1212 = arith.constant 0 : i32
      %dma_wait3A_1213 = tpu.memref_slice %arg4[%dma_wait3A_1211, %dma_wait3A_1212] : memref<32x1000000xf32, #tpu.memory_space<hbm>> -> memref<32x128xf32, #tpu.memory_space<hbm>>
      tpu.wait_dma2 semaphore(%arg18 : memref<!tpu.dma_semaphore, #tpu.memory_space<semaphore_mem>>) src(%dma_wait3A_1213 : memref<32x128xf32, #tpu.memory_space<hbm>>) dst(%dma_wait3A_1210 : memref<32x128xf32, #tpu.memory_space<vmem>>)
      %add3A_1214 = arith.constant 1 : i32
      %add3A_1215 = arith.addi %mul3A_208, %add3A_1214 : i32
      %mul3A_1216 = arith.constant 4 : i32
      %mul3A_1217 = arith.muli %add3A_1215, %mul3A_1216 : i32
      %get3A_1218 = arith.index_cast %mul3A_1217 : i32 to index
      %get3A_1219 = tpu.vector_load %arg9[%get3A_1218] {strides = array<i32>} : memref<528xi32, #tpu.memory_space<vmem>>, vector<16xi32>,
      %mul3A_1220 = arith.constant 4 : i32
      %mul3A_1221 = arith.muli %add3A_1215, %mul3A_1220 : i32
      %get3A_1222 = arith.index_cast %mul3A_1221 : i32 to index
      %get3A_1223 = tpu.vector_load %arg10[%get3A_1222] {strides = array<i32>} : memref<528xi32, #tpu.memory_space<vmem>>, vector<16xi32>,
      %slice3A_1224 = vector.extract_strided_slice %get3A_1219 {offsets = [0], sizes = [1], strides = [1]} : vector<16xi32> to vector<1xi32>
      %squeeze3A_1225 = vector.extract %slice3A_1224[0] : i32 from vector<1xi32>
      %and3A_1226 = arith.constant 127 : i32
      %and3A_1227 = arith.andi %squeeze3A_1225, %and3A_1226 : i32
      %slice3A_1228 = vector.extract_strided_slice %get3A_1219 {offsets = [1], sizes = [1], strides = [1]} : vector<16xi32> to vector<1xi32>
      %squeeze3A_1229 = vector.extract %slice3A_1228[0] : i32 from vector<1xi32>
      %and3A_1230 = arith.constant 127 : i32
      %and3A_1231 = arith.andi %squeeze3A_1229, %and3A_1230 : i32
      %slice3A_1232 = vector.extract_strided_slice %get3A_1219 {offsets = [2], sizes = [1], strides = [1]} : vector<16xi32> to vector<1xi32>
      %squeeze3A_1233 = vector.extract %slice3A_1232[0] : i32 from vector<1xi32>
      %and3A_1234 = arith.constant 127 : i32
      %and3A_1235 = arith.andi %squeeze3A_1233, %and3A_1234 : i32
      %slice3A_1236 = vector.extract_strided_slice %get3A_1219 {offsets = [3], sizes = [1], strides = [1]} : vector<16xi32> to vector<1xi32>
      %squeeze3A_1237 = vector.extract %slice3A_1236[0] : i32 from vector<1xi32>
      %and3A_1238 = arith.constant 127 : i32
      %and3A_1239 = arith.andi %squeeze3A_1237, %and3A_1238 : i32
      %broadcast_in_dim3A_1240 = vector.broadcast %and3A_1227 : i32 to vector<16xi32>
      %eq3A_1241 = arith.constant 1 : i32
      %eq3A_1242 = vector.broadcast %eq3A_1241 : i32 to vector<16xi32>
      %eq3A_1243 = arith.cmpi eq, %shift_right_arithmetic3A_4, %eq3A_1242 : vector<16xi32>
      %broadcast_in_dim3A_1244 = vector.broadcast %and3A_1231 : i32 to vector<16xi32>
      %select_n3A_1245 = arith.select %eq3A_1243, %broadcast_in_dim3A_1244, %broadcast_in_dim3A_1240 : vector<16xi1>, vector<16xi32>
      %eq3A_1246 = arith.constant 2 : i32
      %eq3A_1247 = vector.broadcast %eq3A_1246 : i32 to vector<16xi32>
      %eq3A_1248 = arith.cmpi eq, %shift_right_arithmetic3A_4, %eq3A_1247 : vector<16xi32>
      %broadcast_in_dim3A_1249 = vector.broadcast %and3A_1235 : i32 to vector<16xi32>
      %select_n3A_1250 = arith.select %eq3A_1248, %broadcast_in_dim3A_1249, %select_n3A_1245 : vector<16xi1>, vector<16xi32>
      %eq3A_1251 = arith.constant 3 : i32
      %eq3A_1252 = vector.broadcast %eq3A_1251 : i32 to vector<16xi32>
      %eq3A_1253 = arith.cmpi eq, %shift_right_arithmetic3A_4, %eq3A_1252 : vector<16xi32>
      %broadcast_in_dim3A_1254 = vector.broadcast %and3A_1239 : i32 to vector<16xi32>
      %select_n3A_1255 = arith.select %eq3A_1253, %broadcast_in_dim3A_1254, %select_n3A_1250 : vector<16xi1>, vector<16xi32>
      %slice3A_1256 = vector.extract_strided_slice %get3A_1223 {offsets = [0], sizes = [1], strides = [1]} : vector<16xi32> to vector<1xi32>
      %squeeze3A_1257 = vector.extract %slice3A_1256[0] : i32 from vector<1xi32>
      %and3A_1258 = arith.constant 127 : i32
      %and3A_1259 = arith.andi %squeeze3A_1257, %and3A_1258 : i32
      %slice3A_1260 = vector.extract_strided_slice %get3A_1223 {offsets = [1], sizes = [1], strides = [1]} : vector<16xi32> to vector<1xi32>
      %squeeze3A_1261 = vector.extract %slice3A_1260[0] : i32 from vector<1xi32>
      %and3A_1262 = arith.constant 127 : i32
      %and3A_1263 = arith.andi %squeeze3A_1261, %and3A_1262 : i32
      %slice3A_1264 = vector.extract_strided_slice %get3A_1223 {offsets = [2], sizes = [1], strides = [1]} : vector<16xi32> to vector<1xi32>
      %squeeze3A_1265 = vector.extract %slice3A_1264[0] : i32 from vector<1xi32>
      %and3A_1266 = arith.constant 127 : i32
      %and3A_1267 = arith.andi %squeeze3A_1265, %and3A_1266 : i32
      %slice3A_1268 = vector.extract_strided_slice %get3A_1223 {offsets = [3], sizes = [1], strides = [1]} : vector<16xi32> to vector<1xi32>
      %squeeze3A_1269 = vector.extract %slice3A_1268[0] : i32 from vector<1xi32>
      %and3A_1270 = arith.constant 127 : i32
      %and3A_1271 = arith.andi %squeeze3A_1269, %and3A_1270 : i32
      %broadcast_in_dim3A_1272 = vector.broadcast %and3A_1259 : i32 to vector<16xi32>
      %eq3A_1273 = arith.constant 1 : i32
      %eq3A_1274 = vector.broadcast %eq3A_1273 : i32 to vector<16xi32>
      %eq3A_1275 = arith.cmpi eq, %shift_right_arithmetic3A_4, %eq3A_1274 : vector<16xi32>
      %broadcast_in_dim3A_1276 = vector.broadcast %and3A_1263 : i32 to vector<16xi32>
      %select_n3A_1277 = arith.select %eq3A_1275, %broadcast_in_dim3A_1276, %broadcast_in_dim3A_1272 : vector<16xi1>, vector<16xi32>
      %eq3A_1278 = arith.constant 2 : i32
      %eq3A_1279 = vector.broadcast %eq3A_1278 : i32 to vector<16xi32>
      %eq3A_1280 = arith.cmpi eq, %shift_right_arithmetic3A_4, %eq3A_1279 : vector<16xi32>
      %broadcast_in_dim3A_1281 = vector.broadcast %and3A_1267 : i32 to vector<16xi32>
      %select_n3A_1282 = arith.select %eq3A_1280, %broadcast_in_dim3A_1281, %select_n3A_1277 : vector<16xi1>, vector<16xi32>
      %eq3A_1283 = arith.constant 3 : i32
      %eq3A_1284 = vector.broadcast %eq3A_1283 : i32 to vector<16xi32>
      %eq3A_1285 = arith.cmpi eq, %shift_right_arithmetic3A_4, %eq3A_1284 : vector<16xi32>
      %broadcast_in_dim3A_1286 = vector.broadcast %and3A_1271 : i32 to vector<16xi32>
      %select_n3A_1287 = arith.select %eq3A_1285, %broadcast_in_dim3A_1286, %select_n3A_1282 : vector<16xi1>, vector<16xi32>
      %slice3A_1288 = vector.extract_strided_slice %get3A_1219 {offsets = [0], sizes = [1], strides = [1]} : vector<16xi32> to vector<1xi32>
      %squeeze3A_1289 = vector.extract %slice3A_1288[0] : i32 from vector<1xi32>
      %sub3A_1290 = arith.constant 999936 : i32
      %sub3A_1291 = arith.subi %squeeze3A_1289, %sub3A_1290 : i32
      %jit3A_1292 = arith.constant 0 : i32
      %jit3A_1293 = arith.constant 63 : i32
      %max3A_1294 = arith.maxsi %jit3A_1292, %sub3A_1291 : i32
      %min3A_1295 = arith.minsi %jit3A_1293, %max3A_1294 : i32
      %slice3A_1296 = vector.extract_strided_slice %get3A_1219 {offsets = [1], sizes = [1], strides = [1]} : vector<16xi32> to vector<1xi32>
      %squeeze3A_1297 = vector.extract %slice3A_1296[0] : i32 from vector<1xi32>
      %sub3A_1298 = arith.constant 999936 : i32
      %sub3A_1299 = arith.subi %squeeze3A_1297, %sub3A_1298 : i32
      %jit3A_1300 = arith.constant 0 : i32
      %jit3A_1301 = arith.constant 63 : i32
      %max3A_1302 = arith.maxsi %jit3A_1300, %sub3A_1299 : i32
      %min3A_1303 = arith.minsi %jit3A_1301, %max3A_1302 : i32
      %slice3A_1304 = vector.extract_strided_slice %get3A_1219 {offsets = [2], sizes = [1], strides = [1]} : vector<16xi32> to vector<1xi32>
      %squeeze3A_1305 = vector.extract %slice3A_1304[0] : i32 from vector<1xi32>
      %sub3A_1306 = arith.constant 999936 : i32
      %sub3A_1307 = arith.subi %squeeze3A_1305, %sub3A_1306 : i32
      %jit3A_1308 = arith.constant 0 : i32
      %jit3A_1309 = arith.constant 63 : i32
      %max3A_1310 = arith.maxsi %jit3A_1308, %sub3A_1307 : i32
      %min3A_1311 = arith.minsi %jit3A_1309, %max3A_1310 : i32
      %slice3A_1312 = vector.extract_strided_slice %get3A_1219 {offsets = [3], sizes = [1], strides = [1]} : vector<16xi32> to vector<1xi32>
      %squeeze3A_1313 = vector.extract %slice3A_1312[0] : i32 from vector<1xi32>
      %sub3A_1314 = arith.constant 999936 : i32
      %sub3A_1315 = arith.subi %squeeze3A_1313, %sub3A_1314 : i32
      %jit3A_1316 = arith.constant 0 : i32
      %jit3A_1317 = arith.constant 63 : i32
      %max3A_1318 = arith.maxsi %jit3A_1316, %sub3A_1315 : i32
      %min3A_1319 = arith.minsi %jit3A_1317, %max3A_1318 : i32
      %broadcast_in_dim3A_1320 = vector.broadcast %min3A_1295 : i32 to vector<16xi32>
      %eq3A_1321 = arith.constant 1 : i32
      %eq3A_1322 = vector.broadcast %eq3A_1321 : i32 to vector<16xi32>
      %eq3A_1323 = arith.cmpi eq, %shift_right_arithmetic3A_4, %eq3A_1322 : vector<16xi32>
      %broadcast_in_dim3A_1324 = vector.broadcast %min3A_1303 : i32 to vector<16xi32>
      %select_n3A_1325 = arith.select %eq3A_1323, %broadcast_in_dim3A_1324, %broadcast_in_dim3A_1320 : vector<16xi1>, vector<16xi32>
      %eq3A_1326 = arith.constant 2 : i32
      %eq3A_1327 = vector.broadcast %eq3A_1326 : i32 to vector<16xi32>
      %eq3A_1328 = arith.cmpi eq, %shift_right_arithmetic3A_4, %eq3A_1327 : vector<16xi32>
      %broadcast_in_dim3A_1329 = vector.broadcast %min3A_1311 : i32 to vector<16xi32>
      %select_n3A_1330 = arith.select %eq3A_1328, %broadcast_in_dim3A_1329, %select_n3A_1325 : vector<16xi1>, vector<16xi32>
      %eq3A_1331 = arith.constant 3 : i32
      %eq3A_1332 = vector.broadcast %eq3A_1331 : i32 to vector<16xi32>
      %eq3A_1333 = arith.cmpi eq, %shift_right_arithmetic3A_4, %eq3A_1332 : vector<16xi32>
      %broadcast_in_dim3A_1334 = vector.broadcast %min3A_1319 : i32 to vector<16xi32>
      %select_n3A_1335 = arith.select %eq3A_1333, %broadcast_in_dim3A_1334, %select_n3A_1330 : vector<16xi1>, vector<16xi32>
      %slice3A_1336 = vector.extract_strided_slice %get3A_1223 {offsets = [0], sizes = [1], strides = [1]} : vector<16xi32> to vector<1xi32>
      %squeeze3A_1337 = vector.extract %slice3A_1336[0] : i32 from vector<1xi32>
      %sub3A_1338 = arith.constant 999936 : i32
      %sub3A_1339 = arith.subi %squeeze3A_1337, %sub3A_1338 : i32
      %jit3A_1340 = arith.constant 0 : i32
      %jit3A_1341 = arith.constant 63 : i32
      %max3A_1342 = arith.maxsi %jit3A_1340, %sub3A_1339 : i32
      %min3A_1343 = arith.minsi %jit3A_1341, %max3A_1342 : i32
      %slice3A_1344 = vector.extract_strided_slice %get3A_1223 {offsets = [1], sizes = [1], strides = [1]} : vector<16xi32> to vector<1xi32>
      %squeeze3A_1345 = vector.extract %slice3A_1344[0] : i32 from vector<1xi32>
      %sub3A_1346 = arith.constant 999936 : i32
      %sub3A_1347 = arith.subi %squeeze3A_1345, %sub3A_1346 : i32
      %jit3A_1348 = arith.constant 0 : i32
      %jit3A_1349 = arith.constant 63 : i32
      %max3A_1350 = arith.maxsi %jit3A_1348, %sub3A_1347 : i32
      %min3A_1351 = arith.minsi %jit3A_1349, %max3A_1350 : i32
      %slice3A_1352 = vector.extract_strided_slice %get3A_1223 {offsets = [2], sizes = [1], strides = [1]} : vector<16xi32> to vector<1xi32>
      %squeeze3A_1353 = vector.extract %slice3A_1352[0] : i32 from vector<1xi32>
      %sub3A_1354 = arith.constant 999936 : i32
      %sub3A_1355 = arith.subi %squeeze3A_1353, %sub3A_1354 : i32
      %jit3A_1356 = arith.constant 0 : i32
      %jit3A_1357 = arith.constant 63 : i32
      %max3A_1358 = arith.maxsi %jit3A_1356, %sub3A_1355 : i32
      %min3A_1359 = arith.minsi %jit3A_1357, %max3A_1358 : i32
      %slice3A_1360 = vector.extract_strided_slice %get3A_1223 {offsets = [3], sizes = [1], strides = [1]} : vector<16xi32> to vector<1xi32>
      %squeeze3A_1361 = vector.extract %slice3A_1360[0] : i32 from vector<1xi32>
      %sub3A_1362 = arith.constant 999936 : i32
      %sub3A_1363 = arith.subi %squeeze3A_1361, %sub3A_1362 : i32
      %jit3A_1364 = arith.constant 0 : i32
      %jit3A_1365 = arith.constant 63 : i32
      %max3A_1366 = arith.maxsi %jit3A_1364, %sub3A_1363 : i32
      %min3A_1367 = arith.minsi %jit3A_1365, %max3A_1366 : i32
      %broadcast_in_dim3A_1368 = vector.broadcast %min3A_1343 : i32 to vector<16xi32>
      %eq3A_1369 = arith.constant 1 : i32
      %eq3A_1370 = vector.broadcast %eq3A_1369 : i32 to vector<16xi32>
      %eq3A_1371 = arith.cmpi eq, %shift_right_arithmetic3A_4, %eq3A_1370 : vector<16xi32>
      %broadcast_in_dim3A_1372 = vector.broadcast %min3A_1351 : i32 to vector<16xi32>
      %select_n3A_1373 = arith.select %eq3A_1371, %broadcast_in_dim3A_1372, %broadcast_in_dim3A_1368 : vector<16xi1>, vector<16xi32>
      %eq3A_1374 = arith.constant 2 : i32
      %eq3A_1375 = vector.broadcast %eq3A_1374 : i32 to vector<16xi32>
      %eq3A_1376 = arith.cmpi eq, %shift_right_arithmetic3A_4, %eq3A_1375 : vector<16xi32>
      %broadcast_in_dim3A_1377 = vector.broadcast %min3A_1359 : i32 to vector<16xi32>
      %select_n3A_1378 = arith.select %eq3A_1376, %broadcast_in_dim3A_1377, %select_n3A_1373 : vector<16xi1>, vector<16xi32>
      %eq3A_1379 = arith.constant 3 : i32
      %eq3A_1380 = vector.broadcast %eq3A_1379 : i32 to vector<16xi32>
      %eq3A_1381 = arith.cmpi eq, %shift_right_arithmetic3A_4, %eq3A_1380 : vector<16xi32>
      %broadcast_in_dim3A_1382 = vector.broadcast %min3A_1367 : i32 to vector<16xi32>
      %select_n3A_1383 = arith.select %eq3A_1381, %broadcast_in_dim3A_1382, %select_n3A_1378 : vector<16xi1>, vector<16xi32>
      %slice3A_1384 = vector.extract_strided_slice %get3A_1219 {offsets = [0], sizes = [1], strides = [1]} : vector<16xi32> to vector<1xi32>
      %squeeze3A_1385 = vector.extract %slice3A_1384[0] : i32 from vector<1xi32>
      %ge3A_1386 = arith.constant 999936 : i32
      %ge3A_1387 = arith.cmpi sge, %squeeze3A_1385, %ge3A_1386 : i32
      %convert_element_type3A_1388 = arith.extui %ge3A_1387 : i1 to i32
      %slice3A_1389 = vector.extract_strided_slice %get3A_1219 {offsets = [1], sizes = [1], strides = [1]} : vector<16xi32> to vector<1xi32>
      %squeeze3A_1390 = vector.extract %slice3A_1389[0] : i32 from vector<1xi32>
      %ge3A_1391 = arith.constant 999936 : i32
      %ge3A_1392 = arith.cmpi sge, %squeeze3A_1390, %ge3A_1391 : i32
      %convert_element_type3A_1393 = arith.extui %ge3A_1392 : i1 to i32
      %slice3A_1394 = vector.extract_strided_slice %get3A_1219 {offsets = [2], sizes = [1], strides = [1]} : vector<16xi32> to vector<1xi32>
      %squeeze3A_1395 = vector.extract %slice3A_1394[0] : i32 from vector<1xi32>
      %ge3A_1396 = arith.constant 999936 : i32
      %ge3A_1397 = arith.cmpi sge, %squeeze3A_1395, %ge3A_1396 : i32
      %convert_element_type3A_1398 = arith.extui %ge3A_1397 : i1 to i32
      %slice3A_1399 = vector.extract_strided_slice %get3A_1219 {offsets = [3], sizes = [1], strides = [1]} : vector<16xi32> to vector<1xi32>
      %squeeze3A_1400 = vector.extract %slice3A_1399[0] : i32 from vector<1xi32>
      %ge3A_1401 = arith.constant 999936 : i32
      %ge3A_1402 = arith.cmpi sge, %squeeze3A_1400, %ge3A_1401 : i32
      %convert_element_type3A_1403 = arith.extui %ge3A_1402 : i1 to i32
      %broadcast_in_dim3A_1404 = vector.broadcast %convert_element_type3A_1388 : i32 to vector<16xi32>
      %eq3A_1405 = arith.constant 1 : i32
      %eq3A_1406 = vector.broadcast %eq3A_1405 : i32 to vector<16xi32>
      %eq3A_1407 = arith.cmpi eq, %shift_right_arithmetic3A_4, %eq3A_1406 : vector<16xi32>
      %broadcast_in_dim3A_1408 = vector.broadcast %convert_element_type3A_1393 : i32 to vector<16xi32>
      %select_n3A_1409 = arith.select %eq3A_1407, %broadcast_in_dim3A_1408, %broadcast_in_dim3A_1404 : vector<16xi1>, vector<16xi32>
      %eq3A_1410 = arith.constant 2 : i32
      %eq3A_1411 = vector.broadcast %eq3A_1410 : i32 to vector<16xi32>
      %eq3A_1412 = arith.cmpi eq, %shift_right_arithmetic3A_4, %eq3A_1411 : vector<16xi32>
      %broadcast_in_dim3A_1413 = vector.broadcast %convert_element_type3A_1398 : i32 to vector<16xi32>
      %select_n3A_1414 = arith.select %eq3A_1412, %broadcast_in_dim3A_1413, %select_n3A_1409 : vector<16xi1>, vector<16xi32>
      %eq3A_1415 = arith.constant 3 : i32
      %eq3A_1416 = vector.broadcast %eq3A_1415 : i32 to vector<16xi32>
      %eq3A_1417 = arith.cmpi eq, %shift_right_arithmetic3A_4, %eq3A_1416 : vector<16xi32>
      %broadcast_in_dim3A_1418 = vector.broadcast %convert_element_type3A_1403 : i32 to vector<16xi32>
      %select_n3A_1419 = arith.select %eq3A_1417, %broadcast_in_dim3A_1418, %select_n3A_1414 : vector<16xi1>, vector<16xi32>
      %gt3A_1420 = arith.constant 0 : i32
      %gt3A_1421 = vector.broadcast %gt3A_1420 : i32 to vector<16xi32>
      %gt3A_1422 = arith.cmpi sgt, %select_n3A_1419, %gt3A_1421 : vector<16xi32>
      %slice3A_1423 = vector.extract_strided_slice %get3A_1223 {offsets = [0], sizes = [1], strides = [1]} : vector<16xi32> to vector<1xi32>
      %squeeze3A_1424 = vector.extract %slice3A_1423[0] : i32 from vector<1xi32>
      %ge3A_1425 = arith.constant 999936 : i32
      %ge3A_1426 = arith.cmpi sge, %squeeze3A_1424, %ge3A_1425 : i32
      %convert_element_type3A_1427 = arith.extui %ge3A_1426 : i1 to i32
      %slice3A_1428 = vector.extract_strided_slice %get3A_1223 {offsets = [1], sizes = [1], strides = [1]} : vector<16xi32> to vector<1xi32>
      %squeeze3A_1429 = vector.extract %slice3A_1428[0] : i32 from vector<1xi32>
      %ge3A_1430 = arith.constant 999936 : i32
      %ge3A_1431 = arith.cmpi sge, %squeeze3A_1429, %ge3A_1430 : i32
      %convert_element_type3A_1432 = arith.extui %ge3A_1431 : i1 to i32
      %slice3A_1433 = vector.extract_strided_slice %get3A_1223 {offsets = [2], sizes = [1], strides = [1]} : vector<16xi32> to vector<1xi32>
      %squeeze3A_1434 = vector.extract %slice3A_1433[0] : i32 from vector<1xi32>
      %ge3A_1435 = arith.constant 999936 : i32
      %ge3A_1436 = arith.cmpi sge, %squeeze3A_1434, %ge3A_1435 : i32
      %convert_element_type3A_1437 = arith.extui %ge3A_1436 : i1 to i32
      %slice3A_1438 = vector.extract_strided_slice %get3A_1223 {offsets = [3], sizes = [1], strides = [1]} : vector<16xi32> to vector<1xi32>
      %squeeze3A_1439 = vector.extract %slice3A_1438[0] : i32 from vector<1xi32>
      %ge3A_1440 = arith.constant 999936 : i32
      %ge3A_1441 = arith.cmpi sge, %squeeze3A_1439, %ge3A_1440 : i32
      %convert_element_type3A_1442 = arith.extui %ge3A_1441 : i1 to i32
      %broadcast_in_dim3A_1443 = vector.broadcast %convert_element_type3A_1427 : i32 to vector<16xi32>
      %eq3A_1444 = arith.constant 1 : i32
      %eq3A_1445 = vector.broadcast %eq3A_1444 : i32 to vector<16xi32>
      %eq3A_1446 = arith.cmpi eq, %shift_right_arithmetic3A_4, %eq3A_1445 : vector<16xi32>
      %broadcast_in_dim3A_1447 = vector.broadcast %convert_element_type3A_1432 : i32 to vector<16xi32>
      %select_n3A_1448 = arith.select %eq3A_1446, %broadcast_in_dim3A_1447, %broadcast_in_dim3A_1443 : vector<16xi1>, vector<16xi32>
      %eq3A_1449 = arith.constant 2 : i32
      %eq3A_1450 = vector.broadcast %eq3A_1449 : i32 to vector<16xi32>
      %eq3A_1451 = arith.cmpi eq, %shift_right_arithmetic3A_4, %eq3A_1450 : vector<16xi32>
      %broadcast_in_dim3A_1452 = vector.broadcast %convert_element_type3A_1437 : i32 to vector<16xi32>
      %select_n3A_1453 = arith.select %eq3A_1451, %broadcast_in_dim3A_1452, %select_n3A_1448 : vector<16xi1>, vector<16xi32>
      %eq3A_1454 = arith.constant 3 : i32
      %eq3A_1455 = vector.broadcast %eq3A_1454 : i32 to vector<16xi32>
      %eq3A_1456 = arith.cmpi eq, %shift_right_arithmetic3A_4, %eq3A_1455 : vector<16xi32>
      %broadcast_in_dim3A_1457 = vector.broadcast %convert_element_type3A_1442 : i32 to vector<16xi32>
      %select_n3A_1458 = arith.select %eq3A_1456, %broadcast_in_dim3A_1457, %select_n3A_1453 : vector<16xi1>, vector<16xi32>
      %gt3A_1459 = arith.constant 0 : i32
      %gt3A_1460 = vector.broadcast %gt3A_1459 : i32 to vector<16xi32>
      %gt3A_1461 = arith.cmpi sgt, %select_n3A_1458, %gt3A_1460 : vector<16xi32>
      %broadcast_in_dim3A_1462 = arith.constant 1 : i32
      %broadcast_in_dim3A_1463 = vector.broadcast %broadcast_in_dim3A_1462 : i32 to vector<16xi32>
      %broadcast_in_dim3A_1464 = arith.constant 0.000000e+00 : f32
      %broadcast_in_dim3A_1465 = vector.broadcast %broadcast_in_dim3A_1464 : f32 to vector<16xf32>
      %add3A_1466 = arith.constant 0 : i32
      %add3A_1467 = vector.broadcast %add3A_1466 : i32 to vector<16xi32>
      %add3A_1468 = arith.addi %and3A_6, %add3A_1467 : vector<16xi32>
      %gather3A_1469 = tpu.vector_load_idx %arg11[%broadcast_in_dim3A_1463, %broadcast_in_dim3A_7, %shift_right_arithmetic3A_4, %add3A_1468, %select_n3A_1255] : memref<2x2x4x32x128xf32, #tpu.memory_space<vmem>>[vector<16xi32>, vector<16xi32>, vector<16xi32>, vector<16xi32>, vector<16xi32>], vector<16xf32>,
      %add3A_1470 = arith.constant 1 : i32
      %add3A_1471 = vector.broadcast %add3A_1470 : i32 to vector<16xi32>
      %add3A_1472 = arith.addi %broadcast_in_dim3A_7, %add3A_1471 : vector<16xi32>
      %gather3A_1473 = tpu.vector_load_idx %arg11[%broadcast_in_dim3A_1463, %add3A_1472, %shift_right_arithmetic3A_4, %add3A_1468, %select_n3A_1287] : memref<2x2x4x32x128xf32, #tpu.memory_space<vmem>>[vector<16xi32>, vector<16xi32>, vector<16xi32>, vector<16xi32>, vector<16xi32>], vector<16xf32>,
      %mul3A_1474 = arith.constant 32 : i32
      %mul3A_1475 = vector.broadcast %mul3A_1474 : i32 to vector<16xi32>
      %mul3A_1476 = arith.muli %select_n3A_1335, %mul3A_1475 : vector<16xi32>
      %add3A_1477 = arith.addi %mul3A_1476, %add3A_1468 : vector<16xi32>
      %mul3A_1478 = arith.constant 32 : i32
      %mul3A_1479 = vector.broadcast %mul3A_1478 : i32 to vector<16xi32>
      %mul3A_1480 = arith.muli %select_n3A_1383, %mul3A_1479 : vector<16xi32>
      %add3A_1481 = arith.addi %mul3A_1480, %add3A_1468 : vector<16xi32>
      %shift_right_arithmetic3A_1482 = arith.constant 7 : i32
      %shift_right_arithmetic3A_1483 = vector.broadcast %shift_right_arithmetic3A_1482 : i32 to vector<16xi32>
      %shift_right_arithmetic3A_1484 = arith.shrsi %add3A_1477, %shift_right_arithmetic3A_1483 : vector<16xi32>
      %and3A_1485 = arith.constant 127 : i32
      %and3A_1486 = vector.broadcast %and3A_1485 : i32 to vector<16xi32>
      %and3A_1487 = arith.andi %add3A_1477, %and3A_1486 : vector<16xi32>
      %gather3A_1488 = tpu.vector_load_idx %arg12[%shift_right_arithmetic3A_1484, %and3A_1487] : memref<16x128xf32, #tpu.memory_space<vmem>>[vector<16xi32>, vector<16xi32>], vector<16xf32>,
      %shift_right_arithmetic3A_1489 = arith.constant 7 : i32
      %shift_right_arithmetic3A_1490 = vector.broadcast %shift_right_arithmetic3A_1489 : i32 to vector<16xi32>
      %shift_right_arithmetic3A_1491 = arith.shrsi %add3A_1481, %shift_right_arithmetic3A_1490 : vector<16xi32>
      %and3A_1492 = arith.constant 127 : i32
      %and3A_1493 = vector.broadcast %and3A_1492 : i32 to vector<16xi32>
      %and3A_1494 = arith.andi %add3A_1481, %and3A_1493 : vector<16xi32>
      %gather3A_1495 = tpu.vector_load_idx %arg13[%shift_right_arithmetic3A_1491, %and3A_1494] : memref<16x128xf32, #tpu.memory_space<vmem>>[vector<16xi32>, vector<16xi32>], vector<16xf32>,
      %select_n3A_1496 = arith.select %gt3A_1422, %gather3A_1488, %gather3A_1469 : vector<16xi1>, vector<16xf32>
      %select_n3A_1497 = arith.select %gt3A_1461, %gather3A_1495, %gather3A_1473 : vector<16xi1>, vector<16xf32>
      %mul3A_1498 = arith.mulf %select_n3A_1496, %select_n3A_1497 : vector<16xf32>
      %add3A_1499 = arith.addf %broadcast_in_dim3A_1465, %mul3A_1498 : vector<16xf32>
      %add3A_1500 = arith.constant 4 : i32
      %add3A_1501 = vector.broadcast %add3A_1500 : i32 to vector<16xi32>
      %add3A_1502 = arith.addi %and3A_6, %add3A_1501 : vector<16xi32>
      %gather3A_1503 = tpu.vector_load_idx %arg11[%broadcast_in_dim3A_1463, %broadcast_in_dim3A_7, %shift_right_arithmetic3A_4, %add3A_1502, %select_n3A_1255] : memref<2x2x4x32x128xf32, #tpu.memory_space<vmem>>[vector<16xi32>, vector<16xi32>, vector<16xi32>, vector<16xi32>, vector<16xi32>], vector<16xf32>,
      %add3A_1504 = arith.constant 1 : i32
      %add3A_1505 = vector.broadcast %add3A_1504 : i32 to vector<16xi32>
      %add3A_1506 = arith.addi %broadcast_in_dim3A_7, %add3A_1505 : vector<16xi32>
      %gather3A_1507 = tpu.vector_load_idx %arg11[%broadcast_in_dim3A_1463, %add3A_1506, %shift_right_arithmetic3A_4, %add3A_1502, %select_n3A_1287] : memref<2x2x4x32x128xf32, #tpu.memory_space<vmem>>[vector<16xi32>, vector<16xi32>, vector<16xi32>, vector<16xi32>, vector<16xi32>], vector<16xf32>,
      %mul3A_1508 = arith.constant 32 : i32
      %mul3A_1509 = vector.broadcast %mul3A_1508 : i32 to vector<16xi32>
      %mul3A_1510 = arith.muli %select_n3A_1335, %mul3A_1509 : vector<16xi32>
      %add3A_1511 = arith.addi %mul3A_1510, %add3A_1502 : vector<16xi32>
      %mul3A_1512 = arith.constant 32 : i32
      %mul3A_1513 = vector.broadcast %mul3A_1512 : i32 to vector<16xi32>
      %mul3A_1514 = arith.muli %select_n3A_1383, %mul3A_1513 : vector<16xi32>
      %add3A_1515 = arith.addi %mul3A_1514, %add3A_1502 : vector<16xi32>
      %shift_right_arithmetic3A_1516 = arith.constant 7 : i32
      %shift_right_arithmetic3A_1517 = vector.broadcast %shift_right_arithmetic3A_1516 : i32 to vector<16xi32>
      %shift_right_arithmetic3A_1518 = arith.shrsi %add3A_1511, %shift_right_arithmetic3A_1517 : vector<16xi32>
      %and3A_1519 = arith.constant 127 : i32
      %and3A_1520 = vector.broadcast %and3A_1519 : i32 to vector<16xi32>
      %and3A_1521 = arith.andi %add3A_1511, %and3A_1520 : vector<16xi32>
      %gather3A_1522 = tpu.vector_load_idx %arg12[%shift_right_arithmetic3A_1518, %and3A_1521] : memref<16x128xf32, #tpu.memory_space<vmem>>[vector<16xi32>, vector<16xi32>], vector<16xf32>,
      %shift_right_arithmetic3A_1523 = arith.constant 7 : i32
      %shift_right_arithmetic3A_1524 = vector.broadcast %shift_right_arithmetic3A_1523 : i32 to vector<16xi32>
      %shift_right_arithmetic3A_1525 = arith.shrsi %add3A_1515, %shift_right_arithmetic3A_1524 : vector<16xi32>
      %and3A_1526 = arith.constant 127 : i32
      %and3A_1527 = vector.broadcast %and3A_1526 : i32 to vector<16xi32>
      %and3A_1528 = arith.andi %add3A_1515, %and3A_1527 : vector<16xi32>
      %gather3A_1529 = tpu.vector_load_idx %arg13[%shift_right_arithmetic3A_1525, %and3A_1528] : memref<16x128xf32, #tpu.memory_space<vmem>>[vector<16xi32>, vector<16xi32>], vector<16xf32>,
      %select_n3A_1530 = arith.select %gt3A_1422, %gather3A_1522, %gather3A_1503 : vector<16xi1>, vector<16xf32>
      %select_n3A_1531 = arith.select %gt3A_1461, %gather3A_1529, %gather3A_1507 : vector<16xi1>, vector<16xf32>
      %mul3A_1532 = arith.mulf %select_n3A_1530, %select_n3A_1531 : vector<16xf32>
      %add3A_1533 = arith.addf %add3A_1499, %mul3A_1532 : vector<16xf32>
      %add3A_1534 = arith.constant 8 : i32
      %add3A_1535 = vector.broadcast %add3A_1534 : i32 to vector<16xi32>
      %add3A_1536 = arith.addi %and3A_6, %add3A_1535 : vector<16xi32>
      %gather3A_1537 = tpu.vector_load_idx %arg11[%broadcast_in_dim3A_1463, %broadcast_in_dim3A_7, %shift_right_arithmetic3A_4, %add3A_1536, %select_n3A_1255] : memref<2x2x4x32x128xf32, #tpu.memory_space<vmem>>[vector<16xi32>, vector<16xi32>, vector<16xi32>, vector<16xi32>, vector<16xi32>], vector<16xf32>,
      %add3A_1538 = arith.constant 1 : i32
      %add3A_1539 = vector.broadcast %add3A_1538 : i32 to vector<16xi32>
      %add3A_1540 = arith.addi %broadcast_in_dim3A_7, %add3A_1539 : vector<16xi32>
      %gather3A_1541 = tpu.vector_load_idx %arg11[%broadcast_in_dim3A_1463, %add3A_1540, %shift_right_arithmetic3A_4, %add3A_1536, %select_n3A_1287] : memref<2x2x4x32x128xf32, #tpu.memory_space<vmem>>[vector<16xi32>, vector<16xi32>, vector<16xi32>, vector<16xi32>, vector<16xi32>], vector<16xf32>,
      %mul3A_1542 = arith.constant 32 : i32
      %mul3A_1543 = vector.broadcast %mul3A_1542 : i32 to vector<16xi32>
      %mul3A_1544 = arith.muli %select_n3A_1335, %mul3A_1543 : vector<16xi32>
      %add3A_1545 = arith.addi %mul3A_1544, %add3A_1536 : vector<16xi32>
      %mul3A_1546 = arith.constant 32 : i32
      %mul3A_1547 = vector.broadcast %mul3A_1546 : i32 to vector<16xi32>
      %mul3A_1548 = arith.muli %select_n3A_1383, %mul3A_1547 : vector<16xi32>
      %add3A_1549 = arith.addi %mul3A_1548, %add3A_1536 : vector<16xi32>
      %shift_right_arithmetic3A_1550 = arith.constant 7 : i32
      %shift_right_arithmetic3A_1551 = vector.broadcast %shift_right_arithmetic3A_1550 : i32 to vector<16xi32>
      %shift_right_arithmetic3A_1552 = arith.shrsi %add3A_1545, %shift_right_arithmetic3A_1551 : vector<16xi32>
      %and3A_1553 = arith.constant 127 : i32
      %and3A_1554 = vector.broadcast %and3A_1553 : i32 to vector<16xi32>
      %and3A_1555 = arith.andi %add3A_1545, %and3A_1554 : vector<16xi32>
      %gather3A_1556 = tpu.vector_load_idx %arg12[%shift_right_arithmetic3A_1552, %and3A_1555] : memref<16x128xf32, #tpu.memory_space<vmem>>[vector<16xi32>, vector<16xi32>], vector<16xf32>,
      %shift_right_arithmetic3A_1557 = arith.constant 7 : i32
      %shift_right_arithmetic3A_1558 = vector.broadcast %shift_right_arithmetic3A_1557 : i32 to vector<16xi32>
      %shift_right_arithmetic3A_1559 = arith.shrsi %add3A_1549, %shift_right_arithmetic3A_1558 : vector<16xi32>
      %and3A_1560 = arith.constant 127 : i32
      %and3A_1561 = vector.broadcast %and3A_1560 : i32 to vector<16xi32>
      %and3A_1562 = arith.andi %add3A_1549, %and3A_1561 : vector<16xi32>
      %gather3A_1563 = tpu.vector_load_idx %arg13[%shift_right_arithmetic3A_1559, %and3A_1562] : memref<16x128xf32, #tpu.memory_space<vmem>>[vector<16xi32>, vector<16xi32>], vector<16xf32>,
      %select_n3A_1564 = arith.select %gt3A_1422, %gather3A_1556, %gather3A_1537 : vector<16xi1>, vector<16xf32>
      %select_n3A_1565 = arith.select %gt3A_1461, %gather3A_1563, %gather3A_1541 : vector<16xi1>, vector<16xf32>
      %mul3A_1566 = arith.mulf %select_n3A_1564, %select_n3A_1565 : vector<16xf32>
      %add3A_1567 = arith.addf %add3A_1533, %mul3A_1566 : vector<16xf32>
      %add3A_1568 = arith.constant 12 : i32
      %add3A_1569 = vector.broadcast %add3A_1568 : i32 to vector<16xi32>
      %add3A_1570 = arith.addi %and3A_6, %add3A_1569 : vector<16xi32>
      %gather3A_1571 = tpu.vector_load_idx %arg11[%broadcast_in_dim3A_1463, %broadcast_in_dim3A_7, %shift_right_arithmetic3A_4, %add3A_1570, %select_n3A_1255] : memref<2x2x4x32x128xf32, #tpu.memory_space<vmem>>[vector<16xi32>, vector<16xi32>, vector<16xi32>, vector<16xi32>, vector<16xi32>], vector<16xf32>,
      %add3A_1572 = arith.constant 1 : i32
      %add3A_1573 = vector.broadcast %add3A_1572 : i32 to vector<16xi32>
      %add3A_1574 = arith.addi %broadcast_in_dim3A_7, %add3A_1573 : vector<16xi32>
      %gather3A_1575 = tpu.vector_load_idx %arg11[%broadcast_in_dim3A_1463, %add3A_1574, %shift_right_arithmetic3A_4, %add3A_1570, %select_n3A_1287] : memref<2x2x4x32x128xf32, #tpu.memory_space<vmem>>[vector<16xi32>, vector<16xi32>, vector<16xi32>, vector<16xi32>, vector<16xi32>], vector<16xf32>,
      %mul3A_1576 = arith.constant 32 : i32
      %mul3A_1577 = vector.broadcast %mul3A_1576 : i32 to vector<16xi32>
      %mul3A_1578 = arith.muli %select_n3A_1335, %mul3A_1577 : vector<16xi32>
      %add3A_1579 = arith.addi %mul3A_1578, %add3A_1570 : vector<16xi32>
      %mul3A_1580 = arith.constant 32 : i32
      %mul3A_1581 = vector.broadcast %mul3A_1580 : i32 to vector<16xi32>
      %mul3A_1582 = arith.muli %select_n3A_1383, %mul3A_1581 : vector<16xi32>
      %add3A_1583 = arith.addi %mul3A_1582, %add3A_1570 : vector<16xi32>
      %shift_right_arithmetic3A_1584 = arith.constant 7 : i32
      %shift_right_arithmetic3A_1585 = vector.broadcast %shift_right_arithmetic3A_1584 : i32 to vector<16xi32>
      %shift_right_arithmetic3A_1586 = arith.shrsi %add3A_1579, %shift_right_arithmetic3A_1585 : vector<16xi32>
      %and3A_1587 = arith.constant 127 : i32
      %and3A_1588 = vector.broadcast %and3A_1587 : i32 to vector<16xi32>
      %and3A_1589 = arith.andi %add3A_1579, %and3A_1588 : vector<16xi32>
      %gather3A_1590 = tpu.vector_load_idx %arg12[%shift_right_arithmetic3A_1586, %and3A_1589] : memref<16x128xf32, #tpu.memory_space<vmem>>[vector<16xi32>, vector<16xi32>], vector<16xf32>,
      %shift_right_arithmetic3A_1591 = arith.constant 7 : i32
      %shift_right_arithmetic3A_1592 = vector.broadcast %shift_right_arithmetic3A_1591 : i32 to vector<16xi32>
      %shift_right_arithmetic3A_1593 = arith.shrsi %add3A_1583, %shift_right_arithmetic3A_1592 : vector<16xi32>
      %and3A_1594 = arith.constant 127 : i32
      %and3A_1595 = vector.broadcast %and3A_1594 : i32 to vector<16xi32>
      %and3A_1596 = arith.andi %add3A_1583, %and3A_1595 : vector<16xi32>
      %gather3A_1597 = tpu.vector_load_idx %arg13[%shift_right_arithmetic3A_1593, %and3A_1596] : memref<16x128xf32, #tpu.memory_space<vmem>>[vector<16xi32>, vector<16xi32>], vector<16xf32>,
      %select_n3A_1598 = arith.select %gt3A_1422, %gather3A_1590, %gather3A_1571 : vector<16xi1>, vector<16xf32>
      %select_n3A_1599 = arith.select %gt3A_1461, %gather3A_1597, %gather3A_1575 : vector<16xi1>, vector<16xf32>
      %mul3A_1600 = arith.mulf %select_n3A_1598, %select_n3A_1599 : vector<16xf32>
      %add3A_1601 = arith.addf %add3A_1567, %mul3A_1600 : vector<16xf32>
      %add3A_1602 = arith.constant 16 : i32
      %add3A_1603 = vector.broadcast %add3A_1602 : i32 to vector<16xi32>
      %add3A_1604 = arith.addi %and3A_6, %add3A_1603 : vector<16xi32>
      %gather3A_1605 = tpu.vector_load_idx %arg11[%broadcast_in_dim3A_1463, %broadcast_in_dim3A_7, %shift_right_arithmetic3A_4, %add3A_1604, %select_n3A_1255] : memref<2x2x4x32x128xf32, #tpu.memory_space<vmem>>[vector<16xi32>, vector<16xi32>, vector<16xi32>, vector<16xi32>, vector<16xi32>], vector<16xf32>,
      %add3A_1606 = arith.constant 1 : i32
      %add3A_1607 = vector.broadcast %add3A_1606 : i32 to vector<16xi32>
      %add3A_1608 = arith.addi %broadcast_in_dim3A_7, %add3A_1607 : vector<16xi32>
      %gather3A_1609 = tpu.vector_load_idx %arg11[%broadcast_in_dim3A_1463, %add3A_1608, %shift_right_arithmetic3A_4, %add3A_1604, %select_n3A_1287] : memref<2x2x4x32x128xf32, #tpu.memory_space<vmem>>[vector<16xi32>, vector<16xi32>, vector<16xi32>, vector<16xi32>, vector<16xi32>], vector<16xf32>,
      %mul3A_1610 = arith.constant 32 : i32
      %mul3A_1611 = vector.broadcast %mul3A_1610 : i32 to vector<16xi32>
      %mul3A_1612 = arith.muli %select_n3A_1335, %mul3A_1611 : vector<16xi32>
      %add3A_1613 = arith.addi %mul3A_1612, %add3A_1604 : vector<16xi32>
      %mul3A_1614 = arith.constant 32 : i32
      %mul3A_1615 = vector.broadcast %mul3A_1614 : i32 to vector<16xi32>
      %mul3A_1616 = arith.muli %select_n3A_1383, %mul3A_1615 : vector<16xi32>
      %add3A_1617 = arith.addi %mul3A_1616, %add3A_1604 : vector<16xi32>
      %shift_right_arithmetic3A_1618 = arith.constant 7 : i32
      %shift_right_arithmetic3A_1619 = vector.broadcast %shift_right_arithmetic3A_1618 : i32 to vector<16xi32>
      %shift_right_arithmetic3A_1620 = arith.shrsi %add3A_1613, %shift_right_arithmetic3A_1619 : vector<16xi32>
      %and3A_1621 = arith.constant 127 : i32
      %and3A_1622 = vector.broadcast %and3A_1621 : i32 to vector<16xi32>
      %and3A_1623 = arith.andi %add3A_1613, %and3A_1622 : vector<16xi32>
      %gather3A_1624 = tpu.vector_load_idx %arg12[%shift_right_arithmetic3A_1620, %and3A_1623] : memref<16x128xf32, #tpu.memory_space<vmem>>[vector<16xi32>, vector<16xi32>], vector<16xf32>,
      %shift_right_arithmetic3A_1625 = arith.constant 7 : i32
      %shift_right_arithmetic3A_1626 = vector.broadcast %shift_right_arithmetic3A_1625 : i32 to vector<16xi32>
      %shift_right_arithmetic3A_1627 = arith.shrsi %add3A_1617, %shift_right_arithmetic3A_1626 : vector<16xi32>
      %and3A_1628 = arith.constant 127 : i32
      %and3A_1629 = vector.broadcast %and3A_1628 : i32 to vector<16xi32>
      %and3A_1630 = arith.andi %add3A_1617, %and3A_1629 : vector<16xi32>
      %gather3A_1631 = tpu.vector_load_idx %arg13[%shift_right_arithmetic3A_1627, %and3A_1630] : memref<16x128xf32, #tpu.memory_space<vmem>>[vector<16xi32>, vector<16xi32>], vector<16xf32>,
      %select_n3A_1632 = arith.select %gt3A_1422, %gather3A_1624, %gather3A_1605 : vector<16xi1>, vector<16xf32>
      %select_n3A_1633 = arith.select %gt3A_1461, %gather3A_1631, %gather3A_1609 : vector<16xi1>, vector<16xf32>
      %mul3A_1634 = arith.mulf %select_n3A_1632, %select_n3A_1633 : vector<16xf32>
      %add3A_1635 = arith.addf %add3A_1601, %mul3A_1634 : vector<16xf32>
      %add3A_1636 = arith.constant 20 : i32
      %add3A_1637 = vector.broadcast %add3A_1636 : i32 to vector<16xi32>
      %add3A_1638 = arith.addi %and3A_6, %add3A_1637 : vector<16xi32>
      %gather3A_1639 = tpu.vector_load_idx %arg11[%broadcast_in_dim3A_1463, %broadcast_in_dim3A_7, %shift_right_arithmetic3A_4, %add3A_1638, %select_n3A_1255] : memref<2x2x4x32x128xf32, #tpu.memory_space<vmem>>[vector<16xi32>, vector<16xi32>, vector<16xi32>, vector<16xi32>, vector<16xi32>], vector<16xf32>,
      %add3A_1640 = arith.constant 1 : i32
      %add3A_1641 = vector.broadcast %add3A_1640 : i32 to vector<16xi32>
      %add3A_1642 = arith.addi %broadcast_in_dim3A_7, %add3A_1641 : vector<16xi32>
      %gather3A_1643 = tpu.vector_load_idx %arg11[%broadcast_in_dim3A_1463, %add3A_1642, %shift_right_arithmetic3A_4, %add3A_1638, %select_n3A_1287] : memref<2x2x4x32x128xf32, #tpu.memory_space<vmem>>[vector<16xi32>, vector<16xi32>, vector<16xi32>, vector<16xi32>, vector<16xi32>], vector<16xf32>,
      %mul3A_1644 = arith.constant 32 : i32
      %mul3A_1645 = vector.broadcast %mul3A_1644 : i32 to vector<16xi32>
      %mul3A_1646 = arith.muli %select_n3A_1335, %mul3A_1645 : vector<16xi32>
      %add3A_1647 = arith.addi %mul3A_1646, %add3A_1638 : vector<16xi32>
      %mul3A_1648 = arith.constant 32 : i32
      %mul3A_1649 = vector.broadcast %mul3A_1648 : i32 to vector<16xi32>
      %mul3A_1650 = arith.muli %select_n3A_1383, %mul3A_1649 : vector<16xi32>
      %add3A_1651 = arith.addi %mul3A_1650, %add3A_1638 : vector<16xi32>
      %shift_right_arithmetic3A_1652 = arith.constant 7 : i32
      %shift_right_arithmetic3A_1653 = vector.broadcast %shift_right_arithmetic3A_1652 : i32 to vector<16xi32>
      %shift_right_arithmetic3A_1654 = arith.shrsi %add3A_1647, %shift_right_arithmetic3A_1653 : vector<16xi32>
      %and3A_1655 = arith.constant 127 : i32
      %and3A_1656 = vector.broadcast %and3A_1655 : i32 to vector<16xi32>
      %and3A_1657 = arith.andi %add3A_1647, %and3A_1656 : vector<16xi32>
      %gather3A_1658 = tpu.vector_load_idx %arg12[%shift_right_arithmetic3A_1654, %and3A_1657] : memref<16x128xf32, #tpu.memory_space<vmem>>[vector<16xi32>, vector<16xi32>], vector<16xf32>,
      %shift_right_arithmetic3A_1659 = arith.constant 7 : i32
      %shift_right_arithmetic3A_1660 = vector.broadcast %shift_right_arithmetic3A_1659 : i32 to vector<16xi32>
      %shift_right_arithmetic3A_1661 = arith.shrsi %add3A_1651, %shift_right_arithmetic3A_1660 : vector<16xi32>
      %and3A_1662 = arith.constant 127 : i32
      %and3A_1663 = vector.broadcast %and3A_1662 : i32 to vector<16xi32>
      %and3A_1664 = arith.andi %add3A_1651, %and3A_1663 : vector<16xi32>
      %gather3A_1665 = tpu.vector_load_idx %arg13[%shift_right_arithmetic3A_1661, %and3A_1664] : memref<16x128xf32, #tpu.memory_space<vmem>>[vector<16xi32>, vector<16xi32>], vector<16xf32>,
      %select_n3A_1666 = arith.select %gt3A_1422, %gather3A_1658, %gather3A_1639 : vector<16xi1>, vector<16xf32>
      %select_n3A_1667 = arith.select %gt3A_1461, %gather3A_1665, %gather3A_1643 : vector<16xi1>, vector<16xf32>
      %mul3A_1668 = arith.mulf %select_n3A_1666, %select_n3A_1667 : vector<16xf32>
      %add3A_1669 = arith.addf %add3A_1635, %mul3A_1668 : vector<16xf32>
      %add3A_1670 = arith.constant 24 : i32
      %add3A_1671 = vector.broadcast %add3A_1670 : i32 to vector<16xi32>
      %add3A_1672 = arith.addi %and3A_6, %add3A_1671 : vector<16xi32>
      %gather3A_1673 = tpu.vector_load_idx %arg11[%broadcast_in_dim3A_1463, %broadcast_in_dim3A_7, %shift_right_arithmetic3A_4, %add3A_1672, %select_n3A_1255] : memref<2x2x4x32x128xf32, #tpu.memory_space<vmem>>[vector<16xi32>, vector<16xi32>, vector<16xi32>, vector<16xi32>, vector<16xi32>], vector<16xf32>,
      %add3A_1674 = arith.constant 1 : i32
      %add3A_1675 = vector.broadcast %add3A_1674 : i32 to vector<16xi32>
      %add3A_1676 = arith.addi %broadcast_in_dim3A_7, %add3A_1675 : vector<16xi32>
      %gather3A_1677 = tpu.vector_load_idx %arg11[%broadcast_in_dim3A_1463, %add3A_1676, %shift_right_arithmetic3A_4, %add3A_1672, %select_n3A_1287] : memref<2x2x4x32x128xf32, #tpu.memory_space<vmem>>[vector<16xi32>, vector<16xi32>, vector<16xi32>, vector<16xi32>, vector<16xi32>], vector<16xf32>,
      %mul3A_1678 = arith.constant 32 : i32
      %mul3A_1679 = vector.broadcast %mul3A_1678 : i32 to vector<16xi32>
      %mul3A_1680 = arith.muli %select_n3A_1335, %mul3A_1679 : vector<16xi32>
      %add3A_1681 = arith.addi %mul3A_1680, %add3A_1672 : vector<16xi32>
      %mul3A_1682 = arith.constant 32 : i32
      %mul3A_1683 = vector.broadcast %mul3A_1682 : i32 to vector<16xi32>
      %mul3A_1684 = arith.muli %select_n3A_1383, %mul3A_1683 : vector<16xi32>
      %add3A_1685 = arith.addi %mul3A_1684, %add3A_1672 : vector<16xi32>
      %shift_right_arithmetic3A_1686 = arith.constant 7 : i32
      %shift_right_arithmetic3A_1687 = vector.broadcast %shift_right_arithmetic3A_1686 : i32 to vector<16xi32>
      %shift_right_arithmetic3A_1688 = arith.shrsi %add3A_1681, %shift_right_arithmetic3A_1687 : vector<16xi32>
      %and3A_1689 = arith.constant 127 : i32
      %and3A_1690 = vector.broadcast %and3A_1689 : i32 to vector<16xi32>
      %and3A_1691 = arith.andi %add3A_1681, %and3A_1690 : vector<16xi32>
      %gather3A_1692 = tpu.vector_load_idx %arg12[%shift_right_arithmetic3A_1688, %and3A_1691] : memref<16x128xf32, #tpu.memory_space<vmem>>[vector<16xi32>, vector<16xi32>], vector<16xf32>,
      %shift_right_arithmetic3A_1693 = arith.constant 7 : i32
      %shift_right_arithmetic3A_1694 = vector.broadcast %shift_right_arithmetic3A_1693 : i32 to vector<16xi32>
      %shift_right_arithmetic3A_1695 = arith.shrsi %add3A_1685, %shift_right_arithmetic3A_1694 : vector<16xi32>
      %and3A_1696 = arith.constant 127 : i32
      %and3A_1697 = vector.broadcast %and3A_1696 : i32 to vector<16xi32>
      %and3A_1698 = arith.andi %add3A_1685, %and3A_1697 : vector<16xi32>
      %gather3A_1699 = tpu.vector_load_idx %arg13[%shift_right_arithmetic3A_1695, %and3A_1698] : memref<16x128xf32, #tpu.memory_space<vmem>>[vector<16xi32>, vector<16xi32>], vector<16xf32>,
      %select_n3A_1700 = arith.select %gt3A_1422, %gather3A_1692, %gather3A_1673 : vector<16xi1>, vector<16xf32>
      %select_n3A_1701 = arith.select %gt3A_1461, %gather3A_1699, %gather3A_1677 : vector<16xi1>, vector<16xf32>
      %mul3A_1702 = arith.mulf %select_n3A_1700, %select_n3A_1701 : vector<16xf32>
      %add3A_1703 = arith.addf %add3A_1669, %mul3A_1702 : vector<16xf32>
      %add3A_1704 = arith.constant 28 : i32
      %add3A_1705 = vector.broadcast %add3A_1704 : i32 to vector<16xi32>
      %add3A_1706 = arith.addi %and3A_6, %add3A_1705 : vector<16xi32>
      %gather3A_1707 = tpu.vector_load_idx %arg11[%broadcast_in_dim3A_1463, %broadcast_in_dim3A_7, %shift_right_arithmetic3A_4, %add3A_1706, %select_n3A_1255] : memref<2x2x4x32x128xf32, #tpu.memory_space<vmem>>[vector<16xi32>, vector<16xi32>, vector<16xi32>, vector<16xi32>, vector<16xi32>], vector<16xf32>,
      %add3A_1708 = arith.constant 1 : i32
      %add3A_1709 = vector.broadcast %add3A_1708 : i32 to vector<16xi32>
      %add3A_1710 = arith.addi %broadcast_in_dim3A_7, %add3A_1709 : vector<16xi32>
      %gather3A_1711 = tpu.vector_load_idx %arg11[%broadcast_in_dim3A_1463, %add3A_1710, %shift_right_arithmetic3A_4, %add3A_1706, %select_n3A_1287] : memref<2x2x4x32x128xf32, #tpu.memory_space<vmem>>[vector<16xi32>, vector<16xi32>, vector<16xi32>, vector<16xi32>, vector<16xi32>], vector<16xf32>,
      %mul3A_1712 = arith.constant 32 : i32
      %mul3A_1713 = vector.broadcast %mul3A_1712 : i32 to vector<16xi32>
      %mul3A_1714 = arith.muli %select_n3A_1335, %mul3A_1713 : vector<16xi32>
      %add3A_1715 = arith.addi %mul3A_1714, %add3A_1706 : vector<16xi32>
      %mul3A_1716 = arith.constant 32 : i32
      %mul3A_1717 = vector.broadcast %mul3A_1716 : i32 to vector<16xi32>
      %mul3A_1718 = arith.muli %select_n3A_1383, %mul3A_1717 : vector<16xi32>
      %add3A_1719 = arith.addi %mul3A_1718, %add3A_1706 : vector<16xi32>
      %shift_right_arithmetic3A_1720 = arith.constant 7 : i32
      %shift_right_arithmetic3A_1721 = vector.broadcast %shift_right_arithmetic3A_1720 : i32 to vector<16xi32>
      %shift_right_arithmetic3A_1722 = arith.shrsi %add3A_1715, %shift_right_arithmetic3A_1721 : vector<16xi32>
      %and3A_1723 = arith.constant 127 : i32
      %and3A_1724 = vector.broadcast %and3A_1723 : i32 to vector<16xi32>
      %and3A_1725 = arith.andi %add3A_1715, %and3A_1724 : vector<16xi32>
      %gather3A_1726 = tpu.vector_load_idx %arg12[%shift_right_arithmetic3A_1722, %and3A_1725] : memref<16x128xf32, #tpu.memory_space<vmem>>[vector<16xi32>, vector<16xi32>], vector<16xf32>,
      %shift_right_arithmetic3A_1727 = arith.constant 7 : i32
      %shift_right_arithmetic3A_1728 = vector.broadcast %shift_right_arithmetic3A_1727 : i32 to vector<16xi32>
      %shift_right_arithmetic3A_1729 = arith.shrsi %add3A_1719, %shift_right_arithmetic3A_1728 : vector<16xi32>
      %and3A_1730 = arith.constant 127 : i32
      %and3A_1731 = vector.broadcast %and3A_1730 : i32 to vector<16xi32>
      %and3A_1732 = arith.andi %add3A_1719, %and3A_1731 : vector<16xi32>
      %gather3A_1733 = tpu.vector_load_idx %arg13[%shift_right_arithmetic3A_1729, %and3A_1732] : memref<16x128xf32, #tpu.memory_space<vmem>>[vector<16xi32>, vector<16xi32>], vector<16xf32>,
      %select_n3A_1734 = arith.select %gt3A_1422, %gather3A_1726, %gather3A_1707 : vector<16xi1>, vector<16xf32>
      %select_n3A_1735 = arith.select %gt3A_1461, %gather3A_1733, %gather3A_1711 : vector<16xi1>, vector<16xf32>
      %mul3A_1736 = arith.mulf %select_n3A_1734, %select_n3A_1735 : vector<16xf32>
      %add3A_1737 = arith.addf %add3A_1703, %mul3A_1736 : vector<16xf32>
      %broadcast_in_dim3A_1738 = arith.constant true
      %broadcast_in_dim3A_1739 = vector.broadcast %broadcast_in_dim3A_1738 : i1 to vector<16xi1>
      %masked_cumsum3A_1740 = tpu.scan <sum>, %add3A_1737 masked %broadcast_in_dim3A_1739 : vector<16xf32>, vector<16xi1> -> vector<16xf32>
      %swap3A_1741 = arith.constant 4 : index
      %swap3A_1742 = tpu.vector_load %arg15[%swap3A_1741] {strides = array<i32>} : memref<32xf32, #tpu.memory_space<vmem>>, vector<16xf32>,
      tpu.vector_store %arg15[%swap3A_1741], %masked_cumsum3A_1740 {strides = array<i32>} : memref<32xf32, #tpu.memory_space<vmem>>, vector<16xf32>,
      %get3A_1743 = arith.constant 0 : index
      %get3A_1744 = tpu.vector_load %arg15[%get3A_1743] {strides = array<i32>} : memref<32xf32, #tpu.memory_space<vmem>>, vector<16xf32>,
      %sub3A_1745 = arith.subf %masked_cumsum3A_1740, %get3A_1744 : vector<16xf32>
      %mul3A_1746 = arith.constant 4 : i32
      %mul3A_1747 = arith.muli %add3A_1215, %mul3A_1746 : i32
      %add3A_1748 = vector.broadcast %mul3A_1747 : i32 to vector<16xi32>
      %add3A_1749 = arith.addi %add3A_1748, %shift_right_arithmetic3A_4 : vector<16xi32>
      %eq3A_1750 = arith.constant 3 : i32
      %eq3A_1751 = vector.broadcast %eq3A_1750 : i32 to vector<16xi32>
      %eq3A_1752 = arith.cmpi eq, %and3A_6, %eq3A_1751 : vector<16xi32>
      tpu.vector_store_idx %arg14[%add3A_1749], %sub3A_1745 masked %eq3A_1752 : memref<512xf32, #tpu.memory_space<vmem>>[vector<16xi32>], vector<16xf32>, vector<16xi1>
    }
    %scan3A_205 = arith.constant 64 : i32
    "tpu.region"() ({
      %run_scoped3A = tpu.sem_alloc : memref<!tpu.dma_semaphore, #tpu.memory_space<semaphore_mem>>
      %dma_start3A_206 = tpu.memref_slice %arg8[%mul3A_2] : memref<16384xf32, #tpu.memory_space<hbm>> -> memref<512xf32, #tpu.memory_space<hbm>>
      %dma_start3A_207 = tpu.memref_slice %arg8[%mul3A_2] : memref<16384xf32, #tpu.memory_space<hbm>> -> memref<512xf32, #tpu.memory_space<hbm>>
      tpu.enqueue_dma source(%arg14 : memref<512xf32, #tpu.memory_space<vmem>>) target(%dma_start3A_207 : memref<512xf32, #tpu.memory_space<hbm>>) target_semaphore(%run_scoped3A : memref<!tpu.dma_semaphore, #tpu.memory_space<semaphore_mem>>)
      %dma_wait3A = tpu.memref_slice %arg8[%mul3A_2] : memref<16384xf32, #tpu.memory_space<hbm>> -> memref<512xf32, #tpu.memory_space<hbm>>
      %dma_wait3A_208 = tpu.memref_slice %arg8[%mul3A_2] : memref<16384xf32, #tpu.memory_space<hbm>> -> memref<512xf32, #tpu.memory_space<hbm>>
      tpu.wait_dma2 semaphore(%run_scoped3A : memref<!tpu.dma_semaphore, #tpu.memory_space<semaphore_mem>>) src(%arg14 : memref<512xf32, #tpu.memory_space<vmem>>) dst(%dma_wait3A_208 : memref<512xf32, #tpu.memory_space<hbm>>)
      tpu.yield
    }) : () -> ()
    return
  }
}

#map = affine_map<(d0, d1) -> (0)>
module attributes {stable_mosaic.version = 14 : i64} {
  func.func @k(%arg0: i32, %arg1: i32, %arg2: memref<16384xf32, #tpu.memory_space<hbm>>, %arg3: memref<16384xi32, #tpu.memory_space<hbm>>, %arg4: memref<16384xi32, #tpu.memory_space<hbm>>, %arg5: memref<1000000xf32, #tpu.memory_space<hbm>>, %arg6: memref<1000000xf32, #tpu.memory_space<hbm>>, %arg7: memref<16384xf32, #tpu.memory_space<hbm>>, %arg8: memref<512xi32, #tpu.memory_space<vmem>>, %arg9: memref<512xi32, #tpu.memory_space<vmem>>, %arg10: memref<512xf32, #tpu.memory_space<vmem>>, %arg11: memref<512xf32, #tpu.memory_space<vmem>>, %arg12: memref<512xf32, #tpu.memory_space<vmem>>, %arg13: memref<512xf32, #tpu.memory_space<vmem>>, %arg14: memref<!tpu.dma_semaphore, #tpu.memory_space<semaphore_mem>>) attributes {dimension_semantics = [#tpu.dimension_semantics<core_parallel>, #tpu.dimension_semantics<subcore_parallel>], iteration_bounds = array<i64: 2, 16>, scalar_prefetch = 0 : i64, scratch_operands = 7 : i64, tpu.core_type = #tpu.core_type<sc_vector_subcore>, window_params = [{transform_indices = #map}, {transform_indices = #map}, {transform_indices = #map}, {transform_indices = #map}, {transform_indices = #map}, {transform_indices = #map}]} {
    %mul3A = arith.constant 2 : i32
    %mul3A_0 = arith.muli %arg1, %mul3A : i32
    %add3A = arith.addi %mul3A_0, %arg0 : i32
    %mul3A_1 = arith.constant 512 : i32
    %mul3A_2 = arith.muli %add3A, %mul3A_1 : i32
    "tpu.region"() ({
      %run_scoped3A = tpu.sem_alloc : memref<!tpu.dma_semaphore, #tpu.memory_space<semaphore_mem>>
      %dma_start3A_18 = tpu.memref_slice %arg3[%mul3A_2] : memref<16384xi32, #tpu.memory_space<hbm>> -> memref<512xi32, #tpu.memory_space<hbm>>
      %dma_start3A_19 = tpu.memref_slice %arg3[%mul3A_2] : memref<16384xi32, #tpu.memory_space<hbm>> -> memref<512xi32, #tpu.memory_space<hbm>>
      tpu.enqueue_dma source(%dma_start3A_19 : memref<512xi32, #tpu.memory_space<hbm>>) target(%arg8 : memref<512xi32, #tpu.memory_space<vmem>>) target_semaphore(%run_scoped3A : memref<!tpu.dma_semaphore, #tpu.memory_space<semaphore_mem>>)
      %dma_wait3A_20 = tpu.memref_slice %arg3[%mul3A_2] : memref<16384xi32, #tpu.memory_space<hbm>> -> memref<512xi32, #tpu.memory_space<hbm>>
      %dma_wait3A_21 = tpu.memref_slice %arg3[%mul3A_2] : memref<16384xi32, #tpu.memory_space<hbm>> -> memref<512xi32, #tpu.memory_space<hbm>>
      tpu.wait_dma2 semaphore(%run_scoped3A : memref<!tpu.dma_semaphore, #tpu.memory_space<semaphore_mem>>) src(%dma_wait3A_21 : memref<512xi32, #tpu.memory_space<hbm>>) dst(%arg8 : memref<512xi32, #tpu.memory_space<vmem>>)
      tpu.yield
    }) : () -> ()
    "tpu.region"() ({
      %run_scoped3A = tpu.sem_alloc : memref<!tpu.dma_semaphore, #tpu.memory_space<semaphore_mem>>
      %dma_start3A_18 = tpu.memref_slice %arg4[%mul3A_2] : memref<16384xi32, #tpu.memory_space<hbm>> -> memref<512xi32, #tpu.memory_space<hbm>>
      %dma_start3A_19 = tpu.memref_slice %arg4[%mul3A_2] : memref<16384xi32, #tpu.memory_space<hbm>> -> memref<512xi32, #tpu.memory_space<hbm>>
      tpu.enqueue_dma source(%dma_start3A_19 : memref<512xi32, #tpu.memory_space<hbm>>) target(%arg9 : memref<512xi32, #tpu.memory_space<vmem>>) target_semaphore(%run_scoped3A : memref<!tpu.dma_semaphore, #tpu.memory_space<semaphore_mem>>)
      %dma_wait3A_20 = tpu.memref_slice %arg4[%mul3A_2] : memref<16384xi32, #tpu.memory_space<hbm>> -> memref<512xi32, #tpu.memory_space<hbm>>
      %dma_wait3A_21 = tpu.memref_slice %arg4[%mul3A_2] : memref<16384xi32, #tpu.memory_space<hbm>> -> memref<512xi32, #tpu.memory_space<hbm>>
      tpu.wait_dma2 semaphore(%run_scoped3A : memref<!tpu.dma_semaphore, #tpu.memory_space<semaphore_mem>>) src(%dma_wait3A_21 : memref<512xi32, #tpu.memory_space<hbm>>) dst(%arg9 : memref<512xi32, #tpu.memory_space<vmem>>)
      tpu.yield
    }) : () -> ()
    %dma_start3A = arith.constant 0 : i32
    %dma_start3A_3 = tpu.memref_slice %arg5[%dma_start3A] : memref<1000000xf32, #tpu.memory_space<hbm>> -> memref<1000000xf32, #tpu.memory_space<hbm>>
    tpu.enqueue_indirect_dma source(%dma_start3A_3 : memref<1000000xf32, #tpu.memory_space<hbm>>) target(%arg11 : memref<512xf32, #tpu.memory_space<vmem>>) offsets(%arg8 : memref<512xi32, #tpu.memory_space<vmem>>) semaphore(%arg14 : memref<!tpu.dma_semaphore, #tpu.memory_space<semaphore_mem>>)
    %dma_start3A_4 = arith.constant 0 : i32
    %dma_start3A_5 = tpu.memref_slice %arg6[%dma_start3A_4] : memref<1000000xf32, #tpu.memory_space<hbm>> -> memref<1000000xf32, #tpu.memory_space<hbm>>
    tpu.enqueue_indirect_dma source(%dma_start3A_5 : memref<1000000xf32, #tpu.memory_space<hbm>>) target(%arg12 : memref<512xf32, #tpu.memory_space<vmem>>) offsets(%arg9 : memref<512xi32, #tpu.memory_space<vmem>>) semaphore(%arg14 : memref<!tpu.dma_semaphore, #tpu.memory_space<semaphore_mem>>)
    %dma_start3A_6 = tpu.memref_slice %arg2[%mul3A_2] : memref<16384xf32, #tpu.memory_space<hbm>> -> memref<512xf32, #tpu.memory_space<hbm>>
    %dma_start3A_7 = tpu.memref_slice %arg2[%mul3A_2] : memref<16384xf32, #tpu.memory_space<hbm>> -> memref<512xf32, #tpu.memory_space<hbm>>
    tpu.enqueue_dma source(%dma_start3A_7 : memref<512xf32, #tpu.memory_space<hbm>>) target(%arg10 : memref<512xf32, #tpu.memory_space<vmem>>) target_semaphore(%arg14 : memref<!tpu.dma_semaphore, #tpu.memory_space<semaphore_mem>>)
    %dma_wait3A = arith.constant 0 : i32
    %dma_wait3A_8 = tpu.memref_slice %arg5[%dma_wait3A] : memref<1000000xf32, #tpu.memory_space<hbm>> -> memref<1000000xf32, #tpu.memory_space<hbm>>
    tpu.wait_indirect_dma semaphore(%arg14 : memref<!tpu.dma_semaphore, #tpu.memory_space<semaphore_mem>>) src(%dma_wait3A_8 : memref<1000000xf32, #tpu.memory_space<hbm>>) dst(%arg11 : memref<512xf32, #tpu.memory_space<vmem>>)
    %dma_wait3A_9 = arith.constant 0 : i32
    %dma_wait3A_10 = tpu.memref_slice %arg6[%dma_wait3A_9] : memref<1000000xf32, #tpu.memory_space<hbm>> -> memref<1000000xf32, #tpu.memory_space<hbm>>
    tpu.wait_indirect_dma semaphore(%arg14 : memref<!tpu.dma_semaphore, #tpu.memory_space<semaphore_mem>>) src(%dma_wait3A_10 : memref<1000000xf32, #tpu.memory_space<hbm>>) dst(%arg12 : memref<512xf32, #tpu.memory_space<vmem>>)
    %dma_wait3A_11 = tpu.memref_slice %arg2[%mul3A_2] : memref<16384xf32, #tpu.memory_space<hbm>> -> memref<512xf32, #tpu.memory_space<hbm>>
    %dma_wait3A_12 = tpu.memref_slice %arg2[%mul3A_2] : memref<16384xf32, #tpu.memory_space<hbm>> -> memref<512xf32, #tpu.memory_space<hbm>>
    tpu.wait_dma2 semaphore(%arg14 : memref<!tpu.dma_semaphore, #tpu.memory_space<semaphore_mem>>) src(%dma_wait3A_12 : memref<512xf32, #tpu.memory_space<hbm>>) dst(%arg10 : memref<512xf32, #tpu.memory_space<vmem>>)
    %scan3A = arith.constant 0 : i32
    %scan3A_13 = arith.constant 0 : i32
    %scan3A_14 = arith.constant 32 : i32
    %scan3A_15 = arith.addi %scan3A_13, %scan3A_14 : i32
    %scan3A_16 = arith.constant 1 : i32
    scf.for %scan3A_18 = %scan3A_13 to %scan3A_15 step %scan3A_16  : i32 {
      %mul3A_19 = arith.constant 16 : i32
      %mul3A_20 = arith.muli %scan3A_18, %mul3A_19 : i32
      %get3A = arith.index_cast %mul3A_20 : i32 to index
      %get3A_21 = tpu.vector_load %arg10[%get3A] {strides = array<i32>} : memref<512xf32, #tpu.memory_space<vmem>>, vector<16xf32>,
      %get3A_22 = arith.index_cast %mul3A_20 : i32 to index
      %get3A_23 = tpu.vector_load %arg11[%get3A_22] {strides = array<i32>} : memref<512xf32, #tpu.memory_space<vmem>>, vector<16xf32>,
      %add3A_24 = arith.addf %get3A_21, %get3A_23 : vector<16xf32>
      %get3A_25 = arith.index_cast %mul3A_20 : i32 to index
      %get3A_26 = tpu.vector_load %arg12[%get3A_25] {strides = array<i32>} : memref<512xf32, #tpu.memory_space<vmem>>, vector<16xf32>,
      %add3A_27 = arith.addf %add3A_24, %get3A_26 : vector<16xf32>
      %add3A_28 = arith.constant 3.500000e+00 : f32
      %add3A_29 = vector.broadcast %add3A_28 : f32 to vector<16xf32>
      %add3A_30 = arith.addf %add3A_27, %add3A_29 : vector<16xf32>
      %swap3A = arith.index_cast %mul3A_20 : i32 to index
      %swap3A_31 = tpu.vector_load %arg13[%swap3A] {strides = array<i32>} : memref<512xf32, #tpu.memory_space<vmem>>, vector<16xf32>,
      tpu.vector_store %arg13[%swap3A], %add3A_30 {strides = array<i32>} : memref<512xf32, #tpu.memory_space<vmem>>, vector<16xf32>,
    }
    %scan3A_17 = arith.constant 32 : i32
    "tpu.region"() ({
      %run_scoped3A = tpu.sem_alloc : memref<!tpu.dma_semaphore, #tpu.memory_space<semaphore_mem>>
      %dma_start3A_18 = tpu.memref_slice %arg7[%mul3A_2] : memref<16384xf32, #tpu.memory_space<hbm>> -> memref<512xf32, #tpu.memory_space<hbm>>
      %dma_start3A_19 = tpu.memref_slice %arg7[%mul3A_2] : memref<16384xf32, #tpu.memory_space<hbm>> -> memref<512xf32, #tpu.memory_space<hbm>>
      tpu.enqueue_dma source(%arg13 : memref<512xf32, #tpu.memory_space<vmem>>) target(%dma_start3A_19 : memref<512xf32, #tpu.memory_space<hbm>>) target_semaphore(%run_scoped3A : memref<!tpu.dma_semaphore, #tpu.memory_space<semaphore_mem>>)
      %dma_wait3A_20 = tpu.memref_slice %arg7[%mul3A_2] : memref<16384xf32, #tpu.memory_space<hbm>> -> memref<512xf32, #tpu.memory_space<hbm>>
      %dma_wait3A_21 = tpu.memref_slice %arg7[%mul3A_2] : memref<16384xf32, #tpu.memory_space<hbm>> -> memref<512xf32, #tpu.memory_space<hbm>>
      tpu.wait_dma2 semaphore(%run_scoped3A : memref<!tpu.dma_semaphore, #tpu.memory_space<semaphore_mem>>) src(%arg13 : memref<512xf32, #tpu.memory_space<vmem>>) dst(%dma_wait3A_21 : memref<512xf32, #tpu.memory_space<hbm>>)
      tpu.yield
    }) : () -> ()
    return
  }
}

</mosaic_0001>

<sc_bundles>
// kernel: kernel.4.cloned.1.call-start
scs
__scs_entry_jumppad:
0x0: {  	(pc) =	sbr.rel $0x88, $3  }
0x1: {  	(tag) =	ssettag $0x0;
	lr =	simm.s32 $0x1  }
0x2: {  	[smem:$0x3F9B] =	sst lr;
	_ =	strace $0xD0000000  }
0x3: {  	_ = 	snop  }
0x4: {  	_ = 	snop  }
0x5: {  	_ = 	snop  }
0x6: {  	_ = 	snop  }
0x7: {  	_ = 	snop  }
__scs_overlays_trampoline_lowered:
0x8: {  	[smem:$0x3FAA] =	sst s0  }
0x9: {  	[smem:$0x3FAB] =	sst s1  }
0xa: {  	[smem:$0x3FAC] =	sst s2  }
0xb: {  	[smem:$0x3FAD] =	sst s3  }
0xc: {  	[smem:$0x3FAE] =	sst s4  }
0xd: {  	[smem:$0x3FAF] =	sst s5  }
0xe: {  	[smem:$0x3FB0] =	sst s6  }
0xf: {  	[smem:$0x3FB1] =	sst s7  }
0x10: {  	[smem:$0x3FB2] =	sst s8  }
0x11: {  	[smem:$0x3FB3] =	sst s9;
	s0 =	simm.s32 @!p0 $0x0  }
0x12: {  	s1 =	sld [smem:$0x3F99];
	s0 =	simm.s32 @p0 $0x1  }
0x13: {  	[smem:$0x3FB4] =	sst s0;
	s0 =	simm.s32 @!p1 $0x0  }
0x14: {  	s2 =	sld [smem:$0x3F98];
	s0 =	simm.s32 @p1 $0x1  }
0x15: {  	[smem:$0x3FB5] =	sst s0;
	s0 =	simm.s32 @!p2 $0x0  }
0x16: {  	s3 =	sld [smem:$0x3FDB];
	s0 =	simm.s32 @p2 $0x1  }
0x17: {  	s4 =	simm.s32 $0x1BF5;
	[smem:$0x3FB7] =	sst s0  }
0x18: {  	s0 =	sld [smem:$0x3F9A];
	_ =	swait.ge [sflag:s4], $0x0  }
0x19: {  	s7 =	sld [smem:$0x3F9B]  }
0x1a: {  	s8 =	sadd.s32 $0xFFFFE003, lr  }
0x1b: {  	s9 =	sadd.s32 $0xFFFFFEF7, lr;
	s5 =	simm.s32 $0xFFFFFFFF;
	p2 =	slt.u32 s8, $0xFFFFF086  }
0x1c: {  	p1 =	slt.u32 s9, $0xF7A;
	s5 =	simm.s32 @!p2 $0x0  }
0x1d: {  	s5 =	simm.s32 @p1 $0x1;
	p0 =	seq.s32 s7, s2  }
0x1e: {  	s7 =	smul.u32 @!p0 $0xF7A, s2;
	p2 =	seq.s32 @!p0 s5, $0x0  }
0x1f: {  	s9 =	smul.u32 $0xF7A, s1;
	s8 =	simm.s32 @!p0 $0x1BF5;
	p2 =	por !p2, p0  }
0x20: {  	[sflag:s8] =	ssyncset.s32 @!p0 $0xFFFFF086;
	s6 =	sadd.s32 @!p0 s3, s7;
	s7 =	simm.s32 @!p0 $0x108  }
0x21: {  	s3 =	sadd.s32 s3, s9;
	s6 =	sadd.s32 @!p0 $0x88, s6;
	s7 =	simm.s32 @p2 $0x1082  }
0x22: {  	[simem:s7], [sflag:s8] =	dma.local @!p0 [hbm:s6], $0xF7A  }
0x23: {  	s9 =	sor.u32 $0xD0000000, s2;
	s6 =	simm.s32 $0x108;
	_ =	swait.ge @!p0 [sflag:s8], $0x0  }
0x24: {  	s3 =	sadd.s32 $0x88, s3;
	s6 =	simm.s32 @!p1 $0x1082;
	[sflag:s4] =	ssyncset.s32 $0xFFFFF086  }
0x25: {  	[simem:s6], [sflag:s4] =	dma.local [hbm:s3], $0xF7A  }
0x26: {  	[smem:$0x3F9B] =	sst s1;
	(tag) =	ssettag s2;
	_ =	strace s9  }
0x27: {  	s1 =	sld [smem:$0x3FAB]  }
0x28: {  	s2 =	sld [smem:$0x3FAC]  }
0x29: {  	s4 =	sld [smem:$0x3FAE]  }
0x2a: {  	p0 =	seq.s32 s5, $0x0;
	s5 =	sld [smem:$0x3FAF]  }
0x2b: {  	s6 =	sld [smem:$0x3FB0]  }
0x2c: {  	s7 =	sld [smem:$0x3FB1]  }
0x2d: {  	s3 =	simm.s32 $0x108;
	s8 =	sld [smem:$0x3FB2]  }
0x2e: {  	s3 =	simm.s32 @!p0 $0x1082;
	s9 =	sld [smem:$0x3FB3]  }
0x2f: {  	lr =	sadd.s32 s0, s3;
	s0 =	sld [smem:$0x3FAA]  }
0x30: {  	s3 =	sld [smem:$0x3FAD]  }
0x31: {  	[smem:$0x3FB6] =	sst s10  }
0x32: {  	s10 =	sld [smem:$0x3FB4];
	_ =	sdelay $0x3  }
0x33: {  	p0 =	seq.s32 s10, $0x1;
	s10 =	sld [smem:$0x3FB6];
	_ =	sdelay $0x3  }
0x34: {  	[smem:$0x3FB6] =	sst s10  }
0x35: {  	s10 =	sld [smem:$0x3FB5];
	_ =	sdelay $0x3  }
0x36: {  	p1 =	seq.s32 s10, $0x1;
	s10 =	sld [smem:$0x3FB6];
	_ =	sdelay $0x3  }
0x37: {  	[smem:$0x3FB6] =	sst s10  }
0x38: {  	s10 =	sld [smem:$0x3FB7]  }
0x39: {  	_ = 	snop;
	(pc) =	sbr.ind lr, $3  }
0x3a: {  	_ = 	snop  }
0x3b: {  	_ = 	snop  }
0x3c: {  	p2 =	seq.s32 s10, $0x1;
	s10 =	sld [smem:$0x3FB6]  }
0x3d: {  	_ =	shalt  }
0x3e: {  	_ =	shalt  }
0x3f: {  	_ =	shalt  }
0x40: {  	_ =	shalt  }
0x41: {  	_ =	shalt  }
0x42: {  	_ =	shalt  }
0x43: {  	_ =	shalt  }
0x44: {  	_ =	shalt  }
0x45: {  	_ =	shalt  }
0x46: {  	_ =	shalt  }
0x47: {  	_ =	shalt  }
0x48: {  	_ =	shalt  }
0x49: {  	_ =	shalt  }
0x4a: {  	_ =	shalt  }
0x4b: {  	_ =	shalt  }
0x4c: {  	_ =	shalt  }
0x4d: {  	_ =	shalt  }
0x4e: {  	_ =	shalt  }
0x4f: {  	_ =	shalt  }
0x50: {  	_ =	shalt  }
0x51: {  	_ =	shalt  }
0x52: {  	_ =	shalt  }
0x53: {  	_ =	shalt  }
0x54: {  	_ =	shalt  }
0x55: {  	_ =	shalt  }
0x56: {  	_ =	shalt  }
0x57: {  	_ =	shalt  }
0x58: {  	_ =	shalt  }
0x59: {  	_ =	shalt  }
0x5a: {  	_ =	shalt  }
0x5b: {  	_ =	shalt  }
0x5c: {  	_ =	shalt  }
0x5d: {  	_ =	shalt  }
0x5e: {  	_ =	shalt  }
0x5f: {  	_ =	shalt  }
0x60: {  	_ =	shalt  }
0x61: {  	_ =	shalt  }
0x62: {  	_ =	shalt  }
0x63: {  	_ =	shalt  }
0x64: {  	_ =	shalt  }
0x65: {  	_ =	shalt  }
0x66: {  	_ =	shalt  }
0x67: {  	_ =	shalt  }
0x68: {  	_ =	shalt  }
0x69: {  	_ =	shalt  }
0x6a: {  	_ =	shalt  }
0x6b: {  	_ =	shalt  }
0x6c: {  	_ =	shalt  }
0x6d: {  	_ =	shalt  }
0x6e: {  	_ =	shalt  }
0x6f: {  	_ =	shalt  }
0x70: {  	_ =	shalt  }
0x71: {  	_ =	shalt  }
0x72: {  	_ =	shalt  }
0x73: {  	_ =	shalt  }
0x74: {  	_ =	shalt  }
0x75: {  	_ =	shalt  }
0x76: {  	_ =	shalt  }
0x77: {  	_ =	shalt  }
0x78: {  	_ =	shalt  }
0x79: {  	_ =	shalt  }
0x7a: {  	_ =	shalt  }
0x7b: {  	_ =	shalt  }
0x7c: {  	_ =	shalt  }
0x7d: {  	_ =	shalt  }
0x7e: {  	_ =	shalt  }
0x7f: {  	_ =	shalt  }
0x80: {  	_ =	shalt  }
0x81: {  	_ =	shalt  }
0x82: {  	_ =	shalt  }
0x83: {  	_ =	shalt  }
0x84: {  	_ =	shalt  }
0x85: {  	_ =	shalt  }
0x86: {  	_ =	shalt  }
0x87: {  	_ =	shalt  }
.Lfunc_end0:
.L_simem_size_0:
called_computation_lowered:
.L_overlay_start_0:
0x88: {  	s2 =	sld [smem:$0x3FD9]  }
0x89: {  	s3 =	sld [smem:$0x3FFE];
	_ =	sdelay $0x1  }
0x8a: {  	s1 =	srdreg.scid  }
0x8b: {  	s0 =	sand.u32 $0x1, s1  }
0x8c: {  	s17 =	sshll.u32 s0, $0xA;
	s2 =	sadd.s32 s3, s2  }
0x8d: {  	s2 =	sadd.s32 s2, s17  }
0x8e: {  	[smem:$0x3FC2] =	sst s2  }
0x8f: {  	_ = 	snop  }
0x90: {  	s2 =	sld [smem:$0x3FC9]  }
0x91: {  	s18 =	sld [smem:$0x3FC8]  }
0x92: {  	s4 =	sld [smem:$0x3FC7]  }
0x93: {  	s5 =	sld [smem:$0x3FC6]  }
0x94: {  	s6 =	sld [smem:$0x3FD0];
	(tm) =	ssettm $0x1  }
0x95: {  	s7 =	sld [smem:$0x3FFB];
	_ =	sdelay $0x3  }
0x96: {  	_ =	strace s7  }
0x97: {  	s7 =	sld [smem:$0x3FFC];
	_ =	sdelay $0x3  }
0x98: {  	_ =	strace s7  }
0x99: {  	s7 =	sld [smem:$0x3FFD];
	_ =	sdelay $0x3  }
0x9a: {  	_ =	strace s7  }
0x9b: {  	_ =	strace $0x8FFFFFFF  }
0x9c: {  	s19 =	sld [smem:$0x3FDB];
	_ =	sdelay $0x1  }
0x9d: {  	s8 =	simm.s32 $_scs_section_size  }
0x9e: {  	s9 =	simm.s32 $_size__tile_overlayer_lowered;
	s10 =	simm.s32 $_tile_overlayer_lowered  }
0x9f: {  	s22 =	simm.s32 $0x1BFF;
	s21 =	sshll.u32 s10, $0x1;
	s7 =	sadd.s32 s8, s19  }
0xa0: {  	s11 =	simm.s32 $0x0;
	s20 =	sshll.u32 s9, $0x1;
	s9 =	sadd.s32 s21, s7  }
0xa1: {  	[timem:s11], [sflag:s22] =	dma.local [hbm:s9], s20  }
0xa2: {  	_ =	swait.ge [sflag:s22], s20  }
0xa3: {  	s8 =	ssub.s32 $0x0, s20;
	[sflag:s22] =	ssyncset.done $0x0  }
0xa4: {  	[sflag:s22] =	ssyncadd.s32 s8;
	_ =	sdelay $0x1  }
0xa5: {  	s23 =	simm.s32 $0x1B8B  }
0xa6: {  	_ =	swait.ge [sflag:s23], $0x1  }
0xa7: {  	[sflag:s23] =	ssyncset.done $0x0  }
0xa8: {  	s25 =	simm.s32 $0x1B8E;
	s24 =	sld [smem:$0x3FFE];
	[sflag:s23] =	ssyncadd.s32 $0xFFFFFFFF  }
0xa9: {  	s26 =	simm.s32 $execute0_lowered;
	[smem:$0x3FD2] =	sst s25  }
0xaa: {  	s9 =	sshll.u32 s26, $0x1;
	_ =	strace $0x80000046;
	[dreg:$0x1] =	wrdreg $0xFFFFFFFF  }
0xab: {  	s28 =	simm.s32 $_size_execute0_lowered;
	s7 =	sadd.s32 s7, s9;
	[dreg:$0x0] =	wrdreg $0x0  }
0xac: {  	s9 =	sshll.u32 s28, $0x1;
	[dreg:$0x2] =	wrdreg s7  }
0xad: {  	[dreg:$0x3] =	wrdreg s9  }
0xae: {  	[dreg:$0x4] =	wrdreg $0xC0  }
0xaf: {  	_ =	task [dreg:s11], $0x5FFFF  }
0xb0: {  	[dreg:$0x1] =	wrdreg $0xFFFFFFFF  }
0xb1: {  	[dreg:$0x0] =	wrdreg $0x60  }
0xb2: {  	[dreg:$0x2] =	wrdreg s2  }
0xb3: {  	[dreg:$0x3] =	wrdreg s18  }
0xb4: {  	[dreg:$0x4] =	wrdreg s4  }
0xb5: {  	[dreg:$0x5] =	wrdreg s5  }
0xb6: {  	[dreg:$0x6] =	wrdreg s6  }
0xb7: {  	[dreg:$0x7] =	wrdreg s24  }
0xb8: {  	[dreg:$0x8] =	wrdreg $0x9  }
0xb9: {  	_ =	task.clear_ibuf [dreg:s11], $0x9FFFF;
	_ =	strace $0x90000046  }
0xba: {  	s29 =	simm.s32 $0x9;
	_ =	strace $0x80000048  }
0xbb: {  	_ =	swait.ge [sflag:s29], $0x1  }
0xbc: {  	[sflag:s29] =	ssyncadd.s32 $0xFFFFFFFF  }
0xbd: {  	_ =	strace $0x90000048  }
0xbe: {  	_ =	sfence  }
0xbf: {  	s30 =	sld [smem:$0x0];
	_ =	sdelay $0x2  }
0xc0: {  	s31 =	sshll.u32 s1, $0xD;
	s1 =	sshrl.u32 s1, $0x2  }
0xc1: {  	s3 =	sand.u32 $0x4000, s31;
	s1 =	sadd.s32 s1, s30  }
0xc2: {  	s0 =	sor.u32 s3, s0;
	s1 =	sshll.u32 s1, $0x11  }
0xc3: {  	s0 =	sor.u32 s1, s0  }
0xc4: {  	s0 =	sadd.s32 $0x8F2B, s0  }
0xc5: {  	[sflag:s0] =	ssyncadd.remote.s32 $0x1  }
0xc6: {  	_ =	sfence.sel $0xFFFF  }
0xc7: {  	[dreg:$0x0] =	wrdreg $0xFFFFFFFF;
	(pc) =	sbr.abs _section_cstart, $3  }
0xc8: {  	[dreg:$0x1] =	wrdreg $0xFFFFFFFF  }
0xc9: {  	_ =	task.clear_ibuf [dreg:s11], $0x2FFFF;
	_ =	strace $0x9FFFFFFF  }
0xca: {  	(tm) =	ssettm $0x7FFFFFFF  }
0xcb: {  	_ =	shalt  }
tec
execute0_lowered:
.L_overlay_start_1:
0x0: {  	(tag) =	ssettag $0x1  }
0x1: {  	v0 =	vimm.s32 $0x3180  }
0x2: {  	vm5 =	vcmask $0x300;
	vm3 =	vcmask $0xF0C;
	vm1 =	vcmask $0x1F1C  }
0x3: {  	vm4 =	vcmask $0x704;
	vm2 =	vcmask $0x2F2C;
	v1 =	vimm.s32 $0x7180  }
0x4: {  	vm6 =	vcmask $0x3F3C;
	v2 =	vimm.s32 $0x3380;
	v3 =	vimm.s32 $0x7380  }
0x5: {  	v4 =	vimm.s32 $0x3580;
	v5 =	vimm.s32 $0x7580;
	v6 =	vimm.s32 $0x3780  }
0x6: {  	v7 =	vimm.s32 $0x7780;
	v8 =	vimm.s32 $0x3980;
	v9 =	vimm.s32 $0x7980  }
0x7: {  	v10 =	vimm.s32 $0x3B80;
	v11 =	vimm.s32 $0x7B80;
	v12 =	vimm.s32 $0x3D80  }
0x8: {  	v13 =	vimm.s32 $0x7D80;
	v14 =	vimm.s32 $0x3F80;
	v15 =	vimm.s32 $0x7F80  }
0x9: {  	v16 =	vimm.s32 $0xB180;
	v17 =	vimm.s32 $0xF180;
	v18 =	vimm.s32 $0xB380  }
0xa: {  	v19 =	vimm.s32 $0xF380;
	v20 =	vimm.s32 $0xB580;
	v21 =	vimm.s32 $0xF580  }
0xb: {  	v22 =	vimm.s32 $0xB780;
	v23 =	vimm.s32 $0xF780;
	v24 =	vimm.s32 $0xB980  }
0xc: {  	v25 =	vimm.s32 $0xF980;
	v26 =	vimm.s32 $0xBB80;
	v27 =	vimm.s32 $0xFB80  }
0xd: {  	v28 =	vimm.s32 $0xBD80;
	v29 =	vimm.s32 $0xFD80;
	v30 =	vimm.s32 $0xBF80  }
0xe: {  	v31 =	vimm.s32 $0xFF80;
	v0 =	vsel vm5, $0x0, v0;
	vm0 =	vmor vm3, vm1  }
0xf: {  	v1 =	vsel vm5, $0x4000, v1;
	v2 =	vsel vm5, $0x200, v2;
	v3 =	vsel vm5, $0x4200, v3  }
0x10: {  	v4 =	vsel vm5, $0x400, v4;
	v5 =	vsel vm5, $0x4400, v5;
	v6 =	vsel vm5, $0x600, v6  }
0x11: {  	v7 =	vsel vm5, $0x4600, v7;
	v8 =	vsel vm5, $0x800, v8;
	v9 =	vsel vm5, $0x4800, v9  }
0x12: {  	v10 =	vsel vm5, $0xA00, v10;
	v11 =	vsel vm5, $0x4A00, v11;
	v12 =	vsel vm5, $0xC00, v12  }
0x13: {  	v13 =	vsel vm5, $0x4C00, v13;
	v14 =	vsel vm5, $0xE00, v14;
	v15 =	vsel vm5, $0x4E00, v15  }
0x14: {  	v16 =	vsel vm5, $0x8000, v16;
	v17 =	vsel vm5, $0xC000, v17;
	v18 =	vsel vm5, $0x8200, v18  }
0x15: {  	v19 =	vsel vm5, $0xC200, v19;
	v20 =	vsel vm5, $0x8400, v20;
	v21 =	vsel vm5, $0xC400, v21  }
0x16: {  	v22 =	vsel vm5, $0x8600, v22;
	v23 =	vsel vm5, $0xC600, v23;
	v24 =	vsel vm5, $0x8800, v24  }
0x17: {  	v25 =	vsel vm5, $0xC800, v25;
	v26 =	vsel vm5, $0x8A00, v26;
	v27 =	vsel vm5, $0xCA00, v27  }
0x18: {  	v28 =	vsel vm5, $0x8C00, v28;
	v29 =	vsel vm5, $0xCC00, v29;
	v30 =	vsel vm5, $0x8E00, v30  }
0x19: {  	v31 =	vsel vm5, $0xCE00, v31;
	vm5 =	vcmask $0xB08;
	vm0 =	vmor vm0, vm2  }
0x1a: {  	v0 =	vsel vm4, $0x80, v0;
	v1 =	vsel vm4, $0x4080, v1;
	v2 =	vsel vm4, $0x280, v2  }
0x1b: {  	v3 =	vsel vm4, $0x4280, v3;
	v4 =	vsel vm4, $0x480, v4;
	v5 =	vsel vm4, $0x4480, v5  }
0x1c: {  	v6 =	vsel vm4, $0x680, v6;
	v7 =	vsel vm4, $0x4680, v7;
	v8 =	vsel vm4, $0x880, v8  }
0x1d: {  	v9 =	vsel vm4, $0x4880, v9;
	v10 =	vsel vm4, $0xA80, v10;
	v11 =	vsel vm4, $0x4A80, v11  }
0x1e: {  	v12 =	vsel vm4, $0xC80, v12;
	v13 =	vsel vm4, $0x4C80, v13;
	v14 =	vsel vm4, $0xE80, v14  }
0x1f: {  	v15 =	vsel vm4, $0x4E80, v15;
	v16 =	vsel vm4, $0x8080, v16;
	v17 =	vsel vm4, $0xC080, v17  }
0x20: {  	v18 =	vsel vm4, $0x8280, v18;
	v19 =	vsel vm4, $0xC280, v19;
	v20 =	vsel vm4, $0x8480, v20  }
0x21: {  	v21 =	vsel vm4, $0xC480, v21;
	v22 =	vsel vm4, $0x8680, v22;
	v23 =	vsel vm4, $0xC680, v23  }
0x22: {  	v24 =	vsel vm4, $0x8880, v24;
	v25 =	vsel vm4, $0xC880, v25;
	v26 =	vsel vm4, $0x8A80, v26  }
0x23: {  	v27 =	vsel vm4, $0xCA80, v27;
	v28 =	vsel vm4, $0x8C80, v28;
	v29 =	vsel vm4, $0xCC80, v29  }
0x24: {  	v30 =	vsel vm4, $0x8E80, v30;
	v31 =	vsel vm4, $0xCE80, v31;
	vm4 =	vcmask $0x1310  }
0x25: {  	vm0 =	vmor vm0, vm6;
	v0 =	vsel vm5, $0x100, v0;
	v1 =	vsel vm5, $0x4100, v1  }
0x26: {  	v2 =	vsel vm5, $0x300, v2;
	v3 =	vsel vm5, $0x4300, v3;
	v4 =	vsel vm5, $0x500, v4  }
0x27: {  	v5 =	vsel vm5, $0x4500, v5;
	v6 =	vsel vm5, $0x700, v6;
	v7 =	vsel vm5, $0x4700, v7  }
0x28: {  	v8 =	vsel vm5, $0x900, v8;
	v9 =	vsel vm5, $0x4900, v9;
	v10 =	vsel vm5, $0xB00, v10  }
0x29: {  	v11 =	vsel vm5, $0x4B00, v11;
	v12 =	vsel vm5, $0xD00, v12;
	v13 =	vsel vm5, $0x4D00, v13  }
0x2a: {  	v14 =	vsel vm5, $0xF00, v14;
	v15 =	vsel vm5, $0x4F00, v15;
	v16 =	vsel vm5, $0x8100, v16  }
0x2b: {  	v17 =	vsel vm5, $0xC100, v17;
	v18 =	vsel vm5, $0x8300, v18;
	v19 =	vsel vm5, $0xC300, v19  }
0x2c: {  	v20 =	vsel vm5, $0x8500, v20;
	v21 =	vsel vm5, $0xC500, v21;
	v22 =	vsel vm5, $0x8700, v22  }
0x2d: {  	v23 =	vsel vm5, $0xC700, v23;
	v24 =	vsel vm5, $0x8900, v24;
	v25 =	vsel vm5, $0xC900, v25  }
0x2e: {  	v26 =	vsel vm5, $0x8B00, v26;
	v27 =	vsel vm5, $0xCB00, v27;
	v28 =	vsel vm5, $0x8D00, v28  }
0x2f: {  	v29 =	vsel vm5, $0xCD00, v29;
	v30 =	vsel vm5, $0x8F00, v30;
	v31 =	vsel vm5, $0xCF00, v31  }
0x30: {  	vm5 =	vcmask $0x1714;
	v0 =	vsel vm3, $0x180, v0;
	v1 =	vsel vm3, $0x4180, v1  }
0x31: {  	v2 =	vsel vm3, $0x380, v2;
	v3 =	vsel vm3, $0x4380, v3;
	v4 =	vsel vm3, $0x580, v4  }
0x32: {  	v5 =	vsel vm3, $0x4580, v5;
	v6 =	vsel vm3, $0x780, v6;
	v7 =	vsel vm3, $0x4780, v7  }
0x33: {  	v8 =	vsel vm3, $0x980, v8;
	v9 =	vsel vm3, $0x4980, v9;
	v10 =	vsel vm3, $0xB80, v10  }
0x34: {  	v11 =	vsel vm3, $0x4B80, v11;
	v12 =	vsel vm3, $0xD80, v12;
	v13 =	vsel vm3, $0x4D80, v13  }
0x35: {  	v14 =	vsel vm3, $0xF80, v14;
	v15 =	vsel vm3, $0x4F80, v15;
	v16 =	vsel vm3, $0x8180, v16  }
0x36: {  	v17 =	vsel vm3, $0xC180, v17;
	v18 =	vsel vm3, $0x8380, v18;
	v19 =	vsel vm3, $0xC380, v19  }
0x37: {  	v20 =	vsel vm3, $0x8580, v20;
	v21 =	vsel vm3, $0xC580, v21;
	v22 =	vsel vm3, $0x8780, v22  }
0x38: {  	v23 =	vsel vm3, $0xC780, v23;
	v24 =	vsel vm3, $0x8980, v24;
	v25 =	vsel vm3, $0xC980, v25  }
0x39: {  	v26 =	vsel vm3, $0x8B80, v26;
	v27 =	vsel vm3, $0xCB80, v27;
	v28 =	vsel vm3, $0x8D80, v28  }
0x3a: {  	v29 =	vsel vm3, $0xCD80, v29;
	v30 =	vsel vm3, $0x8F80, v30;
	v31 =	vsel vm3, $0xCF80, v31  }
0x3b: {  	vm3 =	vcmask $0x1B18;
	v0 =	vsel vm4, $0x1000, v0;
	v62 =	vsel vm4, $0x5600, v7  }
0x3c: {  	v63 =	vsel vm4, $0x1800, v8;
	v8 =	vsel vm4, $0x5800, v9;
	v9 =	vsel vm4, $0x1A00, v10  }
0x3d: {  	v10 =	vsel vm4, $0x5A00, v11;
	v11 =	vsel vm4, $0x1C00, v12;
	v12 =	vsel vm4, $0x5C00, v13  }
0x3e: {  	v13 =	vsel vm4, $0x1E00, v14;
	v14 =	vsel vm4, $0x5E00, v15;
	v15 =	vsel vm4, $0x9000, v16  }
0x3f: {  	v16 =	vsel vm4, $0xD000, v17;
	v17 =	vsel vm4, $0x9200, v18;
	v18 =	vsel vm4, $0xD200, v19  }
0x40: {  	v19 =	vsel vm4, $0x9400, v20;
	v20 =	vsel vm4, $0xD400, v21;
	v21 =	vsel vm4, $0x9600, v22  }
0x41: {  	v22 =	vsel vm4, $0xD600, v23;
	v23 =	vsel vm4, $0x9800, v24;
	v24 =	vsel vm4, $0xD800, v25  }
0x42: {  	v25 =	vsel vm4, $0x9A00, v26;
	v26 =	vsel vm4, $0xDA00, v27;
	v27 =	vsel vm4, $0x9C00, v28  }
0x43: {  	v28 =	vsel vm4, $0xDC00, v29;
	v29 =	vsel vm4, $0x9E00, v30;
	v30 =	vsel vm4, $0xDE00, v31  }
0x44: {  	v32 =	vsel vm5, $0x1080, v0;
	v0 =	vsel vm4, $0x5000, v1;
	v1 =	vsel vm4, $0x1200, v2  }
0x45: {  	v2 =	vsel vm4, $0x5200, v3;
	v3 =	vsel vm4, $0x1400, v4;
	v4 =	vsel vm4, $0x5400, v5  }
0x46: {  	v5 =	vsel vm4, $0x1600, v6;
	v6 =	vsel vm5, $0x5680, v62;
	v7 =	vsel vm5, $0x1880, v63  }
0x47: {  	v8 =	vsel vm5, $0x5880, v8;
	v9 =	vsel vm5, $0x1A80, v9;
	v10 =	vsel vm5, $0x5A80, v10  }
0x48: {  	v11 =	vsel vm5, $0x1C80, v11;
	v12 =	vsel vm5, $0x5C80, v12;
	v13 =	vsel vm5, $0x1E80, v13  }
0x49: {  	v14 =	vsel vm5, $0x5E80, v14;
	v15 =	vsel vm5, $0x9080, v15;
	v16 =	vsel vm5, $0xD080, v16  }
0x4a: {  	v17 =	vsel vm5, $0x9280, v17;
	v18 =	vsel vm5, $0xD280, v18;
	v19 =	vsel vm5, $0x9480, v19  }
0x4b: {  	v20 =	vsel vm5, $0xD480, v20;
	v21 =	vsel vm5, $0x9680, v21;
	v22 =	vsel vm5, $0xD680, v22  }
0x4c: {  	v23 =	vsel vm5, $0x9880, v23;
	v24 =	vsel vm5, $0xD880, v24;
	v25 =	vsel vm5, $0x9A80, v25  }
0x4d: {  	v26 =	vsel vm5, $0xDA80, v26;
	v27 =	vsel vm5, $0x9C80, v27;
	v28 =	vsel vm5, $0xDC80, v28  }
0x4e: {  	v29 =	vsel vm5, $0x9E80, v29;
	v30 =	vsel vm5, $0xDE80, v30;
	vm4 =	vcmask $0x3330  }
0x4f: {  	v63 =	vlaneseq.u32;
	v31 =	vsel vm5, $0x5080, v0;
	v1 =	vsel vm5, $0x1280, v1  }
0x50: {  	v2 =	vsel vm5, $0x5280, v2;
	v3 =	vsel vm5, $0x1480, v3;
	v4 =	vsel vm5, $0x5480, v4  }
0x51: {  	v5 =	vsel vm5, $0x1680, v5;
	v32 =	vsel vm3, $0x1100, v32;
	v6 =	vsel vm3, $0x5700, v6  }
0x52: {  	v7 =	vsel vm3, $0x1900, v7;
	v8 =	vsel vm3, $0x5900, v8;
	v9 =	vsel vm3, $0x1B00, v9  }
0x53: {  	v10 =	vsel vm3, $0x5B00, v10;
	v11 =	vsel vm3, $0x1D00, v11;
	v12 =	vsel vm3, $0x5D00, v12  }
0x54: {  	v13 =	vsel vm3, $0x1F00, v13;
	v14 =	vsel vm3, $0x5F00, v14;
	v15 =	vsel vm3, $0x9100, v15  }
0x55: {  	v16 =	vsel vm3, $0xD100, v16;
	v17 =	vsel vm3, $0x9300, v17;
	v18 =	vsel vm3, $0xD300, v18  }
0x56: {  	v19 =	vsel vm3, $0x9500, v19;
	v20 =	vsel vm3, $0xD500, v20;
	v21 =	vsel vm3, $0x9700, v21  }
0x57: {  	v22 =	vsel vm3, $0xD700, v22;
	v23 =	vsel vm3, $0x9900, v23;
	v24 =	vsel vm3, $0xD900, v24  }
0x58: {  	v25 =	vsel vm3, $0x9B00, v25;
	v26 =	vsel vm3, $0xDB00, v26;
	v27 =	vsel vm3, $0x9D00, v27  }
0x59: {  	v28 =	vsel vm3, $0xDD00, v28;
	v29 =	vsel vm3, $0x9F00, v29;
	v30 =	vsel vm3, $0xDF00, v30  }
0x5a: {  	v32 =	vsel vm1, $0x1180, v32;
	v31 =	vsel vm3, $0x5100, v31;
	v1 =	vsel vm3, $0x1300, v1  }
0x5b: {  	v2 =	vsel vm3, $0x5300, v2;
	v3 =	vsel vm3, $0x1500, v3;
	v4 =	vsel vm3, $0x5500, v4  }
0x5c: {  	v5 =	vsel vm3, $0x1700, v5;
	vm3 =	vcmask $0x2320;
	v6 =	vsel vm1, $0x5780, v6  }
0x5d: {  	v7 =	vsel vm1, $0x1980, v7;
	v8 =	vsel vm1, $0x5980, v8;
	v9 =	vsel vm1, $0x1B80, v9  }
0x5e: {  	v10 =	vsel vm1, $0x5B80, v10;
	v11 =	vsel vm1, $0x1D80, v11;
	v12 =	vsel vm1, $0x5D80, v12  }
0x5f: {  	v13 =	vsel vm1, $0x1F80, v13;
	v14 =	vsel vm1, $0x5F80, v14;
	v15 =	vsel vm1, $0x9180, v15  }
0x60: {  	v16 =	vsel vm1, $0xD180, v16;
	v17 =	vsel vm1, $0x9380, v17;
	v18 =	vsel vm1, $0xD380, v18  }
0x61: {  	v19 =	vsel vm1, $0x9580, v19;
	v20 =	vsel vm1, $0xD580, v20;
	v21 =	vsel vm1, $0x9780, v21  }
0x62: {  	v22 =	vsel vm1, $0xD780, v22;
	v23 =	vsel vm1, $0x9980, v23;
	v24 =	vsel vm1, $0xD980, v24  }
0x63: {  	v25 =	vsel vm1, $0x9B80, v25;
	v26 =	vsel vm1, $0xDB80, v26;
	v27 =	vsel vm1, $0x9D80, v27  }
0x64: {  	v28 =	vsel vm1, $0xDD80, v28;
	v29 =	vsel vm1, $0x9F80, v29;
	v30 =	vsel vm1, $0xDF80, v30  }
0x65: {  	v32 =	vsel vm3, $0x2000, v32;
	v31 =	vsel vm1, $0x5180, v31;
	v1 =	vsel vm1, $0x1380, v1  }
0x66: {  	v2 =	vsel vm1, $0x5380, v2;
	v3 =	vsel vm1, $0x1580, v3;
	v4 =	vsel vm1, $0x5580, v4  }
0x67: {  	v5 =	vsel vm1, $0x1780, v5;
	vm1 =	vcmask $0x2724;
	v6 =	vsel vm3, $0x6600, v6  }
0x68: {  	v7 =	vsel vm3, $0x2800, v7;
	v8 =	vsel vm3, $0x6800, v8;
	v9 =	vsel vm3, $0x2A00, v9  }
0x69: {  	v10 =	vsel vm3, $0x6A00, v10;
	v11 =	vsel vm3, $0x2C00, v11;
	v12 =	vsel vm3, $0x6C00, v12  }
0x6a: {  	v13 =	vsel vm3, $0x2E00, v13;
	v14 =	vsel vm3, $0x6E00, v14;
	v15 =	vsel vm3, $0xA000, v15  }
0x6b: {  	v16 =	vsel vm3, $0xE000, v16;
	v17 =	vsel vm3, $0xA200, v17;
	v18 =	vsel vm3, $0xE200, v18  }
0x6c: {  	v19 =	vsel vm3, $0xA400, v19;
	v20 =	vsel vm3, $0xE400, v20;
	v21 =	vsel vm3, $0xA600, v21  }
0x6d: {  	v22 =	vsel vm3, $0xE600, v22;
	v23 =	vsel vm3, $0xA800, v23;
	v24 =	vsel vm3, $0xE800, v24  }
0x6e: {  	v25 =	vsel vm3, $0xAA00, v25;
	v26 =	vsel vm3, $0xEA00, v26;
	v27 =	vsel vm3, $0xAC00, v27  }
0x6f: {  	v28 =	vsel vm3, $0xEC00, v28;
	v29 =	vsel vm3, $0xAE00, v29;
	v30 =	vsel vm3, $0xEE00, v30  }
0x70: {  	v32 =	vsel vm1, $0x2080, v32;
	v31 =	vsel vm3, $0x6000, v31;
	v1 =	vsel vm3, $0x2200, v1  }
0x71: {  	v2 =	vsel vm3, $0x6200, v2;
	v3 =	vsel vm3, $0x2400, v3;
	v4 =	vsel vm3, $0x6400, v4  }
0x72: {  	v5 =	vsel vm3, $0x2600, v5;
	vm3 =	vcmask $0x2B28;
	v6 =	vsel vm1, $0x6680, v6  }
0x73: {  	v7 =	vsel vm1, $0x2880, v7;
	v8 =	vsel vm1, $0x6880, v8;
	v9 =	vsel vm1, $0x2A80, v9  }
0x74: {  	v10 =	vsel vm1, $0x6A80, v10;
	v11 =	vsel vm1, $0x2C80, v11;
	v12 =	vsel vm1, $0x6C80, v12  }
0x75: {  	v13 =	vsel vm1, $0x2E80, v13;
	v14 =	vsel vm1, $0x6E80, v14;
	v15 =	vsel vm1, $0xA080, v15  }
0x76: {  	v16 =	vsel vm1, $0xE080, v16;
	v17 =	vsel vm1, $0xA280, v17;
	v18 =	vsel vm1, $0xE280, v18  }
0x77: {  	v19 =	vsel vm1, $0xA480, v19;
	v20 =	vsel vm1, $0xE480, v20;
	v21 =	vsel vm1, $0xA680, v21  }
0x78: {  	v22 =	vsel vm1, $0xE680, v22;
	v23 =	vsel vm1, $0xA880, v23;
	v24 =	vsel vm1, $0xE880, v24  }
0x79: {  	v25 =	vsel vm1, $0xAA80, v25;
	v26 =	vsel vm1, $0xEA80, v26;
	v27 =	vsel vm1, $0xAC80, v27  }
0x7a: {  	v28 =	vsel vm1, $0xEC80, v28;
	v29 =	vsel vm1, $0xAE80, v29;
	v30 =	vsel vm1, $0xEE80, v30  }
0x7b: {  	v31 =	vsel vm1, $0x6080, v31;
	v1 =	vsel vm1, $0x2280, v1;
	v2 =	vsel vm1, $0x6280, v2  }
0x7c: {  	v3 =	vsel vm1, $0x2480, v3;
	v4 =	vsel vm1, $0x6480, v4;
	v5 =	vsel vm1, $0x2680, v5  }
0x7d: {  	vm1 =	vmmov $0xf;
	v32 =	vsel vm3, $0x2100, v32;
	v6 =	vsel vm3, $0x6700, v6  }
0x7e: {  	v7 =	vsel vm3, $0x2900, v7;
	v8 =	vsel vm3, $0x6900, v8;
	v9 =	vsel vm3, $0x2B00, v9  }
0x7f: {  	v10 =	vsel vm3, $0x6B00, v10;
	v11 =	vsel vm3, $0x2D00, v11;
	v12 =	vsel vm3, $0x6D00, v12  }
0x80: {  	v13 =	vsel vm3, $0x2F00, v13;
	v14 =	vsel vm3, $0x6F00, v14;
	v15 =	vsel vm3, $0xA100, v15  }
0x81: {  	v16 =	vsel vm3, $0xE100, v16;
	v17 =	vsel vm3, $0xA300, v17;
	v18 =	vsel vm3, $0xE300, v18  }
0x82: {  	v19 =	vsel vm3, $0xA500, v19;
	v20 =	vsel vm3, $0xE500, v20;
	v21 =	vsel vm3, $0xA700, v21  }
0x83: {  	v22 =	vsel vm3, $0xE700, v22;
	v23 =	vsel vm3, $0xA900, v23;
	v24 =	vsel vm3, $0xE900, v24  }
0x84: {  	v25 =	vsel vm3, $0xAB00, v25;
	v26 =	vsel vm3, $0xEB00, v26;
	v27 =	vsel vm3, $0xAD00, v27  }
0x85: {  	v28 =	vsel vm3, $0xED00, v28;
	v29 =	vsel vm3, $0xAF00, v29;
	v30 =	vsel vm3, $0xEF00, v30  }
0x86: {  	v32 =	vsel vm2, $0x2180, v32;
	v31 =	vsel vm3, $0x6100, v31;
	v1 =	vsel vm3, $0x2300, v1  }
0x87: {  	v2 =	vsel vm3, $0x6300, v2;
	v3 =	vsel vm3, $0x2500, v3;
	v4 =	vsel vm3, $0x6500, v4  }
0x88: {  	v5 =	vsel vm3, $0x2700, v5;
	v6 =	vsel vm2, $0x6780, v6;
	v7 =	vsel vm2, $0x2980, v7  }
0x89: {  	v8 =	vsel vm2, $0x6980, v8;
	v9 =	vsel vm2, $0x2B80, v9;
	v10 =	vsel vm2, $0x6B80, v10  }
0x8a: {  	v11 =	vsel vm2, $0x2D80, v11;
	v12 =	vsel vm2, $0x6D80, v12;
	v13 =	vsel vm2, $0x2F80, v13  }
0x8b: {  	v14 =	vsel vm2, $0x6F80, v14;
	v15 =	vsel vm2, $0xA180, v15;
	v16 =	vsel vm2, $0xE180, v16  }
0x8c: {  	v17 =	vsel vm2, $0xA380, v17;
	v18 =	vsel vm2, $0xE380, v18;
	v19 =	vsel vm2, $0xA580, v19  }
0x8d: {  	v20 =	vsel vm2, $0xE580, v20;
	v21 =	vsel vm2, $0xA780, v21;
	v22 =	vsel vm2, $0xE780, v22  }
0x8e: {  	v23 =	vsel vm2, $0xA980, v23;
	v24 =	vsel vm2, $0xE980, v24;
	v25 =	vsel vm2, $0xAB80, v25  }
0x8f: {  	v26 =	vsel vm2, $0xEB80, v26;
	v27 =	vsel vm2, $0xAD80, v27;
	v28 =	vsel vm2, $0xED80, v28  }
0x90: {  	v29 =	vsel vm2, $0xAF80, v29;
	v30 =	vsel vm2, $0xEF80, v30;
	vm3 =	vcmask $0x3734  }
0x91: {  	v32 =	vsel vm4, $0x3000, v32;
	v31 =	vsel vm2, $0x6180, v31;
	v1 =	vsel vm2, $0x2380, v1  }
0x92: {  	v2 =	vsel vm2, $0x6380, v2;
	v3 =	vsel vm2, $0x2580, v3;
	v4 =	vsel vm2, $0x6580, v4  }
0x93: {  	v5 =	vsel vm2, $0x2780, v5;
	v6 =	vsel vm4, $0x7600, v6;
	v7 =	vsel vm4, $0x3800, v7  }
0x94: {  	v8 =	vsel vm4, $0x7800, v8;
	v9 =	vsel vm4, $0x3A00, v9;
	v10 =	vsel vm4, $0x7A00, v10  }
0x95: {  	v11 =	vsel vm4, $0x3C00, v11;
	v12 =	vsel vm4, $0x7C00, v12;
	v13 =	vsel vm4, $0x3E00, v13  }
0x96: {  	v14 =	vsel vm4, $0x7E00, v14;
	v15 =	vsel vm4, $0xB000, v15;
	v16 =	vsel vm4, $0xF000, v16  }
0x97: {  	v17 =	vsel vm4, $0xB200, v17;
	v18 =	vsel vm4, $0xF200, v18;
	v19 =	vsel vm4, $0xB400, v19  }
0x98: {  	v20 =	vsel vm4, $0xF400, v20;
	v21 =	vsel vm4, $0xB600, v21;
	v22 =	vsel vm4, $0xF600, v22  }
0x99: {  	v23 =	vsel vm4, $0xB800, v23;
	v24 =	vsel vm4, $0xF800, v24;
	v25 =	vsel vm4, $0xBA00, v25  }
0x9a: {  	v26 =	vsel vm4, $0xFA00, v26;
	v27 =	vsel vm4, $0xBC00, v27;
	v28 =	vsel vm4, $0xFC00, v28  }
0x9b: {  	v29 =	vsel vm4, $0xBE00, v29;
	v30 =	vsel vm4, $0xFE00, v30;
	vm2 =	vmmov $0xff  }
0x9c: {  	v31 =	vsel vm4, $0x7000, v31;
	v1 =	vsel vm4, $0x3200, v1;
	v2 =	vsel vm4, $0x7200, v2  }
0x9d: {  	v3 =	vsel vm4, $0x3400, v3;
	v4 =	vsel vm4, $0x7400, v4;
	v5 =	vsel vm4, $0x3600, v5  }
0x9e: {  	v32 =	vsel vm3, $0x3080, v32;
	v38 =	vsel vm3, $0x7680, v6;
	v39 =	vsel vm3, $0x3880, v7  }
0x9f: {  	v40 =	vsel vm3, $0x7880, v8;
	v41 =	vsel vm3, $0x3A80, v9;
	v42 =	vsel vm3, $0x7A80, v10  }
0xa0: {  	v43 =	vsel vm3, $0x3C80, v11;
	v44 =	vsel vm3, $0x7C80, v12;
	v45 =	vsel vm3, $0x3E80, v13  }
0xa1: {  	v46 =	vsel vm3, $0x7E80, v14;
	v47 =	vsel vm3, $0xB080, v15;
	v48 =	vsel vm3, $0xF080, v16  }
0xa2: {  	v49 =	vsel vm3, $0xB280, v17;
	v50 =	vsel vm3, $0xF280, v18;
	v51 =	vsel vm3, $0xB480, v19  }
0xa3: {  	v52 =	vsel vm3, $0xF480, v20;
	v53 =	vsel vm3, $0xB680, v21;
	v54 =	vsel vm3, $0xF680, v22  }
0xa4: {  	v55 =	vsel vm3, $0xB880, v23;
	v56 =	vsel vm3, $0xF880, v24;
	v57 =	vsel vm3, $0xBA80, v25  }
0xa5: {  	v58 =	vsel vm3, $0xFA80, v26;
	v59 =	vsel vm3, $0xBC80, v27;
	v60 =	vsel vm3, $0xFC80, v28  }
0xa6: {  	v61 =	vsel vm3, $0xBE80, v29;
	v62 =	vsel vm3, $0xFE80, v30;
	v31 =	vsel vm3, $0x7080, v31  }
0xa7: {  	v33 =	vsel vm3, $0x3280, v1;
	v34 =	vsel vm3, $0x7280, v2;
	v35 =	vsel vm3, $0x3480, v3  }
0xa8: {  	v36 =	vsel vm3, $0x7480, v4;
	v37 =	vsel vm3, $0x3680, v5;
	vm3 =	vcmask $0x3B38  }
0xa9: {  	s2 =	rddreg [dreg:$0x0];
	v3 =	vand.u32 $0x3, v63;
	v0 =	vsel vm3, $0x3100, v32;
	v11 =	vsel vm3, $0x7900, v40  }
0xaa: {  	s3 =	rddreg [dreg:$0x1];
	v12 =	vsel vm3, $0x3B00, v41;
	v13 =	vsel vm3, $0x7B00, v42;
	v14 =	vsel vm3, $0x3D00, v43  }
0xab: {  	s4 =	rddreg [dreg:$0x5];
	s1 =	simm.s32 $0x0;
	v15 =	vsel vm3, $0x7D00, v44;
	v16 =	vsel vm3, $0x3F00, v45;
	v17 =	vsel vm3, $0x7F00, v46  }
0xac: {  	s11 =	simm.s32 $0x10500;
	s12 =	simm.s32 $0x10D00;
	s13 =	simm.s32 $0x400;
	v18 =	vsel vm3, $0xB100, v47;
	v19 =	vsel vm3, $0xF100, v48;
	v20 =	vsel vm3, $0xB300, v49  }
0xad: {  	s15 =	simm.s32 $0x7A1400;
	[smem:$0x7FF] =	sst s1;
	v21 =	vsel vm3, $0xF300, v50;
	v22 =	vsel vm3, $0xB500, v51;
	v23 =	vsel vm3, $0xF500, v52  }
0xae: {  	s5 =	srdreg.scid;
	s0 =	stileid.u32;
	_ =	strace $0x80000047;
	v24 =	vsel vm3, $0xB700, v53;
	v25 =	vsel vm3, $0xF700, v54;
	[tilespmem:$0x1FF70] =	vst v0;
	v0 =	vsel vm3, $0x7100, v31  }
0xaf: {  	s16 =	simm.s32 $0x500;
	s5 =	sand.u32 $0x1, s5;
	s6 =	sshll.u32 s0, $0x7;
	v26 =	vsel vm3, $0xB900, v55;
	v27 =	vsel vm3, $0xF900, v56;
	[tilespmem:$0x1FF80] =	vst v0;
	v0 =	vsel vm3, $0x3300, v33  }
0xb0: {  	s25 =	sadd.s32 $0x200, s4;
	s7 =	sshll.u32 s5, $0x6;
	s5 =	ssub.s32 $0x2, s5;
	v28 =	vsel vm3, $0xBB00, v57;
	v29 =	vsel vm3, $0xFB00, v58;
	[tilespmem:$0x1FF90] =	vst v0;
	v0 =	vsel vm3, $0x7300, v34  }
0xb1: {  	[dreg:$0x7] =	wrdreg s25;
	s6 =	sor.u32 s7, s6;
	s26 =	sshrl.u32 s5, $0x1;
	v30 =	vsel vm3, $0xBD00, v59;
	v32 =	vsel vm3, $0xBF00, v61;
	[tilespmem:$0x1FFA0] =	vst v0;
	v0 =	vsel vm3, $0x3500, v35  }
.Ltmp0:
0xb2: {  	s4 =	sadd.s32 s6, s4;
	s28 =	sadd.s32 s2, s6;
	v40 =	vor.u32 $0x1C, v63;
	v41 =	vshrl.u32 v63, $0x2;
	[tilespmem:$0x1FFB0] =	vst v0;
	v0 =	vsel vm3, $0x7500, v36;
	(pc) =	sbr.rel .LBB2_1-.Ltmp0, $4  }
0xb3: {  	s5 =	ssub.s32 s5, s26;
	s29 =	sadd.s32 s3, s6;
	[dreg:$0x8] =	wrdreg s28;
	v31 =	vsel vm3, $0xFD00, v60;
	v33 =	vsel vm3, $0xFF00, v62;
	[tilespmem:$0x1FFC0] =	vst v0;
	v0 =	vsel vm3, $0x3700, v37  }
0xb4: {  	s2 =	simm.s32 $0x2;
	[dreg:$0x9] =	wrdreg s29;
	s30 =	sadd.s32 $0x400, s4;
	v34 =	vor.u32 $0x4, v3;
	v35 =	vor.u32 $0x8, v3;
	[tilespmem:$0x1FFD0] =	vst v0;
	v0 =	vsel vm3, $0x7700, v38  }
0xb5: {  	s6 =	simm.s32 $0x3;
	s31 =	smax.u32 s5, $0x1;
	[dreg:$0xa] =	wrdreg s30;
	v36 =	vor.u32 $0xC, v3;
	v37 =	vor.u32 $0x10, v3;
	[tilespmem:$0x1FFE0] =	vst v0;
	v0 =	vsel vm3, $0x3900, v39  }
0xb6: {  	s3 =	simm.s32 $0x0;
	s4 =	simm.s32 $0x4;
	[dreg:$0xb] =	wrdreg s31;
	v38 =	vor.u32 $0x14, v3;
	vm3 =	vmmov $0xfff;
	v39 =	vor.u32 $0x18, v3;
	[tilespmem:$0x1FFF0] =	vst v0  }
.LBB2_5:
0xb7: {  	s1 =	simm.s32 $0x0;
	s0 =	rddreg [dreg:$0xa];
	s4 =	simm.s32 $0x4  }
0xb8: {  	[hbm4b:s0+s1] =	stream.linear.scatter [tilespmem:s3], [sflag:$0x4], $0x200, $0x38;
	[tilespmem:$0x11780] =	vst v63  }
0xb9: {  	_ =	swait.ge [sflag:s4], $0x200  }
0xba: {  	s30 =	rddreg [dreg:$0xc]  }
0xbb: {  	s31 =	rddreg [dreg:$0xb];
	s3 =	sadd.s32 $0x1, s30  }
0xbc: {  	p0 =	sne.s32 s3, s31  }
.Ltmp1:
0xbd: {  	_ = 	snop;
	(pc) =	sbr.rel @!p0 .LBB2_6-.Ltmp1, $3  }
0xbe: {  	_ =	sdelay $0x1  }
0xbf: {  	[sflag:s4] =	ssyncset.done $0x0  }
0xc0: {  	[sflag:s4] =	ssyncadd.s32 $0xFFFFFE00  }
.LBB2_1:
0xc1: {  	[dreg:$0xc] =	wrdreg s3  }
0xc2: {  	s0 =	rddreg [dreg:$0x8]  }
0xc3: {  	[tilespmem:s1], [sflag:$0x4] =	stream.linear.gather [hbm4b:s0+s1], $0x200, $0x38;
	[tilespmem:$0x11780] =	vst v63  }
0xc4: {  	_ =	swait.ge [sflag:s4], $0x200  }
0xc5: {  	[sflag:s4] =	ssyncset.done $0x0  }
0xc6: {  	s14 =	simm.s32 $0x280;
	s10 =	rddreg [dreg:$0x9];
	[sflag:s4] =	ssyncadd.s32 $0xFFFFFE00  }
0xc7: {  	[tilespmem:s14], [sflag:$0x4] =	stream.linear.gather [hbm4b:s10+s1], $0x200, $0x38;
	[tilespmem:$0x11780] =	vst v63  }
0xc8: {  	_ =	swait.ge [sflag:s4], $0x200  }
0xc9: {  	[sflag:s4] =	ssyncset.done $0x0  }
0xca: {  	[sflag:s4] =	ssyncadd.s32 $0xFFFFFE00  }
0xcb: {  	s17 =	rddreg [dreg:$0x4]  }
0xcc: {  	[tilespmem:s11], [sflag:$0x1] =	stream.linear.gather [hbm4b:s17+s1], $0x800, $0x38;
	[tilespmem:$0x11780] =	vst v63  }
0xcd: {  	s18 =	rddreg [dreg:$0x7]  }
0xce: {  	[tilespmem:s12], [sflag:$0x1] =	stream.linear.gather [hbm4b:s18+s1], $0x800, $0x38;
	[tilespmem:$0x11780] =	vst v63  }
0xcf: {  	v42 =	vld [tilespmem:$0x0];
	_ =	sdelay $0x4  }
0xd0: {  	v42 =	vshra.s32 v42, $0x7  }
0xd1: {  	(v2sf) =	vpush v42, $0x0;
	_ =	sdelay $0x6  }
0xd2: {  	(v2sf) =	vpush v42, $0x1;
	_ =	sdelay $0x6  }
0xd3: {  	(v2sf) =	vpush v42, $0x2  }
0xd4: {  	s4 =	spop (v2sf)  }
0xd5: {  	p0 =	slt.s32 s4, $0x1E83  }
0xd6: {  	s4 =	simm.s32 @!p0 $0x1E83  }
0xd7: {  	s4 =	sshll.u32 s4, $0x7  }
0xd8: {  	v0 =	vimm.f32 $0.0e+00;
	s19 =	rddreg [dreg:$0x2];
	s4 =	sand.u32 $0x1FFFFF80, s4  }
0xd9: {  	[tilespmem:$0x11700] =	vst v0;
	s4 =	sadd.s32 s19, s4  }
0xda: {  	v43 =	vld [tilespmem:$0x280];
	(v2sf) =	vpush v42, $0x3;
	[tilespmem:s16], [sflag:$0x2] =	stream.strided.gather [hbm4b:s4+s13], $0x1000, s15, s13, $0x38  }
0xdb: {  	s4 =	spop (v2sf)  }
0xdc: {  	p0 =	slt.s32 s4, $0x1E83  }
0xdd: {  	s4 =	simm.s32 @!p0 $0x1E83  }
0xde: {  	s4 =	sshll.u32 s4, $0x7  }
0xdf: {  	s4 =	sand.u32 $0x1FFFFF80, s4  }
0xe0: {  	s20 =	simm.s32 $0x1500;
	v63 =	vshra.s32 v43, $0x7;
	s4 =	sadd.s32 s19, s4  }
0xe1: {  	(v2sf) =	vpush v63, $0x0;
	[tilespmem:s20], [sflag:$0x2] =	stream.strided.gather [hbm4b:s4+s13], $0x1000, s15, s13, $0x38;
	[tilespmem:$0x11780] =	vst v63  }
0xe2: {  	s4 =	spop (v2sf)  }
0xe3: {  	p0 =	slt.s32 s4, $0x1E83  }
0xe4: {  	(v2sf) =	vpush v63, $0x1;
	s4 =	simm.s32 @!p0 $0x1E83  }
0xe5: {  	s4 =	sshll.u32 s4, $0x7  }
0xe6: {  	s4 =	sand.u32 $0x1FFFFF80, s4  }
0xe7: {  	s21 =	simm.s32 $0x2500;
	s4 =	sadd.s32 s19, s4  }
0xe8: {  	[tilespmem:s21], [sflag:$0x2] =	stream.strided.gather [hbm4b:s4+s13], $0x1000, s15, s13, $0x38;
	[tilespmem:$0x11780] =	vst v63  }
0xe9: {  	s4 =	spop (v2sf)  }
0xea: {  	(v2sf) =	vpush v63, $0x2;
	p0 =	slt.s32 s4, $0x1E83  }
0xeb: {  	s4 =	simm.s32 @!p0 $0x1E83  }
0xec: {  	s4 =	sshll.u32 s4, $0x7  }
0xed: {  	s4 =	sand.u32 $0x1FFFFF80, s4  }
0xee: {  	s22 =	simm.s32 $0x3500;
	s4 =	sadd.s32 s19, s4  }
0xef: {  	[tilespmem:s22], [sflag:$0x2] =	stream.strided.gather [hbm4b:s4+s13], $0x1000, s15, s13, $0x38;
	[tilespmem:$0x11780] =	vst v63  }
0xf0: {  	s4 =	spop (v2sf)  }
0xf1: {  	p0 =	slt.s32 s4, $0x1E83  }
0xf2: {  	(v2sf) =	vpush v63, $0x3;
	s4 =	simm.s32 @!p0 $0x1E83  }
0xf3: {  	s4 =	sshll.u32 s4, $0x7;
	s7 =	spop (v2sf)  }
0xf4: {  	s23 =	rddreg [dreg:$0x3];
	s4 =	sand.u32 $0x1FFFFF80, s4;
	p0 =	slt.s32 s7, $0x1E83  }
0xf5: {  	s24 =	simm.s32 $0x4500;
	s4 =	sadd.s32 s23, s4;
	s7 =	simm.s32 @!p0 $0x1E83  }
0xf6: {  	[tilespmem:s24], [sflag:$0x2] =	stream.strided.gather [hbm4b:s4+s13], $0x1000, s15, s13, $0x38;
	[tilespmem:$0x11780] =	vst v63  }
0xf7: {  	s25 =	sshll.u32 s7, $0x7  }
0xf8: {  	s4 =	sand.u32 $0x1FFFFF80, s25  }
0xf9: {  	s26 =	simm.s32 $0x5500;
	s4 =	sadd.s32 s23, s4;
	s7 =	spop (v2sf)  }
0xfa: {  	[tilespmem:s26], [sflag:$0x2] =	stream.strided.gather [hbm4b:s4+s13], $0x1000, s15, s13, $0x38;
	[tilespmem:$0x11780] =	vst v63  }
0xfb: {  	p0 =	slt.s32 s7, $0x1E83  }
0xfc: {  	s7 =	simm.s32 @!p0 $0x1E83  }
0xfd: {  	s28 =	sshll.u32 s7, $0x7  }
0xfe: {  	s4 =	sand.u32 $0x1FFFFF80, s28  }
0xff: {  	s29 =	simm.s32 $0x6500;
	s4 =	sadd.s32 s23, s4  }
0x100: {  	[tilespmem:s29], [sflag:$0x2] =	stream.strided.gather [hbm4b:s4+s13], $0x1000, s15, s13, $0x38;
	[tilespmem:$0x11780] =	vst v63  }
0x101: {  	s4 =	spop (v2sf)  }
0x102: {  	p0 =	slt.s32 s4, $0x1E83  }
0x103: {  	s4 =	simm.s32 @!p0 $0x1E83  }
0x104: {  	s4 =	sshll.u32 s4, $0x7  }
0x105: {  	s4 =	sand.u32 $0x1FFFFF80, s4  }
0x106: {  	s30 =	simm.s32 $0x7500;
	s31 =	simm.s32 $0x1;
	s4 =	sadd.s32 s23, s4  }
0x107: {  	[tilespmem:s30], [sflag:$0x2] =	stream.strided.gather [hbm4b:s4+s13], $0x1000, s15, s13, $0x38;
	[tilespmem:$0x11780] =	vst v63  }
0x108: {  	_ =	swait.ge [sflag:s31], $0x800  }
.Ltmp2:
0x109: {  	[sflag:s31] =	ssyncset.done $0x0;
	(pc) =	sbr.rel .LBB2_2-.Ltmp2, $4  }
0x10a: {  	[sflag:s31] =	ssyncadd.s32 $0xFFFFF800  }
0x10b: {  	_ =	swait.ge [sflag:s31], $0x800  }
0x10c: {  	s9 =	simm.s32 $0x284;
	[sflag:s31] =	ssyncset.done $0x0  }
0x10d: {  	s14 =	simm.s32 $0x4;
	s4 =	simm.s32 $0x0;
	[sflag:s31] =	ssyncadd.s32 $0xFFFFF800  }
.LBB2_4:
0x10e: {  	_ =	swait.ge [sflag:s6], $0x1000  }
0x10f: {  	[sflag:s6] =	ssyncset.done $0x0  }
0x110: {  	[sflag:s6] =	ssyncadd.s32 $0xFFFFF000  }
0x111: {  	_ =	swait.ge [sflag:s6], $0x1000  }
0x112: {  	[sflag:s6] =	ssyncset.done $0x0  }
0x113: {  	[sflag:s6] =	ssyncadd.s32 $0xFFFFF000  }
0x114: {  	_ =	swait.ge [sflag:s6], $0x1000  }
0x115: {  	[sflag:s6] =	ssyncset.done $0x0  }
0x116: {  	[sflag:s6] =	ssyncadd.s32 $0xFFFFF000  }
0x117: {  	_ =	swait.ge [sflag:s6], $0x1000  }
0x118: {  	[sflag:s6] =	ssyncset.done $0x0  }
0x119: {  	[sflag:s6] =	ssyncadd.s32 $0xFFFFF000  }
0x11a: {  	_ =	swait.ge [sflag:s6], $0x1000  }
0x11b: {  	[sflag:s6] =	ssyncset.done $0x0  }
0x11c: {  	[sflag:s6] =	ssyncadd.s32 $0xFFFFF000  }
0x11d: {  	_ =	swait.ge [sflag:s6], $0x1000  }
0x11e: {  	[sflag:s6] =	ssyncset.done $0x0  }
0x11f: {  	[sflag:s6] =	ssyncadd.s32 $0xFFFFF000  }
0x120: {  	_ =	swait.ge [sflag:s6], $0x1000  }
0x121: {  	[sflag:s6] =	ssyncset.done $0x0  }
0x122: {  	[sflag:s6] =	ssyncadd.s32 $0xFFFFF000  }
0x123: {  	_ =	swait.ge [sflag:s6], $0x1000  }
0x124: {  	[sflag:s6] =	ssyncset.done $0x0  }
0x125: {  	[sflag:s6] =	ssyncadd.s32 $0xFFFFF000  }
0x126: {  	v0 =	vld [tilespmem:s14+$0x0];
	_ =	sdelay $0x4  }
0x127: {  	(v2sf) =	vpush v0, $0x0  }
0x128: {  	v1 =	vld [tilespmem:s9+$0x0];
	(v2sf) =	vpush v0, $0x1;
	_ =	sdelay $0x1  }
0x129: {  	(v2sf) =	vpush v0, $0x2  }
0x12a: {  	(v2sf) =	vpush v0, $0x3;
	_ =	sdelay $0x1  }
0x12b: {  	(v2sf) =	vpush v1, $0x0;
	_ =	sdelay $0x1  }
0x12c: {  	(v2sf) =	vpush v1, $0x1;
	_ =	sdelay $0x1  }
0x12d: {  	(v2sf) =	vpush v1, $0x2  }
0x12e: {  	(v2sf) =	vpush v1, $0x3;
	_ =	sdelay $0x3  }
0x12f: {  	s21 =	spop (v2sf)  }
0x130: {  	s20 =	spop (v2sf)  }
0x131: {  	s1 =	sand.u32 $0x7F, s20  }
0x132: {  	s0 =	sand.u32 $0x7F, s21;
	s26 =	sadd.s32 $0xFFF0BE00, s21;
	s19 =	spop (v2sf);
	v0 =	vmov s1  }
0x133: {  	p0 =	sgt.s32 s26, $0x0;
	s18 =	spop (v2sf);
	s3 =	sand.u32 $0x7F, s19;
	v0 =	vsel vm1, s0, v0  }
0x134: {  	s28 =	sadd.s32 $0xFFF0BE00, s20;
	s29 =	sadd.s32 $0xFFF0BE00, s19;
	s5 =	sand.u32 $0x7F, s18;
	v0 =	vnsel vm2, s3, v0  }
0x135: {  	s26 =	simm.s32 @!p0 $0x0;
	p0 =	sgt.s32 s28, $0x0;
	s8 =	spop (v2sf);
	v0 =	vnsel vm3, s5, v0  }
0x136: {  	p1 =	sgt.s32 s29, $0x0;
	s26 =	smin.u32 s26, $0x3F;
	s28 =	simm.s32 @!p0 $0x0;
	v5 =	vor.u32 v18, v0  }
0x137: {  	s30 =	sadd.s32 $0xFFF0BE00, s18;
	s17 =	spop (v2sf);
	s28 =	smin.u32 s28, $0x3F;
	v9 =	vor.u32 v20, v0  }
0x138: {  	s10 =	sand.u32 $0x7F, s8;
	s29 =	simm.s32 @!p1 $0x0;
	s22 =	sand.u32 $0x7F, s17;
	v2 =	vmov s28;
	v44 =	vor.u32 v22, v0  }
0x139: {  	p0 =	sgt.s32 s30, $0x0;
	s24 =	spop (v2sf);
	s29 =	smin.u32 s29, $0x3F;
	v1 =	vmov s22;
	v2 =	vsel vm1, s26, v2;
	v48 =	vor.u32 v24, v0  }
0x13a: {  	s30 =	simm.s32 @!p0 $0x0;
	s7 =	spop (v2sf);
	s23 =	sand.u32 $0x7F, s24;
	v52 =	vor.u32 v26, v0;
	v56 =	vor.u32 v28, v0;
	v1 =	vsel vm1, s10, v1  }
0x13b: {  	s28 =	smin.u32 s30, $0x3F;
	v62 =	vor.u32 v30, v0;
	s25 =	sand.u32 $0x7F, s7;
	v2 =	vnsel vm2, s29, v2;
	v1 =	vnsel vm2, s23, v1;
	v5 =	vld.idx.msk [tilespmem:v5+s16+$0x0], $0xffff  }
0x13c: {  	v0 =	vor.u32 v32, v0;
	v2 =	vnsel vm3, s28, v2;
	v1 =	vnsel vm3, s25, v1;
	v9 =	vld.idx.msk [tilespmem:v9+s16+$0x0], $0xffff  }
0x13d: {  	v2 =	vshll.u32 v2, $0x5;
	v6 =	vor.u32 v19, v1;
	v44 =	vld.idx.msk [tilespmem:v44+s16+$0x0], $0xffff  }
0x13e: {  	s1 =	sadd.s32 $0xFFF0BE00, s8;
	s31 =	sadd.s32 $0xFFF0BE00, s17;
	v7 =	vor.u32 v3, v2;
	v48 =	vld.idx.msk [tilespmem:v48+s16+$0x0], $0xffff  }
0x13f: {  	p0 =	sgt.s32 s1, $0x0;
	p1 =	sgt.s32 s31, $0x0;
	v10 =	vor.u32 v21, v1;
	v52 =	vld.idx.msk [tilespmem:v52+s16+$0x0], $0xffff  }
0x140: {  	s1 =	simm.s32 @!p0 $0x0;
	s0 =	sadd.s32 $0xFFF0BE00, s24;
	s31 =	simm.s32 @!p1 $0x0;
	v42 =	vor.u32 v34, v2;
	v56 =	vld.idx.msk [tilespmem:v56+s16+$0x0], $0xffff  }
0x141: {  	p0 =	sgt.s32 s0, $0x0;
	s5 =	sadd.s32 $0xFFF0BE00, s7;
	s22 =	smin.u32 s31, $0x3F;
	v45 =	vor.u32 v23, v1;
	v0 =	vld.idx.msk [tilespmem:v0+s16+$0x0], $0xffff  }
0x142: {  	s1 =	smin.u32 s1, $0x3F;
	s0 =	simm.s32 @!p0 $0x0;
	p0 =	sgt.s32 s5, $0x0;
	v4 =	vmov s22;
	v46 =	vor.u32 v35, v2;
	v6 =	vld.idx.msk [tilespmem:v6+s16+$0x0], $0xffff  }
0x143: {  	s0 =	smin.u32 s0, $0x3F;
	s5 =	simm.s32 @!p0 $0x0;
	v4 =	vsel vm1, s1, v4;
	v49 =	vor.u32 v25, v1;
	v7 =	vld.idx.msk [tilespmem:v7+s11+$0x0], $0xffff  }
0x144: {  	s30 =	smin.u32 s5, $0x3F;
	v50 =	vor.u32 v36, v2;
	v4 =	vnsel vm2, s0, v4;
	v10 =	vld.idx.msk [tilespmem:v10+s16+$0x0], $0xffff  }
0x145: {  	v53 =	vor.u32 v27, v1;
	v4 =	vnsel vm3, s30, v4;
	v42 =	vld.idx.msk [tilespmem:v42+s11+$0x0], $0xffff  }
0x146: {  	s3 =	simm.s32 $0x1;
	p1 =	sgt.s32 s19, $0xF41FF;
	v54 =	vor.u32 v37, v2;
	v4 =	vshll.u32 v4, $0x5;
	v45 =	vld.idx.msk [tilespmem:v45+s16+$0x0], $0xffff  }
0x147: {  	s10 =	simm.s32 $0x1;
	s3 =	simm.s32 @!p1 $0x0;
	p1 =	sgt.s32 s17, $0xF41FF;
	v8 =	vor.u32 v3, v4;
	v46 =	vld.idx.msk [tilespmem:v46+s11+$0x0], $0xffff  }
0x148: {  	p0 =	sgt.s32 s21, $0xF41FF;
	s10 =	simm.s32 @!p1 $0x0;
	v57 =	vor.u32 v29, v1;
	v49 =	vld.idx.msk [tilespmem:v49+s16+$0x0], $0xffff  }
0x149: {  	p1 =	sgt.s32 s8, $0xF41FF;
	s8 =	simm.s32 $0x1;
	s0 =	simm.s32 $0x1;
	v43 =	vor.u32 v34, v4;
	v50 =	vld.idx.msk [tilespmem:v50+s11+$0x0], $0xffff  }
0x14a: {  	s1 =	simm.s32 $0x1;
	v63 =	vor.u32 v31, v1;
	v1 =	vor.u32 v33, v1;
	s0 =	simm.s32 @!p0 $0x0;
	p0 =	sgt.s32 s20, $0xF41FF;
	v53 =	vld.idx.msk [tilespmem:v53+s16+$0x0], $0xffff  }
0x14b: {  	s5 =	simm.s32 $0x1;
	s8 =	simm.s32 @!p1 $0x0;
	s1 =	simm.s32 @!p0 $0x0;
	v47 =	vor.u32 v35, v4;
	v54 =	vld.idx.msk [tilespmem:v54+s11+$0x0], $0xffff  }
0x14c: {  	p1 =	sgt.s32 s24, $0xF41FF;
	v59 =	vmov s10;
	p0 =	sgt.s32 s18, $0xF41FF;
	v51 =	vor.u32 v36, v4;
	v58 =	vmov s1;
	s1 =	simm.s32 $0x1;
	v8 =	vld.idx.msk [tilespmem:v8+s12+$0x0], $0xffff  }
0x14d: {  	v59 =	vsel vm1, s8, v59;
	v55 =	vor.u32 v37, v4;
	v58 =	vsel vm1, s0, v58;
	s1 =	simm.s32 @!p1 $0x0;
	p1 =	sgt.s32 s7, $0xF41FF;
	s0 =	simm.s32 $0x1;
	v57 =	vld.idx.msk [tilespmem:v57+s16+$0x0], $0xffff  }
0x14e: {  	v60 =	vor.u32 v38, v2;
	s5 =	simm.s32 @!p0 $0x0;
	v58 =	vnsel vm2, s3, v58;
	s0 =	simm.s32 @!p1 $0x0;
	v59 =	vnsel vm2, s1, v59;
	v43 =	vld.idx.msk [tilespmem:v43+s12+$0x0], $0xffff  }
0x14f: {  	v1 =	vld.idx.msk [tilespmem:v1+s16+$0x0], $0xffff;
	v58 =	vnsel vm3, s5, v58;
	v59 =	vnsel vm3, s0, v59  }
0x150: {  	v61 =	vor.u32 v38, v4;
	vm4 =	veq.s32 v58, $0x0;
	vm5 =	veq.s32 v59, $0x0;
	v47 =	vld.idx.msk [tilespmem:v47+s12+$0x0], $0xffff  }
0x151: {  	v51 =	vld.idx.msk [tilespmem:v51+s12+$0x0], $0xffff;
	v5 =	vsel vm4, v5, v7;
	v6 =	vsel vm5, v6, v8  }
0x152: {  	v58 =	vor.u32 v39, v2;
	v55 =	vld.idx.msk [tilespmem:v55+s12+$0x0], $0xffff;
	v5 =	vmul.f32 v6, v5  }
0x153: {  	v7 =	vld.idx.msk [tilespmem:v60+s11+$0x0], $0xffff;
	v9 =	vsel vm4, v9, v42;
	v8 =	vor.u32 v39, v4;
	v10 =	vsel vm5, v10, v43  }
0x154: {  	v2 =	vor.u32 v40, v2;
	v42 =	vld.idx.msk [tilespmem:v62+s16+$0x0], $0xffff;
	v9 =	vmul.f32 v10, v9;
	v5 =	vadd.f32 $0.0e+00, v5  }
0x155: {  	v62 =	vsel vm5, v45, v47;
	v4 =	vor.u32 v40, v4;
	v6 =	vld.idx.msk [tilespmem:v61+s12+$0x0], $0xffff;
	v61 =	vsel vm4, v44, v46  }
0x156: {  	v10 =	vld.idx.msk [tilespmem:v63+s16+$0x0], $0xffff;
	v5 =	vadd.f32 v5, v9;
	v9 =	vmul.f32 v62, v61  }
0x157: {  	v59 =	vsel vm5, v49, v51;
	v63 =	vld.idx.msk [tilespmem:v58+s11+$0x0], $0xffff;
	v58 =	vsel vm4, v48, v50  }
0x158: {  	v8 =	vld.idx.msk [tilespmem:v8+s12+$0x0], $0xffff;
	v5 =	vadd.f32 v9, v5;
	v9 =	vmul.f32 v59, v58  }
0x159: {  	v60 =	vsel vm4, v52, v54;
	v2 =	vld.idx.msk [tilespmem:v2+s11+$0x0], $0xffff;
	v61 =	vsel vm5, v53, v55  }
0x15a: {  	v4 =	vld.idx.msk [tilespmem:v4+s12+$0x0], $0xffff;
	v5 =	vadd.f32 v9, v5;
	v9 =	vmul.f32 v61, v60  }
0x15b: {  	v7 =	vsel vm4, v56, v7;
	v6 =	vsel vm5, v57, v6  }
0x15c: {  	v6 =	vmul.f32 v6, v7;
	v5 =	vadd.f32 v9, v5  }
0x15d: {  	v62 =	vsel vm4, v42, v63;
	v8 =	vsel vm5, v10, v8  }
0x15e: {  	v63 =	vmul.f32 v8, v62;
	v5 =	vadd.f32 v6, v5  }
0x15f: {  	v0 =	vsel vm4, v0, v2;
	v1 =	vsel vm5, v1, v4  }
0x160: {  	v0 =	vmul.f32 v1, v0;
	v2 =	vadd.f32 v63, v5;
	_ =	sdelay $0x1  }
0x161: {  	v0 =	vadd.f32 v0, v2;
	_ =	sdelay $0x1  }
0x162: {  	(xrf2) =	vadd.scan.msk.f32 $0xffff, v0;
	_ =	sdelay $0x9  }
0x163: {  	v0, _, _ =	vpop (xrf2)  }
0x164: {  	[tilespmem:$0x11704] =	vst v0  }
0x165: {  	v1 =	vld [tilespmem:$0x11700]  }
0x166: {  	s31 =	sadd.s32 $0x4, s4;
	s4 =	sadd.s32 $0x8, s4  }
0x167: {  	p0 =	sne.s32 s4, $0x200;
	v2 =	vor.u32 s31, v41  }
.Ltmp3:
0x168: {  	_ = 	snop;
	(pc) =	sbr.rel @!p0 .LBB2_5-.Ltmp3, $4  }
0x169: {  	_ = 	snop  }
0x16a: {  	v0 =	vsub.f32 v0, v1  }
0x16b: {  	s3 =	simm.s32 $0x11500  }
0x16c: {  	s14 =	sadd.s32 $0x8, s14;
	s9 =	sadd.s32 $0x8, s9;
	[tilespmem:v2+s3+$0x0] =	vst.idx.msk vm0, v0  }
.LBB2_2:
0x16d: {  	v42 =	vld [tilespmem:s14+$0x0];
	_ =	sdelay $0x4  }
0x16e: {  	v42 =	vshra.s32 v42, $0x7  }
0x16f: {  	(v2sf) =	vpush v42, $0x0;
	_ =	sdelay $0x6  }
0x170: {  	(v2sf) =	vpush v42, $0x1;
	_ =	sdelay $0x6  }
0x171: {  	(v2sf) =	vpush v42, $0x2  }
0x172: {  	s7 =	spop (v2sf)  }
0x173: {  	p0 =	slt.s32 s7, $0x1E83  }
0x174: {  	s7 =	simm.s32 @!p0 $0x1E83  }
0x175: {  	s7 =	sshll.u32 s7, $0x7  }
0x176: {  	s0 =	rddreg [dreg:$0x2];
	s7 =	sand.u32 $0x1FFFFF80, s7  }
0x177: {  	s1 =	simm.s32 $0x8500;
	s7 =	sadd.s32 s0, s7  }
0x178: {  	v43 =	vld [tilespmem:s9+$0x0];
	(v2sf) =	vpush v42, $0x3;
	[tilespmem:s1], [sflag:$0x3] =	stream.strided.gather [hbm4b:s7+s13], $0x1000, s15, s13, $0x38  }
0x179: {  	s7 =	spop (v2sf)  }
0x17a: {  	p0 =	slt.s32 s7, $0x1E83  }
0x17b: {  	s7 =	simm.s32 @!p0 $0x1E83  }
0x17c: {  	s7 =	sshll.u32 s7, $0x7  }
0x17d: {  	s7 =	sand.u32 $0x1FFFFF80, s7  }
0x17e: {  	s19 =	simm.s32 $0x9500;
	v6 =	vshra.s32 v43, $0x7;
	s7 =	sadd.s32 s0, s7  }
0x17f: {  	(v2sf) =	vpush v6, $0x0;
	[tilespmem:s19], [sflag:$0x3] =	stream.strided.gather [hbm4b:s7+s13], $0x1000, s15, s13, $0x38;
	[tilespmem:$0x11780] =	vst v63  }
0x180: {  	s7 =	spop (v2sf)  }
0x181: {  	p0 =	slt.s32 s7, $0x1E83  }
0x182: {  	s7 =	simm.s32 @!p0 $0x1E83  }
0x183: {  	s7 =	sshll.u32 s7, $0x7  }
0x184: {  	s7 =	sand.u32 $0x1FFFFF80, s7  }
0x185: {  	s20 =	simm.s32 $0xA500;
	s7 =	sadd.s32 s0, s7  }
0x186: {  	(v2sf) =	vpush v6, $0x1;
	[tilespmem:s20], [sflag:$0x3] =	stream.strided.gather [hbm4b:s7+s13], $0x1000, s15, s13, $0x38;
	[tilespmem:$0x11780] =	vst v63  }
0x187: {  	s7 =	spop (v2sf)  }
0x188: {  	p0 =	slt.s32 s7, $0x1E83  }
0x189: {  	s7 =	simm.s32 @!p0 $0x1E83  }
0x18a: {  	s7 =	sshll.u32 s7, $0x7  }
0x18b: {  	s7 =	sand.u32 $0x1FFFFF80, s7  }
0x18c: {  	s21 =	simm.s32 $0xB500;
	s7 =	sadd.s32 s0, s7  }
0x18d: {  	(v2sf) =	vpush v6, $0x2;
	[tilespmem:s21], [sflag:$0x3] =	stream.strided.gather [hbm4b:s7+s13], $0x1000, s15, s13, $0x38;
	[tilespmem:$0x11780] =	vst v63  }
0x18e: {  	s7 =	spop (v2sf)  }
0x18f: {  	p0 =	slt.s32 s7, $0x1E83  }
0x190: {  	s7 =	simm.s32 @!p0 $0x1E83  }
0x191: {  	s7 =	sshll.u32 s7, $0x7  }
0x192: {  	s22 =	rddreg [dreg:$0x3];
	s7 =	sand.u32 $0x1FFFFF80, s7  }
0x193: {  	s23 =	simm.s32 $0xC500;
	s7 =	sadd.s32 s22, s7  }
0x194: {  	(v2sf) =	vpush v6, $0x3;
	[tilespmem:s23], [sflag:$0x3] =	stream.strided.gather [hbm4b:s7+s13], $0x1000, s15, s13, $0x38;
	[tilespmem:$0x11780] =	vst v63  }
0x195: {  	s7 =	spop (v2sf)  }
0x196: {  	p0 =	slt.s32 s7, $0x1E83  }
0x197: {  	s7 =	simm.s32 @!p0 $0x1E83  }
0x198: {  	s7 =	sshll.u32 s7, $0x7  }
0x199: {  	s7 =	sand.u32 $0x1FFFFF80, s7  }
0x19a: {  	s24 =	simm.s32 $0xD500;
	s7 =	sadd.s32 s22, s7  }
0x19b: {  	[tilespmem:s24], [sflag:$0x3] =	stream.strided.gather [hbm4b:s7+s13], $0x1000, s15, s13, $0x38;
	[tilespmem:$0x11780] =	vst v63  }
0x19c: {  	s7 =	spop (v2sf)  }
0x19d: {  	p0 =	slt.s32 s7, $0x1E83  }
0x19e: {  	s7 =	simm.s32 @!p0 $0x1E83  }
0x19f: {  	s7 =	sshll.u32 s7, $0x7  }
0x1a0: {  	s7 =	sand.u32 $0x1FFFFF80, s7  }
0x1a1: {  	s25 =	simm.s32 $0xE500;
	s7 =	sadd.s32 s22, s7  }
0x1a2: {  	[tilespmem:s25], [sflag:$0x3] =	stream.strided.gather [hbm4b:s7+s13], $0x1000, s15, s13, $0x38;
	[tilespmem:$0x11780] =	vst v63  }
0x1a3: {  	s7 =	spop (v2sf)  }
0x1a4: {  	p0 =	slt.s32 s7, $0x1E83  }
0x1a5: {  	s7 =	simm.s32 @!p0 $0x1E83  }
0x1a6: {  	s7 =	sshll.u32 s7, $0x7  }
0x1a7: {  	s7 =	sand.u32 $0x1FFFFF80, s7  }
0x1a8: {  	s26 =	simm.s32 $0xF500;
	s7 =	sadd.s32 s22, s7  }
0x1a9: {  	[tilespmem:s26], [sflag:$0x3] =	stream.strided.gather [hbm4b:s7+s13], $0x1000, s15, s13, $0x38;
	[tilespmem:$0x11780] =	vst v63  }
0x1aa: {  	_ =	swait.ge [sflag:s2], $0x1000  }
0x1ab: {  	[sflag:s2] =	ssyncset.done $0x0  }
0x1ac: {  	[sflag:s2] =	ssyncadd.s32 $0xFFFFF000  }
0x1ad: {  	_ =	swait.ge [sflag:s2], $0x1000  }
0x1ae: {  	[sflag:s2] =	ssyncset.done $0x0  }
0x1af: {  	[sflag:s2] =	ssyncadd.s32 $0xFFFFF000  }
0x1b0: {  	_ =	swait.ge [sflag:s2], $0x1000  }
0x1b1: {  	[sflag:s2] =	ssyncset.done $0x0  }
0x1b2: {  	[sflag:s2] =	ssyncadd.s32 $0xFFFFF000  }
0x1b3: {  	_ =	swait.ge [sflag:s2], $0x1000  }
0x1b4: {  	[sflag:s2] =	ssyncset.done $0x0  }
0x1b5: {  	[sflag:s2] =	ssyncadd.s32 $0xFFFFF000  }
0x1b6: {  	_ =	swait.ge [sflag:s2], $0x1000  }
0x1b7: {  	[sflag:s2] =	ssyncset.done $0x0  }
0x1b8: {  	[sflag:s2] =	ssyncadd.s32 $0xFFFFF000  }
0x1b9: {  	_ =	swait.ge [sflag:s2], $0x1000  }
0x1ba: {  	[sflag:s2] =	ssyncset.done $0x0  }
0x1bb: {  	[sflag:s2] =	ssyncadd.s32 $0xFFFFF000  }
0x1bc: {  	_ =	swait.ge [sflag:s2], $0x1000  }
0x1bd: {  	[sflag:s2] =	ssyncset.done $0x0  }
0x1be: {  	[sflag:s2] =	ssyncadd.s32 $0xFFFFF000  }
0x1bf: {  	_ =	swait.ge [sflag:s2], $0x1000  }
0x1c0: {  	[sflag:s2] =	ssyncset.done $0x0  }
0x1c1: {  	[sflag:s2] =	ssyncadd.s32 $0xFFFFF000  }
0x1c2: {  	v7 =	vld [tilespmem:s14+$0xFFFFFFFC];
	_ =	sdelay $0x4  }
0x1c3: {  	v45 =	vld [tilespmem:s9+$0xFFFFFFFC];
	(v2sf) =	vpush v7, $0x0  }
0x1c4: {  	(v2sf) =	vpush v7, $0x1;
	_ =	sdelay $0x1  }
0x1c5: {  	(v2sf) =	vpush v7, $0x2  }
0x1c6: {  	(v2sf) =	vpush v7, $0x3  }
0x1c7: {  	(v2sf) =	vpush v45, $0x0  }
0x1c8: {  	(v2sf) =	vpush v45, $0x1;
	_ =	sdelay $0x1  }
0x1c9: {  	(v2sf) =	vpush v45, $0x2  }
0x1ca: {  	(v2sf) =	vpush v45, $0x3;
	_ =	sdelay $0x5  }
0x1cb: {  	s21 =	spop (v2sf)  }
0x1cc: {  	s20 =	spop (v2sf)  }
0x1cd: {  	v0 =	vld [tilespmem:$0x1FF70];
	s23 =	sand.u32 $0x7F, s20  }
0x1ce: {  	s22 =	sand.u32 $0x7F, s21;
	s19 =	spop (v2sf);
	v46 =	vmov s23  }
0x1cf: {  	s24 =	spop (v2sf);
	s25 =	sand.u32 $0x7F, s19;
	v42 =	vsel vm1, s22, v46  }
0x1d0: {  	s18 =	spop (v2sf);
	s26 =	sand.u32 $0x7F, s24;
	v42 =	vnsel vm2, s25, v42  }
0x1d1: {  	s17 =	spop (v2sf);
	v42 =	vnsel vm3, s26, v42  }
0x1d2: {  	s29 =	sand.u32 $0x7F, s17;
	v46 =	vor.u32 v0, v42;
	v0 =	vld [tilespmem:$0x1FF80]  }
0x1d3: {  	s28 =	sand.u32 $0x7F, s18;
	s8 =	spop (v2sf);
	v47 =	vmov s29  }
0x1d4: {  	s7 =	spop (v2sf);
	s30 =	sand.u32 $0x7F, s8;
	v43 =	vsel vm1, s28, v47  }
0x1d5: {  	s31 =	sand.u32 $0x7F, s7;
	v43 =	vnsel vm2, s30, v43  }
0x1d6: {  	v43 =	vnsel vm3, s31, v43  }
0x1d7: {  	v47 =	vor.u32 v0, v43;
	v0 =	vld [tilespmem:$0x1FF90]  }
0x1d8: {  	s3 =	sadd.s32 $0xFFF0BE00, s21  }
0x1d9: {  	p0 =	sgt.s32 s3, $0x0;
	s5 =	sadd.s32 $0xFFF0BE00, s20  }
0x1da: {  	s3 =	simm.s32 @!p0 $0x0;
	p0 =	sgt.s32 s5, $0x0  }
0x1db: {  	s10 =	sadd.s32 $0xFFF0BE00, s19;
	s5 =	simm.s32 @!p0 $0x0  }
0x1dc: {  	p1 =	sgt.s32 s10, $0x0;
	s0 =	sadd.s32 $0xFFF0BE00, s24;
	s5 =	smin.u32 s5, $0x3F;
	v50 =	vor.u32 v0, v42;
	v0 =	vld [tilespmem:$0x1FFA0]  }
0x1dd: {  	s3 =	smin.u32 s3, $0x3F;
	s10 =	simm.s32 @!p1 $0x0;
	p0 =	sgt.s32 s0, $0x0;
	v44 =	vmov s5  }
0x1de: {  	s10 =	smin.u32 s10, $0x3F;
	s0 =	simm.s32 @!p0 $0x0;
	v44 =	vsel vm1, s3, v44  }
0x1df: {  	s0 =	smin.u32 s0, $0x3F;
	v2 =	vor.u32 v12, v42;
	v44 =	vnsel vm2, s10, v44  }
0x1e0: {  	v9 =	vor.u32 v14, v42;
	v44 =	vnsel vm3, s0, v44  }
0x1e1: {  	v44 =	vshll.u32 v44, $0x5;
	v51 =	vor.u32 v0, v43;
	v0 =	vld [tilespmem:$0x1FFB0]  }
0x1e2: {  	v48 =	vor.u32 v3, v44  }
0x1e3: {  	v52 =	vor.u32 v34, v44;
	v46 =	vld.idx.msk [tilespmem:v46+s16+$0x0], $0xffff  }
0x1e4: {  	s23 =	sadd.s32 $0xFFF0BE00, s18;
	s1 =	sadd.s32 $0xFFF0BE00, s17;
	v56 =	vor.u32 v35, v44;
	v2 =	vld.idx.msk [tilespmem:v2+s16+$0x0], $0xffff  }
0x1e5: {  	p0 =	sgt.s32 s23, $0x0;
	p1 =	sgt.s32 s1, $0x0;
	v60 =	vor.u32 v36, v44;
	v9 =	vld.idx.msk [tilespmem:v9+s16+$0x0], $0xffff  }
0x1e6: {  	s23 =	simm.s32 @!p0 $0x0;
	s22 =	sadd.s32 $0xFFF0BE00, s8;
	s1 =	simm.s32 @!p1 $0x0;
	v54 =	vor.u32 v0, v42;
	v0 =	vld [tilespmem:$0x1FFC0]  }
0x1e7: {  	p0 =	sgt.s32 s22, $0x0;
	s5 =	sadd.s32 $0xFFF0BE00, s7;
	s1 =	smin.u32 s1, $0x3F;
	v63 =	vor.u32 v11, v43;
	v48 =	vld.idx.msk [tilespmem:v48+s11+$0x0], $0xffff  }
0x1e8: {  	s28 =	smin.u32 s23, $0x3F;
	s22 =	simm.s32 @!p0 $0x0;
	p0 =	sgt.s32 s5, $0x0;
	v45 =	vmov s1;
	v4 =	vor.u32 v13, v43;
	v52 =	vld.idx.msk [tilespmem:v52+s11+$0x0], $0xffff  }
0x1e9: {  	s29 =	smin.u32 s22, $0x3F;
	s5 =	simm.s32 @!p0 $0x0;
	v45 =	vsel vm1, s28, v45;
	v7 =	vor.u32 v38, v44;
	v56 =	vld.idx.msk [tilespmem:v56+s11+$0x0], $0xffff  }
0x1ea: {  	s30 =	smin.u32 s5, $0x3F;
	v10 =	vor.u32 v15, v43;
	v45 =	vnsel vm2, s29, v45;
	v60 =	vld.idx.msk [tilespmem:v60+s11+$0x0], $0xffff  }
0x1eb: {  	v45 =	vnsel vm3, s30, v45;
	v55 =	vor.u32 v0, v43;
	v0 =	vld [tilespmem:$0x1FFD0]  }
0x1ec: {  	v45 =	vshll.u32 v45, $0x5;
	v63 =	vld.idx.msk [tilespmem:v63+s16+$0x0], $0xffff  }
0x1ed: {  	v49 =	vor.u32 v3, v45;
	v4 =	vld.idx.msk [tilespmem:v4+s16+$0x0], $0xffff  }
0x1ee: {  	v53 =	vor.u32 v34, v45;
	v7 =	vld.idx.msk [tilespmem:v7+s11+$0x0], $0xffff  }
0x1ef: {  	v57 =	vor.u32 v35, v45;
	v10 =	vld.idx.msk [tilespmem:v10+s16+$0x0], $0xffff  }
0x1f0: {  	v58 =	vor.u32 v0, v42;
	v0 =	vld [tilespmem:$0x1FFE0]  }
0x1f1: {  	v61 =	vor.u32 v36, v45;
	v47 =	vld.idx.msk [tilespmem:v47+s16+$0x0], $0xffff  }
0x1f2: {  	s3 =	simm.s32 $0x1;
	v1 =	vor.u32 v37, v45;
	v49 =	vld.idx.msk [tilespmem:v49+s12+$0x0], $0xffff  }
0x1f3: {  	p2 =	sgt.s32 s8, $0xF41FF;
	s8 =	simm.s32 $0x1;
	p1 =	sgt.s32 s19, $0xF41FF;
	v8 =	vor.u32 v38, v45;
	v53 =	vld.idx.msk [tilespmem:v53+s12+$0x0], $0xffff  }
0x1f4: {  	s10 =	simm.s32 $0x1;
	s0 =	simm.s32 $0x1;
	p0 =	sgt.s32 s21, $0xF41FF;
	v57 =	vld.idx.msk [tilespmem:v57+s12+$0x0], $0xffff  }
0x1f5: {  	s1 =	simm.s32 $0x1;
	s0 =	simm.s32 @!p0 $0x0;
	p0 =	sgt.s32 s20, $0xF41FF;
	v59 =	vor.u32 v0, v43;
	v0 =	vld [tilespmem:$0x1FFF0]  }
0x1f6: {  	s3 =	simm.s32 @!p1 $0x0;
	s1 =	simm.s32 @!p0 $0x0;
	p0 =	sgt.s32 s17, $0xF41FF;
	v61 =	vld.idx.msk [tilespmem:v61+s12+$0x0], $0xffff  }
0x1f7: {  	p1 =	sgt.s32 s18, $0xF41FF;
	s5 =	simm.s32 $0x1;
	s10 =	simm.s32 @!p0 $0x0;
	v1 =	vld.idx.msk [tilespmem:v1+s12+$0x0], $0xffff  }
0x1f8: {  	s8 =	simm.s32 @!p2 $0x0;
	s5 =	simm.s32 @!p1 $0x0;
	p1 =	sgt.s32 s7, $0xF41FF;
	v5 =	vmov s1;
	v6 =	vmov s10;
	v8 =	vld.idx.msk [tilespmem:v8+s12+$0x0], $0xffff  }
0x1f9: {  	p0 =	sgt.s32 s24, $0xF41FF;
	s1 =	simm.s32 $0x1;
	v5 =	vsel vm1, s0, v5;
	s0 =	simm.s32 $0x1;
	v6 =	vsel vm1, s5, v6;
	v50 =	vld.idx.msk [tilespmem:v50+s16+$0x0], $0xffff  }
0x1fa: {  	s1 =	simm.s32 @!p1 $0x0;
	v5 =	vnsel vm2, s3, v5;
	s0 =	simm.s32 @!p0 $0x0;
	v6 =	vnsel vm2, s8, v6;
	v51 =	vld.idx.msk [tilespmem:v51+s16+$0x0], $0xffff;
	v62 =	vor.u32 v0, v42  }
0x1fb: {  	v5 =	vnsel vm3, s0, v5;
	v6 =	vnsel vm3, s1, v6;
	v54 =	vld.idx.msk [tilespmem:v54+s16+$0x0], $0xffff;
	v0 =	vor.u32 v37, v44  }
0x1fc: {  	vm4 =	veq.s32 v5, $0x0;
	v5 =	vor.u32 v39, v44;
	vm5 =	veq.s32 v6, $0x0;
	v55 =	vld.idx.msk [tilespmem:v55+s16+$0x0], $0xffff  }
0x1fd: {  	v48 =	vsel vm4, v46, v48;
	v49 =	vsel vm5, v47, v49;
	v47 =	vor.u32 v39, v45;
	v58 =	vld.idx.msk [tilespmem:v58+s16+$0x0], $0xffff  }
0x1fe: {  	v6 =	vmul.f32 v49, v48;
	v43 =	vor.u32 v17, v43;
	v59 =	vld.idx.msk [tilespmem:v59+s16+$0x0], $0xffff  }
0x1ff: {  	v52 =	vsel vm4, v50, v52;
	v53 =	vsel vm5, v51, v53;
	v42 =	vor.u32 v16, v42;
	v62 =	vld.idx.msk [tilespmem:v62+s16+$0x0], $0xffff  }
0x200: {  	v6 =	vadd.f32 $0.0e+00, v6;
	v46 =	vmul.f32 v53, v52;
	v44 =	vor.u32 v40, v44;
	v0 =	vld.idx.msk [tilespmem:v0+s11+$0x0], $0xffff  }
0x201: {  	v5 =	vld.idx.msk [tilespmem:v5+s11+$0x0], $0xffff;
	v45 =	vor.u32 v40, v45;
	v54 =	vsel vm4, v54, v56;
	v56 =	vsel vm5, v55, v57  }
0x202: {  	v47 =	vld.idx.msk [tilespmem:v47+s12+$0x0], $0xffff;
	v6 =	vadd.f32 v6, v46;
	v57 =	vmul.f32 v56, v54  }
0x203: {  	v58 =	vsel vm4, v58, v60;
	v43 =	vld.idx.msk [tilespmem:v43+s16+$0x0], $0xffff;
	v60 =	vsel vm5, v59, v61  }
0x204: {  	v6 =	vadd.f32 v57, v6;
	v42 =	vld.idx.msk [tilespmem:v42+s16+$0x0], $0xffff;
	v61 =	vmul.f32 v60, v58  }
0x205: {  	v1 =	vsel vm5, v63, v1;
	v44 =	vld.idx.msk [tilespmem:v44+s11+$0x0], $0xffff;
	v0 =	vsel vm4, v62, v0  }
0x206: {  	v6 =	vadd.f32 v61, v6;
	v0 =	vmul.f32 v1, v0;
	v1 =	vld.idx.msk [tilespmem:v45+s12+$0x0], $0xffff  }
0x207: {  	v2 =	vsel vm4, v2, v7;
	v4 =	vsel vm5, v4, v8  }
0x208: {  	v2 =	vmul.f32 v4, v2;
	v0 =	vadd.f32 v0, v6  }
0x209: {  	v4 =	vsel vm4, v9, v5;
	v5 =	vsel vm5, v10, v47  }
0x20a: {  	v0 =	vadd.f32 v2, v0;
	v2 =	vmul.f32 v5, v4  }
0x20b: {  	v4 =	vsel vm4, v42, v44;
	v1 =	vsel vm5, v43, v1  }
0x20c: {  	v0 =	vadd.f32 v2, v0;
	v1 =	vmul.f32 v1, v4;
	_ =	sdelay $0x1  }
0x20d: {  	v0 =	vadd.f32 v1, v0;
	_ =	sdelay $0x1  }
0x20e: {  	(xrf2) =	vadd.scan.msk.f32 $0xffff, v0;
	_ =	sdelay $0x9  }
0x20f: {  	v0, _, _ =	vpop (xrf2)  }
0x210: {  	[tilespmem:$0x11704] =	vst v0  }
0x211: {  	v1 =	vld [tilespmem:$0x11700];
	_ =	sdelay $0x1  }
0x212: {  	p0 =	seq.s32 s4, $0x1F8;
	v2 =	vor.u32 s4, v41  }
.Ltmp4:
0x213: {  	_ = 	snop;
	(pc) =	sbr.rel @p0 .LBB2_4-.Ltmp4, $4  }
0x214: {  	_ = 	snop  }
0x215: {  	v0 =	vsub.f32 v0, v1  }
0x216: {  	s31 =	simm.s32 $0x11500  }
0x217: {  	[tilespmem:v2+s31+$0x0] =	vst.idx.msk vm0, v0  }
0x218: {  	v0 =	vld [tilespmem:s14+$0x4];
	_ =	sdelay $0x4  }
0x219: {  	v0 =	vshra.s32 v0, $0x7  }
0x21a: {  	(v2sf) =	vpush v0, $0x0;
	_ =	sdelay $0x6  }
0x21b: {  	(v2sf) =	vpush v0, $0x1;
	_ =	sdelay $0x6  }
0x21c: {  	(v2sf) =	vpush v0, $0x2  }
0x21d: {  	s0 =	spop (v2sf)  }
0x21e: {  	p0 =	slt.s32 s0, $0x1E83  }
0x21f: {  	s0 =	simm.s32 @!p0 $0x1E83  }
0x220: {  	s0 =	sshll.u32 s0, $0x7  }
0x221: {  	s1 =	rddreg [dreg:$0x2];
	s0 =	sand.u32 $0x1FFFFF80, s0  }
0x222: {  	s0 =	sadd.s32 s1, s0  }
0x223: {  	v1 =	vld [tilespmem:s9+$0x4];
	(v2sf) =	vpush v0, $0x3;
	[tilespmem:s16], [sflag:$0x2] =	stream.strided.gather [hbm4b:s0+s13], $0x1000, s15, s13, $0x38  }
0x224: {  	s0 =	spop (v2sf)  }
0x225: {  	p0 =	slt.s32 s0, $0x1E83  }
0x226: {  	s0 =	simm.s32 @!p0 $0x1E83  }
0x227: {  	s0 =	sshll.u32 s0, $0x7  }
0x228: {  	s0 =	sand.u32 $0x1FFFFF80, s0  }
0x229: {  	s3 =	simm.s32 $0x1500;
	v0 =	vshra.s32 v1, $0x7;
	s0 =	sadd.s32 s1, s0  }
0x22a: {  	(v2sf) =	vpush v0, $0x0;
	[tilespmem:s3], [sflag:$0x2] =	stream.strided.gather [hbm4b:s0+s13], $0x1000, s15, s13, $0x38;
	[tilespmem:$0x11780] =	vst v63  }
0x22b: {  	s0 =	spop (v2sf)  }
0x22c: {  	p0 =	slt.s32 s0, $0x1E83  }
0x22d: {  	s0 =	simm.s32 @!p0 $0x1E83  }
0x22e: {  	s0 =	sshll.u32 s0, $0x7  }
0x22f: {  	s0 =	sand.u32 $0x1FFFFF80, s0  }
0x230: {  	s24 =	simm.s32 $0x2500;
	s0 =	sadd.s32 s1, s0  }
0x231: {  	(v2sf) =	vpush v0, $0x1;
	[tilespmem:s24], [sflag:$0x2] =	stream.strided.gather [hbm4b:s0+s13], $0x1000, s15, s13, $0x38;
	[tilespmem:$0x11780] =	vst v63  }
0x232: {  	s0 =	spop (v2sf)  }
0x233: {  	p0 =	slt.s32 s0, $0x1E83  }
0x234: {  	s0 =	simm.s32 @!p0 $0x1E83  }
0x235: {  	s0 =	sshll.u32 s0, $0x7  }
0x236: {  	s0 =	sand.u32 $0x1FFFFF80, s0  }
0x237: {  	s25 =	simm.s32 $0x3500;
	s0 =	sadd.s32 s1, s0  }
0x238: {  	(v2sf) =	vpush v0, $0x2;
	[tilespmem:s25], [sflag:$0x2] =	stream.strided.gather [hbm4b:s0+s13], $0x1000, s15, s13, $0x38;
	[tilespmem:$0x11780] =	vst v63  }
0x239: {  	s0 =	spop (v2sf)  }
0x23a: {  	p0 =	slt.s32 s0, $0x1E83  }
0x23b: {  	s0 =	simm.s32 @!p0 $0x1E83  }
0x23c: {  	s0 =	sshll.u32 s0, $0x7  }
0x23d: {  	s26 =	rddreg [dreg:$0x3];
	s0 =	sand.u32 $0x1FFFFF80, s0  }
0x23e: {  	s28 =	simm.s32 $0x4500;
	s0 =	sadd.s32 s26, s0  }
0x23f: {  	(v2sf) =	vpush v0, $0x3;
	[tilespmem:s28], [sflag:$0x2] =	stream.strided.gather [hbm4b:s0+s13], $0x1000, s15, s13, $0x38;
	[tilespmem:$0x11780] =	vst v63  }
0x240: {  	s0 =	spop (v2sf)  }
0x241: {  	p0 =	slt.s32 s0, $0x1E83  }
0x242: {  	s0 =	simm.s32 @!p0 $0x1E83  }
0x243: {  	s0 =	sshll.u32 s0, $0x7  }
0x244: {  	s0 =	sand.u32 $0x1FFFFF80, s0  }
0x245: {  	s29 =	simm.s32 $0x5500;
	s0 =	sadd.s32 s26, s0  }
0x246: {  	[tilespmem:s29], [sflag:$0x2] =	stream.strided.gather [hbm4b:s0+s13], $0x1000, s15, s13, $0x38;
	[tilespmem:$0x11780] =	vst v63  }
0x247: {  	s0 =	spop (v2sf)  }
0x248: {  	p0 =	slt.s32 s0, $0x1E83  }
0x249: {  	s0 =	simm.s32 @!p0 $0x1E83  }
0x24a: {  	s0 =	sshll.u32 s0, $0x7  }
0x24b: {  	s0 =	sand.u32 $0x1FFFFF80, s0  }
0x24c: {  	s30 =	simm.s32 $0x6500;
	s0 =	sadd.s32 s26, s0  }
0x24d: {  	[tilespmem:s30], [sflag:$0x2] =	stream.strided.gather [hbm4b:s0+s13], $0x1000, s15, s13, $0x38;
	[tilespmem:$0x11780] =	vst v63  }
0x24e: {  	s0 =	spop (v2sf)  }
0x24f: {  	p0 =	slt.s32 s0, $0x1E83  }
.Ltmp5:
0x250: {  	s0 =	simm.s32 @!p0 $0x1E83;
	(pc) =	sbr.rel .LBB2_4-.Ltmp5, $4  }
0x251: {  	s0 =	sshll.u32 s0, $0x7  }
0x252: {  	s0 =	sand.u32 $0x1FFFFF80, s0  }
0x253: {  	s31 =	simm.s32 $0x7500;
	s0 =	sadd.s32 s26, s0  }
0x254: {  	[tilespmem:s31], [sflag:$0x2] =	stream.strided.gather [hbm4b:s0+s13], $0x1000, s15, s13, $0x38;
	[tilespmem:$0x11780] =	vst v63  }
.LBB2_6:
0x255: {  	_ =	sfence.sel $0x180000  }
0x256: {  	[bflag:$0x0] =	sbarrier.arrive $0xFFFF  }
0x257: {  	_ =	strace $0x90000047  }
0x258: {  	s0 =	stileid.u32;
	[bflag:$0x2] =	sbarrier.arrive $0xFFFF  }
0x259: {  	p0 =	sne.s32 s0, $0x0;
	s0 =	rddreg [dreg:$0x6]  }
0x25a: {  	s0 =	sadd.s32 @!p0 $0x100000, s0  }
0x25b: {  	[sflag:s0] =	ssyncadd.tile.s32 @!p0 $0x1;
	_ =	shalt  }
.Lfunc_end2:
_tile_overlayer_lowered:
.L_overlay_start_2:
0x25c: {  	(tag) =	ssettag $0x2  }
0x25d: {  	s0 =	rddreg [dreg:$0x0];
	s2 =	stileid.u32  }
0x25e: {  	s1 =	rddreg [dreg:$0x1];
	p0 =	sne.s32 s2, $0x0  }
0x25f: {  	s3 =	rddreg [dreg:$0x2];
	[bflag:$0x3] =	sbarrier.arrive $0xFFFF;
	s2 =	simm.s32 @!p0 $0x1C04  }
0x260: {  	[timem:s3], [sflag:s2] =	dma.local @!p0 [hbm:s0], s1  }
0x261: {  	s0 =	simm.s32 @!p0 $0x4  }
0x262: {  	_ =	swait.ge @!p0 [sflag:s0], s1  }
0x263: {  	s1 =	ssub.s32 @!p0 $0x0, s1;
	[sflag:s0] =	ssyncset.done @!p0 $0x0  }
0x264: {  	[sflag:s0] =	ssyncadd.s32 @!p0 s1  }
0x265: {  	[bflag:$0x3] =	sbarrier.arrive $0xFFFF  }
0x266: {  	_ =	shalt  }

// kernel: kernel.7.cloned.1.call-start
scs
__scs_entry_jumppad:
0x0: {  	(pc) =	sbr.rel $0x88, $3  }
0x1: {  	(tag) =	ssettag $0x0;
	lr =	simm.s32 $0x1  }
0x2: {  	[smem:$0x3F9B] =	sst lr;
	_ =	strace $0xD0000000  }
0x3: {  	_ = 	snop  }
0x4: {  	_ = 	snop  }
0x5: {  	_ = 	snop  }
0x6: {  	_ = 	snop  }
0x7: {  	_ = 	snop  }
__scs_overlays_trampoline_lowered:
0x8: {  	[smem:$0x3FAA] =	sst s0  }
0x9: {  	[smem:$0x3FAB] =	sst s1  }
0xa: {  	[smem:$0x3FAC] =	sst s2  }
0xb: {  	[smem:$0x3FAD] =	sst s3  }
0xc: {  	[smem:$0x3FAE] =	sst s4  }
0xd: {  	[smem:$0x3FAF] =	sst s5  }
0xe: {  	[smem:$0x3FB0] =	sst s6  }
0xf: {  	[smem:$0x3FB1] =	sst s7  }
0x10: {  	[smem:$0x3FB2] =	sst s8  }
0x11: {  	[smem:$0x3FB3] =	sst s9;
	s0 =	simm.s32 @!p0 $0x0  }
0x12: {  	s1 =	sld [smem:$0x3F99];
	s0 =	simm.s32 @p0 $0x1  }
0x13: {  	[smem:$0x3FB4] =	sst s0;
	s0 =	simm.s32 @!p1 $0x0  }
0x14: {  	s2 =	sld [smem:$0x3F98];
	s0 =	simm.s32 @p1 $0x1  }
0x15: {  	[smem:$0x3FB5] =	sst s0;
	s0 =	simm.s32 @!p2 $0x0  }
0x16: {  	s3 =	sld [smem:$0x3FDB];
	s0 =	simm.s32 @p2 $0x1  }
0x17: {  	s4 =	simm.s32 $0x1BF5;
	[smem:$0x3FB7] =	sst s0  }
0x18: {  	s0 =	sld [smem:$0x3F9A];
	_ =	swait.ge [sflag:s4], $0x0  }
0x19: {  	s7 =	sld [smem:$0x3F9B]  }
0x1a: {  	s8 =	sadd.s32 $0xFFFFE003, lr  }
0x1b: {  	s9 =	sadd.s32 $0xFFFFFEF7, lr;
	s5 =	simm.s32 $0xFFFFFFFF;
	p2 =	slt.u32 s8, $0xFFFFF086  }
0x1c: {  	p1 =	slt.u32 s9, $0xF7A;
	s5 =	simm.s32 @!p2 $0x0  }
0x1d: {  	s5 =	simm.s32 @p1 $0x1;
	p0 =	seq.s32 s7, s2  }
0x1e: {  	s7 =	smul.u32 @!p0 $0xF7A, s2;
	p2 =	seq.s32 @!p0 s5, $0x0  }
0x1f: {  	s9 =	smul.u32 $0xF7A, s1;
	s8 =	simm.s32 @!p0 $0x1BF5;
	p2 =	por !p2, p0  }
0x20: {  	[sflag:s8] =	ssyncset.s32 @!p0 $0xFFFFF086;
	s6 =	sadd.s32 @!p0 s3, s7;
	s7 =	simm.s32 @!p0 $0x108  }
0x21: {  	s3 =	sadd.s32 s3, s9;
	s6 =	sadd.s32 @!p0 $0x88, s6;
	s7 =	simm.s32 @p2 $0x1082  }
0x22: {  	[simem:s7], [sflag:s8] =	dma.local @!p0 [hbm:s6], $0xF7A  }
0x23: {  	s9 =	sor.u32 $0xD0000000, s2;
	s6 =	simm.s32 $0x108;
	_ =	swait.ge @!p0 [sflag:s8], $0x0  }
0x24: {  	s3 =	sadd.s32 $0x88, s3;
	s6 =	simm.s32 @!p1 $0x1082;
	[sflag:s4] =	ssyncset.s32 $0xFFFFF086  }
0x25: {  	[simem:s6], [sflag:s4] =	dma.local [hbm:s3], $0xF7A  }
0x26: {  	[smem:$0x3F9B] =	sst s1;
	(tag) =	ssettag s2;
	_ =	strace s9  }
0x27: {  	s1 =	sld [smem:$0x3FAB]  }
0x28: {  	s2 =	sld [smem:$0x3FAC]  }
0x29: {  	s4 =	sld [smem:$0x3FAE]  }
0x2a: {  	p0 =	seq.s32 s5, $0x0;
	s5 =	sld [smem:$0x3FAF]  }
0x2b: {  	s6 =	sld [smem:$0x3FB0]  }
0x2c: {  	s7 =	sld [smem:$0x3FB1]  }
0x2d: {  	s3 =	simm.s32 $0x108;
	s8 =	sld [smem:$0x3FB2]  }
0x2e: {  	s3 =	simm.s32 @!p0 $0x1082;
	s9 =	sld [smem:$0x3FB3]  }
0x2f: {  	lr =	sadd.s32 s0, s3;
	s0 =	sld [smem:$0x3FAA]  }
0x30: {  	s3 =	sld [smem:$0x3FAD]  }
0x31: {  	[smem:$0x3FB6] =	sst s10  }
0x32: {  	s10 =	sld [smem:$0x3FB4];
	_ =	sdelay $0x3  }
0x33: {  	p0 =	seq.s32 s10, $0x1;
	s10 =	sld [smem:$0x3FB6];
	_ =	sdelay $0x3  }
0x34: {  	[smem:$0x3FB6] =	sst s10  }
0x35: {  	s10 =	sld [smem:$0x3FB5];
	_ =	sdelay $0x3  }
0x36: {  	p1 =	seq.s32 s10, $0x1;
	s10 =	sld [smem:$0x3FB6];
	_ =	sdelay $0x3  }
0x37: {  	[smem:$0x3FB6] =	sst s10  }
0x38: {  	s10 =	sld [smem:$0x3FB7]  }
0x39: {  	_ = 	snop;
	(pc) =	sbr.ind lr, $3  }
0x3a: {  	_ = 	snop  }
0x3b: {  	_ = 	snop  }
0x3c: {  	p2 =	seq.s32 s10, $0x1;
	s10 =	sld [smem:$0x3FB6]  }
0x3d: {  	_ =	shalt  }
0x3e: {  	_ =	shalt  }
0x3f: {  	_ =	shalt  }
0x40: {  	_ =	shalt  }
0x41: {  	_ =	shalt  }
0x42: {  	_ =	shalt  }
0x43: {  	_ =	shalt  }
0x44: {  	_ =	shalt  }
0x45: {  	_ =	shalt  }
0x46: {  	_ =	shalt  }
0x47: {  	_ =	shalt  }
0x48: {  	_ =	shalt  }
0x49: {  	_ =	shalt  }
0x4a: {  	_ =	shalt  }
0x4b: {  	_ =	shalt  }
0x4c: {  	_ =	shalt  }
0x4d: {  	_ =	shalt  }
0x4e: {  	_ =	shalt  }
0x4f: {  	_ =	shalt  }
0x50: {  	_ =	shalt  }
0x51: {  	_ =	shalt  }
0x52: {  	_ =	shalt  }
0x53: {  	_ =	shalt  }
0x54: {  	_ =	shalt  }
0x55: {  	_ =	shalt  }
0x56: {  	_ =	shalt  }
0x57: {  	_ =	shalt  }
0x58: {  	_ =	shalt  }
0x59: {  	_ =	shalt  }
0x5a: {  	_ =	shalt  }
0x5b: {  	_ =	shalt  }
0x5c: {  	_ =	shalt  }
0x5d: {  	_ =	shalt  }
0x5e: {  	_ =	shalt  }
0x5f: {  	_ =	shalt  }
0x60: {  	_ =	shalt  }
0x61: {  	_ =	shalt  }
0x62: {  	_ =	shalt  }
0x63: {  	_ =	shalt  }
0x64: {  	_ =	shalt  }
0x65: {  	_ =	shalt  }
0x66: {  	_ =	shalt  }
0x67: {  	_ =	shalt  }
0x68: {  	_ =	shalt  }
0x69: {  	_ =	shalt  }
0x6a: {  	_ =	shalt  }
0x6b: {  	_ =	shalt  }
0x6c: {  	_ =	shalt  }
0x6d: {  	_ =	shalt  }
0x6e: {  	_ =	shalt  }
0x6f: {  	_ =	shalt  }
0x70: {  	_ =	shalt  }
0x71: {  	_ =	shalt  }
0x72: {  	_ =	shalt  }
0x73: {  	_ =	shalt  }
0x74: {  	_ =	shalt  }
0x75: {  	_ =	shalt  }
0x76: {  	_ =	shalt  }
0x77: {  	_ =	shalt  }
0x78: {  	_ =	shalt  }
0x79: {  	_ =	shalt  }
0x7a: {  	_ =	shalt  }
0x7b: {  	_ =	shalt  }
0x7c: {  	_ =	shalt  }
0x7d: {  	_ =	shalt  }
0x7e: {  	_ =	shalt  }
0x7f: {  	_ =	shalt  }
0x80: {  	_ =	shalt  }
0x81: {  	_ =	shalt  }
0x82: {  	_ =	shalt  }
0x83: {  	_ =	shalt  }
0x84: {  	_ =	shalt  }
0x85: {  	_ =	shalt  }
0x86: {  	_ =	shalt  }
0x87: {  	_ =	shalt  }
.Lfunc_end0:
.L_simem_size_0:
called_computation.1_lowered:
.L_overlay_start_0:
0x88: {  	s2 =	sld [smem:$0x3FD9]  }
0x89: {  	s3 =	sld [smem:$0x3FFE];
	_ =	sdelay $0x1  }
0x8a: {  	s1 =	srdreg.scid  }
0x8b: {  	s0 =	sand.u32 $0x1, s1  }
0x8c: {  	s17 =	sshll.u32 s0, $0xA;
	s2 =	sadd.s32 s3, s2  }
0x8d: {  	s2 =	sadd.s32 s2, s17  }
0x8e: {  	[smem:$0x3FC2] =	sst s2  }
0x8f: {  	_ = 	snop  }
0x90: {  	s2 =	sld [smem:$0x3FC9]  }
0x91: {  	s18 =	sld [smem:$0x3FC8]  }
0x92: {  	s4 =	sld [smem:$0x3FD0];
	(tm) =	ssettm $0x1  }
0x93: {  	s5 =	sld [smem:$0x3FFB];
	_ =	sdelay $0x3  }
0x94: {  	_ =	strace s5  }
0x95: {  	s5 =	sld [smem:$0x3FFC];
	_ =	sdelay $0x3  }
0x96: {  	_ =	strace s5  }
0x97: {  	s5 =	sld [smem:$0x3FFD];
	_ =	sdelay $0x3  }
0x98: {  	_ =	strace s5  }
0x99: {  	_ =	strace $0x8FFFFFFF  }
0x9a: {  	s19 =	sld [smem:$0x3FDB];
	_ =	sdelay $0x1  }
0x9b: {  	s6 =	simm.s32 $_scs_section_size  }
0x9c: {  	s7 =	simm.s32 $_size__tile_overlayer_lowered;
	s8 =	simm.s32 $_tile_overlayer_lowered  }
0x9d: {  	s22 =	simm.s32 $0x1BFF;
	s21 =	sshll.u32 s8, $0x1;
	s5 =	sadd.s32 s6, s19  }
0x9e: {  	s9 =	simm.s32 $0x0;
	s20 =	sshll.u32 s7, $0x1;
	s7 =	sadd.s32 s21, s5  }
0x9f: {  	[timem:s9], [sflag:s22] =	dma.local [hbm:s7], s20  }
0xa0: {  	_ =	swait.ge [sflag:s22], s20  }
0xa1: {  	s6 =	ssub.s32 $0x0, s20;
	[sflag:s22] =	ssyncset.done $0x0  }
0xa2: {  	[sflag:s22] =	ssyncadd.s32 s6;
	_ =	sdelay $0x1  }
0xa3: {  	s23 =	simm.s32 $0x1B8B  }
0xa4: {  	_ =	swait.ge [sflag:s23], $0x1  }
0xa5: {  	[sflag:s23] =	ssyncset.done $0x0  }
0xa6: {  	s25 =	simm.s32 $0x1B8E;
	s24 =	sld [smem:$0x3FFE];
	[sflag:s23] =	ssyncadd.s32 $0xFFFFFFFF  }
0xa7: {  	s26 =	simm.s32 $execute0_lowered;
	[smem:$0x3FD2] =	sst s25  }
0xa8: {  	s7 =	sshll.u32 s26, $0x1;
	_ =	strace $0x80000049;
	[dreg:$0x1] =	wrdreg $0xFFFFFFFF  }
0xa9: {  	s28 =	simm.s32 $_size_execute0_lowered;
	s5 =	sadd.s32 s5, s7;
	[dreg:$0x0] =	wrdreg $0x0  }
0xaa: {  	s7 =	sshll.u32 s28, $0x1;
	[dreg:$0x2] =	wrdreg s5  }
0xab: {  	[dreg:$0x3] =	wrdreg s7  }
0xac: {  	[dreg:$0x4] =	wrdreg $0xC0  }
0xad: {  	_ =	task [dreg:s9], $0x5FFFF  }
0xae: {  	[dreg:$0x1] =	wrdreg $0xFFFFFFFF  }
0xaf: {  	[dreg:$0x0] =	wrdreg $0x60  }
0xb0: {  	[dreg:$0x2] =	wrdreg s24  }
0xb1: {  	[dreg:$0x3] =	wrdreg s2  }
0xb2: {  	[dreg:$0x4] =	wrdreg s18  }
0xb3: {  	[dreg:$0x5] =	wrdreg s4  }
0xb4: {  	[dreg:$0x6] =	wrdreg $0x9  }
0xb5: {  	_ =	task.clear_ibuf [dreg:s9], $0x7FFFF;
	_ =	strace $0x90000049  }
0xb6: {  	s29 =	simm.s32 $0x9;
	_ =	strace $0x8000004B  }
0xb7: {  	_ =	swait.ge [sflag:s29], $0x1  }
0xb8: {  	[sflag:s29] =	ssyncadd.s32 $0xFFFFFFFF  }
0xb9: {  	_ =	strace $0x9000004B  }
0xba: {  	_ =	sfence  }
0xbb: {  	s30 =	sld [smem:$0x0];
	_ =	sdelay $0x2  }
0xbc: {  	s31 =	sshll.u32 s1, $0xD;
	s1 =	sshrl.u32 s1, $0x2  }
0xbd: {  	s3 =	sand.u32 $0x4000, s31;
	s1 =	sadd.s32 s1, s30  }
0xbe: {  	s0 =	sor.u32 s3, s0;
	s1 =	sshll.u32 s1, $0x11  }
0xbf: {  	s0 =	sor.u32 s1, s0  }
0xc0: {  	s0 =	sadd.s32 $0x8F2B, s0  }
0xc1: {  	[sflag:s0] =	ssyncadd.remote.s32 $0x1  }
0xc2: {  	_ =	sfence.sel $0xFFFF  }
0xc3: {  	[dreg:$0x0] =	wrdreg $0xFFFFFFFF;
	(pc) =	sbr.abs _section_cstart, $3  }
0xc4: {  	[dreg:$0x1] =	wrdreg $0xFFFFFFFF  }
0xc5: {  	_ =	task.clear_ibuf [dreg:s9], $0x2FFFF;
	_ =	strace $0x9FFFFFFF  }
0xc6: {  	(tm) =	ssettm $0x7FFFFFFF  }
0xc7: {  	_ =	shalt  }
tec
execute0_lowered:
.L_overlay_start_1:
0x0: {  	(tag) =	ssettag $0x1  }
0x1: {  	s4 =	rddreg [dreg:$0x0]  }
0x2: {  	s5 =	rddreg [dreg:$0x1]  }
0x3: {  	s6 =	rddreg [dreg:$0x2]  }
0x4: {  	s8 =	rddreg [dreg:$0x3]  }
0x5: {  	s0 =	rddreg [dreg:$0x4];
	s3 =	srdreg.scid  }
0x6: {  	s2 =	simm.s32 $0x0;
	s1 =	stileid.u32;
	s12 =	simm.s32 $0x600  }
0x7: {  	s13 =	simm.s32 $0x800;
	s14 =	simm.s32 $0x400;
	s15 =	simm.s32 $0x1  }
0x8: {  	s16 =	simm.s32 $0xA00;
	s17 =	simm.s32 $0x0;
	s3 =	sand.u32 $0x1, s3  }
0x9: {  	[smem:$0x7FF] =	sst s2;
	s7 =	sshll.u32 s1, $0x7;
	s9 =	sshll.u32 s3, $0x6  }
0xa: {  	_ =	strace $0x8000004A;
	s31 =	ssub.s32 $0x2, s3;
	s9 =	sor.u32 s9, s7  }
0xb: {  	s3 =	sadd.s32 $0xC00, s4;
	s11 =	sshrl.u32 s31, $0x1;
	s10 =	sadd.s32 s9, s4  }
0xc: {  	s4 =	sadd.s32 $0x1F600, s4;
	s11 =	ssub.s32 s31, s11;
	s5 =	sadd.s32 s5, s9  }
0xd: {  	s6 =	sadd.s32 s6, s9;
	s8 =	sadd.s32 s8, s9;
	s7 =	sadd.s32 $0x400, s10  }
0xe: {  	s9 =	smax.u32 s11, $0x1;
	s10 =	simm.s32 $0x2;
	s11 =	simm.s32 $0x200  }
.LBB2_1:
0xf: {  	[tilespmem:s2], [sflag:$0x2] =	stream.linear.gather [hbm4b:s5+s2], $0x200, $0x38;
	[tilespmem:$0xC00] =	vst v63  }
0x10: {  	_ =	swait.ge [sflag:s10], $0x200  }
0x11: {  	[sflag:s10] =	ssyncset.done $0x0  }
0x12: {  	[sflag:s10] =	ssyncadd.s32 $0xFFFFFE00  }
0x13: {  	[tilespmem:s11], [sflag:$0x2] =	stream.linear.gather [hbm4b:s6+s2], $0x200, $0x38;
	[tilespmem:$0xC00] =	vst v63  }
0x14: {  	_ =	swait.ge [sflag:s10], $0x200  }
0x15: {  	[sflag:s10] =	ssyncset.done $0x0  }
0x16: {  	[sflag:s10] =	ssyncadd.s32 $0xFFFFFE00  }
0x17: {  	[tilespmem:s12], [sflag:$0x1] =	stream.indirect.gather [hbm4b:s3+s11], $0x1, s2, s11, $0xb8;
	[tilespmem:$0xC00] =	vst v63  }
0x18: {  	_ = 	snop  }
0x19: {  	[tilespmem:s13], [sflag:$0x1] =	stream.indirect.gather [hbm4b:s4+s11], $0x1, s11, s11, $0xb8;
	[tilespmem:$0xC00] =	vst v63  }
0x1a: {  	_ = 	snop  }
0x1b: {  	[tilespmem:s14], [sflag:$0x1] =	stream.linear.gather [hbm4b:s7+s2], $0x200, $0x38;
	[tilespmem:$0xC00] =	vst v63  }
0x1c: {  	_ =	swait.ge [sflag:s15], $0x200  }
0x1d: {  	[sflag:s15] =	ssyncset.done $0x0  }
0x1e: {  	[sflag:s15] =	ssyncadd.s32 $0xFFFFFE00  }
0x1f: {  	_ =	swait.ge [sflag:s15], $0x200  }
0x20: {  	[sflag:s15] =	ssyncset.done $0x0  }
0x21: {  	[sflag:s15] =	ssyncadd.s32 $0xFFFFFE00  }
0x22: {  	_ =	swait.ge [sflag:s15], $0x200  }
0x23: {  	[sflag:s15] =	ssyncset.done $0x0  }
0x24: {  	s18 =	simm.s32 $0x0;
	[sflag:s15] =	ssyncadd.s32 $0xFFFFFE00  }
0x25: {  	v0 =	vld [tilespmem:s18+$0x400]  }
0x26: {  	v1 =	vld [tilespmem:s18+$0x600];
	_ =	sdelay $0x1  }
0x27: {  	v2 =	vld [tilespmem:s18+$0x800];
	_ =	sdelay $0x2  }
0x28: {  	s19 =	simm.s32 $0x10;
	v1 =	vadd.f32 v1, v0  }
0x29: {  	v0 =	vld [tilespmem:s19+$0x400]  }
0x2a: {  	v3 =	vadd.f32 v2, v1;
	v2 =	vld [tilespmem:s19+$0x600];
	_ =	sdelay $0x1  }
0x2b: {  	v1 =	vld [tilespmem:s19+$0x800]  }
0x2c: {  	s20 =	simm.s32 $0x80;
	v3 =	vadd.f32 $3.500000000e+00, v3  }
.LBB2_2:
0x2d: {  	s21 =	sshra.s32 s20, $0x2;
	p0 =	sne.s32 s20, $0x7C0  }
.Ltmp0:
0x2e: {  	s20 =	sadd.s32 $0x40, s20;
	v4 =	vadd.f32 v2, v0;
	v0 =	vld [tilespmem:s21+$0x400];
	[tilespmem:s18+$0xA00] =	vst v3;
	(pc) =	sbr.rel @p0 .LBB2_2-.Ltmp0, $4  }
0x2f: {  	s18 =	smov.u32 s19;
	s19 =	smov.u32 s21;
	v2 =	vld [tilespmem:s21+$0x600]  }
0x30: {  	v3 =	vadd.f32 v1, v4  }
0x31: {  	v1 =	vld [tilespmem:s19+$0x800]  }
0x32: {  	v3 =	vadd.f32 $3.500000000e+00, v3  }
0x33: {  	_ = 	snop  }
0x34: {  	v0 =	vadd.f32 v2, v0;
	_ =	sdelay $0x1  }
0x35: {  	v0 =	vadd.f32 v1, v0;
	_ =	sdelay $0x1  }
0x36: {  	s17 =	sadd.s32 $0x1, s17;
	v0 =	vadd.f32 $3.500000000e+00, v0  }
0x37: {  	[tilespmem:s18+$0xA00] =	vst v3;
	p0 =	sne.s32 s17, s9  }
.Ltmp1:
0x38: {  	[tilespmem:s19+$0xA00] =	vst v0;
	(pc) =	sbr.rel @p0 .LBB2_1-.Ltmp1, $4  }
0x39: {  	[hbm4b:s8+s2] =	stream.linear.scatter [tilespmem:s16], [sflag:$0x2], $0x200, $0x38;
	[tilespmem:$0xC00] =	vst v63  }
0x3a: {  	_ =	swait.ge [sflag:s10], $0x200  }
0x3b: {  	[sflag:s10] =	ssyncset.done $0x0  }
0x3c: {  	[sflag:s10] =	ssyncadd.s32 $0xFFFFFE00  }
0x3d: {  	_ =	sfence.sel $0x180000  }
0x3e: {  	[bflag:$0x0] =	sbarrier.arrive $0xFFFF  }
0x3f: {  	p0 =	sne.s32 s1, $0x0;
	_ =	strace $0x9000004A  }
0x40: {  	s0 =	sadd.s32 @!p0 $0x100000, s0;
	[bflag:$0x2] =	sbarrier.arrive $0xFFFF  }
0x41: {  	[sflag:s0] =	ssyncadd.tile.s32 @!p0 $0x1;
	_ =	shalt  }
.Lfunc_end2:
_tile_overlayer_lowered:
.L_overlay_start_2:
0x42: {  	(tag) =	ssettag $0x2  }
0x43: {  	s0 =	rddreg [dreg:$0x0];
	s2 =	stileid.u32  }
0x44: {  	s1 =	rddreg [dreg:$0x1];
	p0 =	sne.s32 s2, $0x0  }
0x45: {  	s3 =	rddreg [dreg:$0x2];
	[bflag:$0x3] =	sbarrier.arrive $0xFFFF;
	s2 =	simm.s32 @!p0 $0x1C02  }
0x46: {  	[timem:s3], [sflag:s2] =	dma.local @!p0 [hbm:s0], s1  }
0x47: {  	s0 =	simm.s32 @!p0 $0x2  }
0x48: {  	_ =	swait.ge @!p0 [sflag:s0], s1  }
0x49: {  	s1 =	ssub.s32 @!p0 $0x0, s1;
	[sflag:s0] =	ssyncset.done @!p0 $0x0  }
0x4a: {  	[sflag:s0] =	ssyncadd.s32 @!p0 s1  }
0x4b: {  	[bflag:$0x3] =	sbarrier.arrive $0xFFFF  }
0x4c: {  	_ =	shalt  }

</sc_bundles>
